<compile_context>
chip_gen: v7x
topology: tpu7x:2x2x1
jax: 0.10.2.dev20260603
libtpu: 0.0.44.dev20260713+nightly
codegen_flags: <defaults>
</compile_context>

<pallas_src>
import jax
import jax.numpy as jnp
from jax import lax
from jax.experimental import pallas as pl
from jax.experimental.pallas import tpu as pltpu
from jax.experimental.pallas import tpu_sc as plsc

N = 10000
E = 320000
DM = 64
EMB = 128
F2 = 2 * DM

NC = 2
NS = 16
L = 16
NW = NC * NS
EW = E // NW
CF = 128
NF = EW // CF
NPAIR = NF // 2
TAIL = EW - NF * CF
TOFF = NF * CF
NGF = CF // L
NR = (N + 127) // 128
NP = NR * 128
SROWS = NP // NS

EPS = 1e-8

_mesh = plsc.VectorSubcoreMesh(core_axis_name="c", subcore_axis_name="s")
_sc_params = pltpu.CompilerParams(needs_layout_passes=False)


def _sigmoid(x):
    return 1.0 / (1.0 + jnp.exp(-x))


def _rc(idx):
    return lax.shift_right_logical(idx, 7), jnp.bitwise_and(idx, 127)


def _sc1_body(f01, srcr, dstr, nrm, idrows,
              s0o, s1o, inwo,
              ibs_a, ibd_a, ibs_b, ibd_b,
              rows_sa, rows_da, rows_sb, rows_db,
              n0_v, n1_v, inw0_v, inw1_v, sb_v, idr_v, tidx_v,
              inw0_sh, inw1_sh,
              sem_ga, sem_gb, sem_ia, sem_ib, sem_w):
    cid = lax.axis_index("c")
    sid = lax.axis_index("s")
    wid = sid * NC + cid
    base = wid * EW

    pltpu.sync_copy(nrm.at[0], n0_v)
    pltpu.sync_copy(nrm.at[1], n1_v)
    pltpu.sync_copy(idrows, idr_v)

    z16 = jnp.zeros((L,), jnp.float32)

    def zacc(j, carry):
        for cc in range(128 // L):
            inw0_v[j, pl.ds(cc * L, L)] = z16
            inw1_v[j, pl.ds(cc * L, L)] = z16
        return carry

    lax.fori_loop(0, NR, zacc, 0)

    @pl.when(sid == 0)
    def _():
        pltpu.sync_copy(inw0_v, inw0_sh)
        pltpu.sync_copy(inw1_v, inw1_sh)

    lane = lax.iota(jnp.int32, L)

    def compute_chunk(ibs, ibd, rows_s, rows_d, sbrow):

        def group(g, gcarry):
            def edge(j, ecarry):
                d0v, d1v = ecarry
                e = g * L + j
                a0 = rows_s[e, pl.ds(0, L)] * rows_d[e, pl.ds(0, L)]
                a0 = a0 + rows_s[e, pl.ds(L, L)] * rows_d[e, pl.ds(L, L)]
                a0 = a0 + rows_s[e, pl.ds(2 * L, L)] * rows_d[e, pl.ds(2 * L, L)]
                a0 = a0 + rows_s[e, pl.ds(3 * L, L)] * rows_d[e, pl.ds(3 * L, L)]
                a1 = rows_s[e, pl.ds(4 * L, L)] * rows_d[e, pl.ds(4 * L, L)]
                a1 = a1 + rows_s[e, pl.ds(5 * L, L)] * rows_d[e, pl.ds(5 * L, L)]
                a1 = a1 + rows_s[e, pl.ds(6 * L, L)] * rows_d[e, pl.ds(6 * L, L)]
                a1 = a1 + rows_s[e, pl.ds(7 * L, L)] * rows_d[e, pl.ds(7 * L, L)]
                m = lane == j
                d0v = jnp.where(m, jnp.sum(a0), d0v)
                d1v = jnp.where(m, jnp.sum(a1), d1v)
                return d0v, d1v

            z = jnp.zeros((L,), jnp.float32)
            d0, d1 = lax.fori_loop(0, L, edge, (z, z))

            i16s = ibs[pl.ds(g * L, L)]
            i16d = ibd[pl.ds(g * L, L)]
            rs, cs = _rc(i16s)
            rd, cd = _rc(i16d)
            nu0 = plsc.load_gather(n0_v, [rs, cs])
            nv0 = plsc.load_gather(n0_v, [rd, cd])
            nu1 = plsc.load_gather(n1_v, [rs, cs])
            nv1 = plsc.load_gather(n1_v, [rd, cd])
            sc0 = _sigmoid(_sigmoid(d0) / (nu0 * nv0 + EPS))
            sc1 = _sigmoid(_sigmoid(d1) / (nu1 * nv1 + EPS))
            sb_v[sbrow, pl.ds(g * L, L)] = sc0
            sb_v[sbrow + 1, pl.ds(g * L, L)] = sc1
            plsc.addupdate_scatter(inw0_v, [rd, cd], sc0)
            plsc.addupdate_scatter(inw1_v, [rd, cd], sc1)
            return gcarry

        lax.fori_loop(0, NGF, group, 0)

    def start_idx(i, ibs, ibd, sem):
        off = base + i * CF
        pltpu.async_copy(srcr.at[pl.ds(off, CF)], ibs, sem)
        pltpu.async_copy(dstr.at[pl.ds(off, CF)], ibd, sem)

    def wait_idx(ibs, ibd, sem):
        pltpu.make_async_copy(srcr.at[pl.ds(base, CF)], ibs, sem).wait()
        pltpu.make_async_copy(dstr.at[pl.ds(base, CF)], ibd, sem).wait()

    def start_gather(ibs, ibd, rows_s, rows_d, sem):
        pltpu.async_copy(f01.at[ibs], rows_s, sem)
        pltpu.async_copy(f01.at[ibd], rows_d, sem)

    def wait_gather(ibs, ibd, rows_s, rows_d, sem):
        pltpu.make_async_copy(f01.at[ibs], rows_s, sem).wait()
        pltpu.make_async_copy(f01.at[ibd], rows_d, sem).wait()

    def start_scores(i, sbrow):
        off = base + i * CF
        pltpu.async_copy(sb_v.at[sbrow], s0o.at[pl.ds(off, CF)], sem_w)
        pltpu.async_copy(sb_v.at[sbrow + 1], s1o.at[pl.ds(off, CF)], sem_w)

    def drain_scores():
        pltpu.make_async_copy(sb_v.at[0], s0o.at[pl.ds(base, CF)], sem_w).wait()
        pltpu.make_async_copy(sb_v.at[1], s1o.at[pl.ds(base, CF)], sem_w).wait()

    start_idx(0, ibs_a, ibd_a, sem_ia)
    wait_idx(ibs_a, ibd_a, sem_ia)
    start_gather(ibs_a, ibd_a, rows_sa, rows_da, sem_ga)
    start_idx(1, ibs_b, ibd_b, sem_ib)
    wait_idx(ibs_b, ibd_b, sem_ib)
    start_gather(ibs_b, ibd_b, rows_sb, rows_db, sem_gb)

    def pair(p, carry):
        wait_gather(ibs_a, ibd_a, rows_sa, rows_da, sem_ga)

        @pl.when(p > 0)
        def _():
            drain_scores()
        compute_chunk(ibs_a, ibd_a, rows_sa, rows_da, 0)
        start_scores(2 * p, 0)

        @pl.when(p < NPAIR - 1)
        def _():
            start_idx(2 * p + 2, ibs_a, ibd_a, sem_ia)
            wait_idx(ibs_a, ibd_a, sem_ia)
            start_gather(ibs_a, ibd_a, rows_sa, rows_da, sem_ga)

        wait_gather(ibs_b, ibd_b, rows_sb, rows_db, sem_gb)

        @pl.when(p > 0)
        def _():
            drain_scores()
        compute_chunk(ibs_b, ibd_b, rows_sb, rows_db, 2)
        start_scores(2 * p + 1, 2)

        @pl.when(p < NPAIR - 1)
        def _():
            start_idx(2 * p + 3, ibs_b, ibd_b, sem_ib)
            wait_idx(ibs_b, ibd_b, sem_ib)
            start_gather(ibs_b, ibd_b, rows_sb, rows_db, sem_gb)
        return carry

    lax.fori_loop(0, NPAIR, pair, 0)
    drain_scores()
    drain_scores()

    toff = base + TOFF
    pltpu.sync_copy(srcr.at[pl.ds(toff, TAIL)], tidx_v.at[0])
    pltpu.sync_copy(dstr.at[pl.ds(toff, TAIL)], tidx_v.at[1])
    pltpu.sync_copy(f01.at[tidx_v.at[0]], rows_sa.at[pl.ds(0, TAIL)])
    pltpu.sync_copy(f01.at[tidx_v.at[1]], rows_da.at[pl.ds(0, TAIL)])

    def tedge(j, ecarry):
        d0v, d1v = ecarry
        a0 = rows_sa[j, pl.ds(0, L)] * rows_da[j, pl.ds(0, L)]
        a0 = a0 + rows_sa[j, pl.ds(L, L)] * rows_da[j, pl.ds(L, L)]
        a0 = a0 + rows_sa[j, pl.ds(2 * L, L)] * rows_da[j, pl.ds(2 * L, L)]
        a0 = a0 + rows_sa[j, pl.ds(3 * L, L)] * rows_da[j, pl.ds(3 * L, L)]
        a1 = rows_sa[j, pl.ds(4 * L, L)] * rows_da[j, pl.ds(4 * L, L)]
        a1 = a1 + rows_sa[j, pl.ds(5 * L, L)] * rows_da[j, pl.ds(5 * L, L)]
        a1 = a1 + rows_sa[j, pl.ds(6 * L, L)] * rows_da[j, pl.ds(6 * L, L)]
        a1 = a1 + rows_sa[j, pl.ds(7 * L, L)] * rows_da[j, pl.ds(7 * L, L)]
        m = lane == j
        d0v = jnp.where(m, jnp.sum(a0), d0v)
        d1v = jnp.where(m, jnp.sum(a1), d1v)
        return d0v, d1v

    zt = jnp.zeros((L,), jnp.float32)
    d0, d1 = lax.fori_loop(0, TAIL, tedge, (zt, zt))
    i16s = tidx_v[0, pl.ds(0, L)]
    i16d = tidx_v[1, pl.ds(0, L)]
    rs, cs = _rc(i16s)
    rd, cd = _rc(i16d)
    nu0 = plsc.load_gather(n0_v, [rs, cs])
    nv0 = plsc.load_gather(n0_v, [rd, cd])
    nu1 = plsc.load_gather(n1_v, [rs, cs])
    nv1 = plsc.load_gather(n1_v, [rd, cd])
    sc0 = _sigmoid(_sigmoid(d0) / (nu0 * nv0 + EPS))
    sc1 = _sigmoid(_sigmoid(d1) / (nu1 * nv1 + EPS))
    sb_v[0, pl.ds(0, L)] = sc0
    sb_v[1, pl.ds(0, L)] = sc1
    plsc.addupdate_scatter(inw0_v, [rd, cd], sc0)
    plsc.addupdate_scatter(inw1_v, [rd, cd], sc1)
    pltpu.sync_copy(sb_v.at[0, pl.ds(0, TAIL)], s0o.at[pl.ds(toff, TAIL)])
    pltpu.sync_copy(sb_v.at[1, pl.ds(0, TAIL)], s1o.at[pl.ds(toff, TAIL)])

    plsc.subcore_barrier()
    pltpu.sync_copy(inw0_v, inw0_sh.at[idr_v], add=True)
    pltpu.sync_copy(inw1_v, inw1_sh.at[idr_v], add=True)
    plsc.subcore_barrier()

    @pl.when(sid == 0)
    def _():
        pltpu.sync_copy(inw0_sh, inwo.at[cid, 0])
        pltpu.sync_copy(inw1_sh, inwo.at[cid, 1])


_sc1 = pl.kernel(
    _sc1_body,
    out_type=[
        jax.ShapeDtypeStruct((E,), jnp.float32),
        jax.ShapeDtypeStruct((E,), jnp.float32),
        jax.ShapeDtypeStruct((NC, 2, NR, 128), jnp.float32),
    ],
    mesh=_mesh,
    compiler_params=_sc_params,
    scratch_types=[
        pltpu.VMEM((CF,), jnp.int32),
        pltpu.VMEM((CF,), jnp.int32),
        pltpu.VMEM((CF,), jnp.int32),
        pltpu.VMEM((CF,), jnp.int32),
        pltpu.VMEM((CF, F2), jnp.float32),
        pltpu.VMEM((CF, F2), jnp.float32),
        pltpu.VMEM((CF, F2), jnp.float32),
        pltpu.VMEM((CF, F2), jnp.float32),
        pltpu.VMEM((NR, 128), jnp.float32),
        pltpu.VMEM((NR, 128), jnp.float32),
        pltpu.VMEM((NR, 128), jnp.float32),
        pltpu.VMEM((NR, 128), jnp.float32),
        pltpu.VMEM((4, CF), jnp.float32),
        pltpu.VMEM((NR,), jnp.int32),
        pltpu.VMEM((2, L), jnp.int32),
        pltpu.VMEM_SHARED((NR, 128), jnp.float32),
        pltpu.VMEM_SHARED((NR, 128), jnp.float32),
        pltpu.SemaphoreType.DMA,
        pltpu.SemaphoreType.DMA,
        pltpu.SemaphoreType.DMA,
        pltpu.SemaphoreType.DMA,
        pltpu.SemaphoreType.DMA,
    ],
)


def _sc2_body(h, srcr, dstr, s0i, s1i, rn,
              outo,
              idxs_v, idxd_v, s0b_v, s1b_v, wb_v, rows_v, rn0_v, rn1_v, zb_v,
              out_sh):
    cid = lax.axis_index("c")
    sid = lax.axis_index("s")
    wid = sid * NC + cid
    base = wid * EW

    pltpu.sync_copy(rn.at[0], rn0_v)
    pltpu.sync_copy(rn.at[1], rn1_v)

    z16 = jnp.zeros((L,), jnp.float32)

    ZROWS = 104

    def zzb(j, carry):
        for cc in range(EMB // L):
            zb_v[j, pl.ds(cc * L, L)] = z16
        return carry

    lax.fori_loop(0, ZROWS, zzb, 0)
    myrow = sid * SROWS
    for p in range(6):
        pltpu.sync_copy(zb_v, out_sh.at[pl.ds(myrow + p * ZROWS, ZROWS)])
    pltpu.sync_copy(zb_v.at[pl.ds(0, 8)],
                    out_sh.at[pl.ds(myrow + 6 * ZROWS, 8)])
    plsc.subcore_barrier()

    C2 = 80
    NCHUNK2 = EW // C2
    NG2 = C2 // L

    def chunk(i, carry):
        off = base + i * C2
        pltpu.sync_copy(srcr.at[pl.ds(off, C2)], idxs_v)
        pltpu.sync_copy(dstr.at[pl.ds(off, C2)], idxd_v)
        pltpu.sync_copy(s0i.at[pl.ds(off, C2)], s0b_v)
        pltpu.sync_copy(s1i.at[pl.ds(off, C2)], s1b_v)
        pltpu.sync_copy(h.at[idxs_v], rows_v)

        def group(g, gcarry):
            i16s = idxs_v[pl.ds(g * L, L)]
            i16d = idxd_v[pl.ds(g * L, L)]
            rs, cs = _rc(i16s)
            rd, cd = _rc(i16d)
            w = (s0b_v[pl.ds(g * L, L)]
                 * plsc.load_gather(rn0_v, [rs, cs])
                 * plsc.load_gather(rn0_v, [rd, cd])
                 + s1b_v[pl.ds(g * L, L)]
                 * plsc.load_gather(rn1_v, [rs, cs])
                 * plsc.load_gather(rn1_v, [rd, cd]))
            wb_v[pl.ds(g * L, L)] = w
            return gcarry

        lax.fori_loop(0, NG2, group, 0)

        def edge(j, ecarry):
            wj = wb_v[pl.ds(j, L)][0]
            for cc in range(EMB // L):
                rows_v[j, pl.ds(cc * L, L)] = rows_v[j, pl.ds(cc * L, L)] * wj
            return ecarry

        lax.fori_loop(0, C2, edge, 0)

        pltpu.sync_copy(rows_v, out_sh.at[idxd_v], add=True)
        return carry

    lax.fori_loop(0, NCHUNK2, chunk, 0)

    plsc.subcore_barrier()
    pltpu.sync_copy(out_sh.at[pl.ds(myrow, SROWS)],
                    outo.at[cid, pl.ds(myrow, SROWS)])


_sc2 = pl.kernel(
    _sc2_body,
    out_type=jax.ShapeDtypeStruct((NC, NP, EMB), jnp.float32),
    mesh=_mesh,
    compiler_params=_sc_params,
    scratch_types=[
        pltpu.VMEM((80,), jnp.int32),
        pltpu.VMEM((80,), jnp.int32),
        pltpu.VMEM((80,), jnp.float32),
        pltpu.VMEM((80,), jnp.float32),
        pltpu.VMEM((80 + L,), jnp.float32),
        pltpu.VMEM((80, EMB), jnp.float32),
        pltpu.VMEM((NR, 128), jnp.float32),
        pltpu.VMEM((NR, 128), jnp.float32),
        pltpu.VMEM((104, EMB), jnp.float32),
        pltpu.VMEM_SHARED((NP, EMB), jnp.float32),
    ],
)


def _tca_body(f01_ref, wt_ref, b_ref, emb_ref, av_ref, h_ref, nmat_ref):
    x = f01_ref[...] * av_ref[...]
    h_ref[...] = (jnp.dot(x, wt_ref[...], preferred_element_type=jnp.float32)
                  + b_ref[...] + emb_ref[...])
    sq = f01_ref[...] * f01_ref[...]
    n0 = jnp.sqrt(jnp.sum(sq[:, :DM], axis=1, keepdims=True))
    n1 = jnp.sqrt(jnp.sum(sq[:, DM:], axis=1, keepdims=True))
    nmat_ref[...] = jnp.concatenate([n0, n1], axis=1)


def _tcb_body(inwp_ref, carr_ref, rn_ref):
    t = inwp_ref[0] + inwp_ref[1] + EPS
    rn_ref[...] = lax.rsqrt(t) * carr_ref[:, 0:1]


def _tcc_body(p_ref, o_ref):
    o_ref[...] = p_ref[0, :N, :] + p_ref[1, :N, :]


def kernel(f0, f1, item_emb, W, b, alphas, edge_index, k):
    alph = jax.nn.softmax(alphas, axis=0)
    a0 = alph[0]
    a1 = alph[1]

    f01 = jnp.concatenate([f0, f1], axis=1)
    src = edge_index[0]
    dst = edge_index[1]
    wt = W.T
    b2 = b.reshape(1, EMB)
    avec = jnp.concatenate([jnp.full((1, DM), a0, jnp.float32),
                            jnp.full((1, DM), a1, jnp.float32)], axis=1)

    h, nmat = pl.pallas_call(
        _tca_body,
        out_shape=[
            jax.ShapeDtypeStruct((N, EMB), jnp.float32),
            jax.ShapeDtypeStruct((N, 2), jnp.float32),
        ],
    )(f01, wt, b2, item_emb, avec)

    nrm = jnp.pad(nmat.T, ((0, 0), (0, NP - N))).reshape(2, NR, 128)

    idrows = jnp.arange(NR, dtype=jnp.int32)

    s0, s1, inwp = _sc1(f01, src, dst, nrm, idrows)

    inw2 = inwp.reshape(NC, 2, NP)
    kf = jnp.float32(k)
    carr = jnp.tile(jnp.stack([jnp.sqrt(a0 / kf), jnp.sqrt(a1 / kf)])[:, None],
                    (1, EMB))

    rn = pl.pallas_call(
        _tcb_body,
        out_shape=jax.ShapeDtypeStruct((2, NP), jnp.float32),
    )(inw2, carr)

    outp = _sc2(h, src, dst, s0, s1, rn.reshape(2, NR, 128))

    out = pl.pallas_call(
        _tcc_body,
        out_shape=jax.ShapeDtypeStruct((N, EMB), jnp.float32),
    )(outp)
    return out

# --- scband reference (transcript-rebuilt; emitter-appended) ---
"""Pipeline reference for scband-graph-71854802862656 (READ-ONLY COPY).

The authoritative reference and input builder live on the scoring server;
editing this copy changes nothing except your own understanding.
"""

import jax, jax.numpy as jnp
import numpy as np

N = 10000
E = 320000
D_MODAL = 64
EMB = 128

def setup_inputs(seed: int = 0) -> dict:
    key = jax.random.key(seed)
    ks = jax.random.split(key, 8)
    f0 = jax.random.normal(ks[0], (N, D_MODAL), dtype=jnp.float32)
    f1 = jax.random.normal(ks[1], (N, D_MODAL), dtype=jnp.float32)
    item_emb = jax.random.normal(ks[2], (N, EMB), dtype=jnp.float32)
    W = jax.random.normal(ks[3], (EMB, 2 * D_MODAL), dtype=jnp.float32) * 0.02
    b = jax.random.normal(ks[4], (EMB,), dtype=jnp.float32) * 0.02
    alphas = jax.random.normal(ks[5], (2,), dtype=jnp.float32)
    edge_index = jax.random.randint(ks[6], (2, E), 0, N, dtype=jnp.int32)
    return {"f0": f0, "f1": f1, "item_emb": item_emb, "W": W, "b": b, "alphas": alphas, "edge_index": edge_index, "k": 3}


def _modal_edge_weight(f, src, dst, n_nodes):
    # _edge_weight_fn: sigmoid(sigmoid(dot) / (|u||v| + eps))
    fs = jnp.take(f, src, axis=0)
    fd = jnp.take(f, dst, axis=0)
    dot = jnp.sum(fs * fd, axis=1)
    norm_u = jnp.sqrt(jnp.sum(fs * fs, axis=1))
    norm_v = jnp.sqrt(jnp.sum(fd * fd, axis=1))
    eps = 1e-08
    score = jax.nn.sigmoid(jax.nn.sigmoid(dot) / (norm_u * norm_v + eps))
    # _norm: symmetric degree normalization by summed incoming edge weight
    in_w = jax.ops.segment_sum(score, dst, num_segments=n_nodes)
    w = score / (jnp.sqrt(jnp.take(in_w, src) + eps) * jnp.sqrt(jnp.take(in_w, dst) + eps))
    return w


def reference(f0, f1, item_emb, W, b, alphas, edge_index, k):
    src = edge_index[0]
    dst = edge_index[1]
    n_nodes = f0.shape[0]
    # creat_feature_weight: per-modal edge weights stacked -> combined by softmax(alphas) (func_train)
    alph = jax.nn.softmax(alphas, axis=0)
    s0 = _modal_edge_weight(f0, src, dst, n_nodes)
    s1 = _modal_edge_weight(f1, src, dst, n_nodes)
    s = jnp.stack([s0, s1], axis=1)
    w = jnp.sum(s * alph[None, :], axis=1)
    # func_train: feats = trans(concat(feat_i * alpha_i)); h = feats + item_emb
    feats = jnp.concatenate([f0 * alph[0], f1 * alph[1]], axis=1) @ W.T + b
    h = feats + item_emb
    # update_all(u_mul_e, sum) / k  (reduce_func)
    msg = jnp.take(h, src, axis=0) * w[:, None]
    out = jax.ops.segment_sum(msg, dst, num_segments=n_nodes) / k
    return out

if __name__ == "__main__":
    import jax
    _d = setup_inputs()
    print(jax.jit(kernel)(*tuple(_d.values())))

</pallas_src>

<mosaic_0001>
#map = affine_map<(d0, d1) -> (0, 0)>
#map1 = affine_map<(d0, d1) -> (0)>
#map2 = affine_map<(d0, d1) -> (0, 0, 0)>
#map3 = affine_map<(d0, d1) -> (0, 0, 0, 0)>
module attributes {stable_mosaic.version = 14 : i64} {
  func.func @_sc1_body(%arg0: i32, %arg1: i32, %arg2: memref<10000x128xf32, #tpu.memory_space<hbm>>, %arg3: memref<320000xi32, #tpu.memory_space<hbm>>, %arg4: memref<320000xi32, #tpu.memory_space<hbm>>, %arg5: memref<2x79x128xf32, #tpu.memory_space<hbm>>, %arg6: memref<79xi32, #tpu.memory_space<hbm>>, %arg7: memref<320000xf32, #tpu.memory_space<hbm>>, %arg8: memref<320000xf32, #tpu.memory_space<hbm>>, %arg9: memref<2x2x79x128xf32, #tpu.memory_space<hbm>>, %arg10: memref<128xi32, #tpu.memory_space<vmem>>, %arg11: memref<128xi32, #tpu.memory_space<vmem>>, %arg12: memref<128xi32, #tpu.memory_space<vmem>>, %arg13: memref<128xi32, #tpu.memory_space<vmem>>, %arg14: memref<128x128xf32, #tpu.memory_space<vmem>>, %arg15: memref<128x128xf32, #tpu.memory_space<vmem>>, %arg16: memref<128x128xf32, #tpu.memory_space<vmem>>, %arg17: memref<128x128xf32, #tpu.memory_space<vmem>>, %arg18: memref<79x128xf32, #tpu.memory_space<vmem>>, %arg19: memref<79x128xf32, #tpu.memory_space<vmem>>, %arg20: memref<79x128xf32, #tpu.memory_space<vmem>>, %arg21: memref<79x128xf32, #tpu.memory_space<vmem>>, %arg22: memref<4x128xf32, #tpu.memory_space<vmem>>, %arg23: memref<79xi32, #tpu.memory_space<vmem>>, %arg24: memref<2x16xi32, #tpu.memory_space<vmem>>, %arg25: memref<79x128xf32, #tpu.memory_space<vmem_shared>>, %arg26: memref<79x128xf32, #tpu.memory_space<vmem_shared>>, %arg27: memref<!tpu.dma_semaphore, #tpu.memory_space<semaphore_mem>>, %arg28: memref<!tpu.dma_semaphore, #tpu.memory_space<semaphore_mem>>, %arg29: memref<!tpu.dma_semaphore, #tpu.memory_space<semaphore_mem>>, %arg30: memref<!tpu.dma_semaphore, #tpu.memory_space<semaphore_mem>>, %arg31: memref<!tpu.dma_semaphore, #tpu.memory_space<semaphore_mem>>) attributes {dimension_semantics = [#tpu.dimension_semantics<core_parallel>, #tpu.dimension_semantics<subcore_parallel>], iteration_bounds = array<i64: 2, 16>, scalar_prefetch = 0 : i64, scratch_operands = 22 : i64, tpu.core_type = #tpu.core_type<sc_vector_subcore>, window_params = [{transform_indices = #map}, {transform_indices = #map1}, {transform_indices = #map1}, {transform_indices = #map2}, {transform_indices = #map1}, {transform_indices = #map1}, {transform_indices = #map1}, {transform_indices = #map3}]} {
    %mul3A = arith.constant 2 : i32
    %mul3A_0 = arith.muli %arg1, %mul3A : i32
    %add3A = arith.addi %mul3A_0, %arg0 : i32
    %mul3A_1 = arith.constant 10000 : i32
    %mul3A_2 = arith.muli %add3A, %mul3A_1 : i32
    %run_scoped3A = arith.constant 0 : i32
    "tpu.region"() ({
      %run_scoped3A_180 = tpu.sem_alloc : memref<!tpu.dma_semaphore, #tpu.memory_space<semaphore_mem>>
      %dma_start3A_181 = arith.constant 0 : i32
      %dma_start3A_182 = arith.constant 0 : i32
      %dma_start3A_183 = tpu.memref_slice %arg5[%run_scoped3A, %dma_start3A_181, %dma_start3A_182] : memref<2x79x128xf32, #tpu.memory_space<hbm>> -> memref<1x79x128xf32, #tpu.memory_space<hbm>>
      %dma_start3A_184 = tpu.memref_squeeze %dma_start3A_183 : memref<1x79x128xf32, #tpu.memory_space<hbm>> -> memref<79x128xf32, #tpu.memory_space<hbm>>
      %dma_start3A_185 = arith.constant 0 : i32
      %dma_start3A_186 = arith.constant 0 : i32
      %dma_start3A_187 = tpu.memref_slice %arg5[%run_scoped3A, %dma_start3A_185, %dma_start3A_186] : memref<2x79x128xf32, #tpu.memory_space<hbm>> -> memref<1x79x128xf32, #tpu.memory_space<hbm>>
      %dma_start3A_188 = tpu.memref_squeeze %dma_start3A_187 : memref<1x79x128xf32, #tpu.memory_space<hbm>> -> memref<79x128xf32, #tpu.memory_space<hbm>>
      tpu.enqueue_dma source(%dma_start3A_188 : memref<79x128xf32, #tpu.memory_space<hbm>>) target(%arg18 : memref<79x128xf32, #tpu.memory_space<vmem>>) target_semaphore(%run_scoped3A_180 : memref<!tpu.dma_semaphore, #tpu.memory_space<semaphore_mem>>)
      %dma_wait3A_189 = arith.constant 0 : i32
      %dma_wait3A_190 = arith.constant 0 : i32
      %dma_wait3A_191 = tpu.memref_slice %arg5[%run_scoped3A, %dma_wait3A_189, %dma_wait3A_190] : memref<2x79x128xf32, #tpu.memory_space<hbm>> -> memref<1x79x128xf32, #tpu.memory_space<hbm>>
      %dma_wait3A_192 = tpu.memref_squeeze %dma_wait3A_191 : memref<1x79x128xf32, #tpu.memory_space<hbm>> -> memref<79x128xf32, #tpu.memory_space<hbm>>
      %dma_wait3A_193 = arith.constant 0 : i32
      %dma_wait3A_194 = arith.constant 0 : i32
      %dma_wait3A_195 = tpu.memref_slice %arg5[%run_scoped3A, %dma_wait3A_193, %dma_wait3A_194] : memref<2x79x128xf32, #tpu.memory_space<hbm>> -> memref<1x79x128xf32, #tpu.memory_space<hbm>>
      %dma_wait3A_196 = tpu.memref_squeeze %dma_wait3A_195 : memref<1x79x128xf32, #tpu.memory_space<hbm>> -> memref<79x128xf32, #tpu.memory_space<hbm>>
      tpu.wait_dma2 semaphore(%run_scoped3A_180 : memref<!tpu.dma_semaphore, #tpu.memory_space<semaphore_mem>>) src(%dma_wait3A_196 : memref<79x128xf32, #tpu.memory_space<hbm>>) dst(%arg18 : memref<79x128xf32, #tpu.memory_space<vmem>>)
      tpu.yield
    }) : () -> ()
    %run_scoped3A_3 = arith.constant 1 : i32
    "tpu.region"() ({
      %run_scoped3A_180 = tpu.sem_alloc : memref<!tpu.dma_semaphore, #tpu.memory_space<semaphore_mem>>
      %dma_start3A_181 = arith.constant 0 : i32
      %dma_start3A_182 = arith.constant 0 : i32
      %dma_start3A_183 = tpu.memref_slice %arg5[%run_scoped3A_3, %dma_start3A_181, %dma_start3A_182] : memref<2x79x128xf32, #tpu.memory_space<hbm>> -> memref<1x79x128xf32, #tpu.memory_space<hbm>>
      %dma_start3A_184 = tpu.memref_squeeze %dma_start3A_183 : memref<1x79x128xf32, #tpu.memory_space<hbm>> -> memref<79x128xf32, #tpu.memory_space<hbm>>
      %dma_start3A_185 = arith.constant 0 : i32
      %dma_start3A_186 = arith.constant 0 : i32
      %dma_start3A_187 = tpu.memref_slice %arg5[%run_scoped3A_3, %dma_start3A_185, %dma_start3A_186] : memref<2x79x128xf32, #tpu.memory_space<hbm>> -> memref<1x79x128xf32, #tpu.memory_space<hbm>>
      %dma_start3A_188 = tpu.memref_squeeze %dma_start3A_187 : memref<1x79x128xf32, #tpu.memory_space<hbm>> -> memref<79x128xf32, #tpu.memory_space<hbm>>
      tpu.enqueue_dma source(%dma_start3A_188 : memref<79x128xf32, #tpu.memory_space<hbm>>) target(%arg19 : memref<79x128xf32, #tpu.memory_space<vmem>>) target_semaphore(%run_scoped3A_180 : memref<!tpu.dma_semaphore, #tpu.memory_space<semaphore_mem>>)
      %dma_wait3A_189 = arith.constant 0 : i32
      %dma_wait3A_190 = arith.constant 0 : i32
      %dma_wait3A_191 = tpu.memref_slice %arg5[%run_scoped3A_3, %dma_wait3A_189, %dma_wait3A_190] : memref<2x79x128xf32, #tpu.memory_space<hbm>> -> memref<1x79x128xf32, #tpu.memory_space<hbm>>
      %dma_wait3A_192 = tpu.memref_squeeze %dma_wait3A_191 : memref<1x79x128xf32, #tpu.memory_space<hbm>> -> memref<79x128xf32, #tpu.memory_space<hbm>>
      %dma_wait3A_193 = arith.constant 0 : i32
      %dma_wait3A_194 = arith.constant 0 : i32
      %dma_wait3A_195 = tpu.memref_slice %arg5[%run_scoped3A_3, %dma_wait3A_193, %dma_wait3A_194] : memref<2x79x128xf32, #tpu.memory_space<hbm>> -> memref<1x79x128xf32, #tpu.memory_space<hbm>>
      %dma_wait3A_196 = tpu.memref_squeeze %dma_wait3A_195 : memref<1x79x128xf32, #tpu.memory_space<hbm>> -> memref<79x128xf32, #tpu.memory_space<hbm>>
      tpu.wait_dma2 semaphore(%run_scoped3A_180 : memref<!tpu.dma_semaphore, #tpu.memory_space<semaphore_mem>>) src(%dma_wait3A_196 : memref<79x128xf32, #tpu.memory_space<hbm>>) dst(%arg19 : memref<79x128xf32, #tpu.memory_space<vmem>>)
      tpu.yield
    }) : () -> ()
    "tpu.region"() ({
      %run_scoped3A_180 = tpu.sem_alloc : memref<!tpu.dma_semaphore, #tpu.memory_space<semaphore_mem>>
      tpu.enqueue_dma source(%arg6 : memref<79xi32, #tpu.memory_space<hbm>>) target(%arg23 : memref<79xi32, #tpu.memory_space<vmem>>) target_semaphore(%run_scoped3A_180 : memref<!tpu.dma_semaphore, #tpu.memory_space<semaphore_mem>>)
      tpu.wait_dma2 semaphore(%run_scoped3A_180 : memref<!tpu.dma_semaphore, #tpu.memory_space<semaphore_mem>>) src(%arg6 : memref<79xi32, #tpu.memory_space<hbm>>) dst(%arg23 : memref<79xi32, #tpu.memory_space<vmem>>)
      tpu.yield
    }) : () -> ()
    %broadcast_in_dim3A = arith.constant 0.000000e+00 : f32
    %broadcast_in_dim3A_4 = vector.broadcast %broadcast_in_dim3A : f32 to vector<16xf32>
    %scan3A = arith.constant 0 : i32
    %scan3A_5 = arith.constant 0 : i32
    %scan3A_6 = arith.constant 79 : i32
    %scan3A_7 = arith.addi %scan3A_5, %scan3A_6 : i32
    %scan3A_8 = arith.constant 1 : i32
    scf.for %scan3A_180 = %scan3A_5 to %scan3A_7 step %scan3A_8  : i32 {
      %swap3A_181 = arith.index_cast %scan3A_180 : i32 to index
      %swap3A_182 = arith.constant 0 : index
      %swap3A_183 = tpu.vector_load %arg20[%swap3A_181, %swap3A_182] {strides = array<i32>} : memref<79x128xf32, #tpu.memory_space<vmem>>, vector<16xf32>,
      tpu.vector_store %arg20[%swap3A_181, %swap3A_182], %broadcast_in_dim3A_4 {strides = array<i32>} : memref<79x128xf32, #tpu.memory_space<vmem>>, vector<16xf32>,
      %swap3A_184 = arith.index_cast %scan3A_180 : i32 to index
      %swap3A_185 = arith.constant 0 : index
      %swap3A_186 = tpu.vector_load %arg21[%swap3A_184, %swap3A_185] {strides = array<i32>} : memref<79x128xf32, #tpu.memory_space<vmem>>, vector<16xf32>,
      tpu.vector_store %arg21[%swap3A_184, %swap3A_185], %broadcast_in_dim3A_4 {strides = array<i32>} : memref<79x128xf32, #tpu.memory_space<vmem>>, vector<16xf32>,
      %swap3A_187 = arith.index_cast %scan3A_180 : i32 to index
      %swap3A_188 = arith.constant 16 : index
      %swap3A_189 = tpu.vector_load %arg20[%swap3A_187, %swap3A_188] {strides = array<i32>} : memref<79x128xf32, #tpu.memory_space<vmem>>, vector<16xf32>,
      tpu.vector_store %arg20[%swap3A_187, %swap3A_188], %broadcast_in_dim3A_4 {strides = array<i32>} : memref<79x128xf32, #tpu.memory_space<vmem>>, vector<16xf32>,
      %swap3A_190 = arith.index_cast %scan3A_180 : i32 to index
      %swap3A_191 = arith.constant 16 : index
      %swap3A_192 = tpu.vector_load %arg21[%swap3A_190, %swap3A_191] {strides = array<i32>} : memref<79x128xf32, #tpu.memory_space<vmem>>, vector<16xf32>,
      tpu.vector_store %arg21[%swap3A_190, %swap3A_191], %broadcast_in_dim3A_4 {strides = array<i32>} : memref<79x128xf32, #tpu.memory_space<vmem>>, vector<16xf32>,
      %swap3A_193 = arith.index_cast %scan3A_180 : i32 to index
      %swap3A_194 = arith.constant 32 : index
      %swap3A_195 = tpu.vector_load %arg20[%swap3A_193, %swap3A_194] {strides = array<i32>} : memref<79x128xf32, #tpu.memory_space<vmem>>, vector<16xf32>,
      tpu.vector_store %arg20[%swap3A_193, %swap3A_194], %broadcast_in_dim3A_4 {strides = array<i32>} : memref<79x128xf32, #tpu.memory_space<vmem>>, vector<16xf32>,
      %swap3A_196 = arith.index_cast %scan3A_180 : i32 to index
      %swap3A_197 = arith.constant 32 : index
      %swap3A_198 = tpu.vector_load %arg21[%swap3A_196, %swap3A_197] {strides = array<i32>} : memref<79x128xf32, #tpu.memory_space<vmem>>, vector<16xf32>,
      tpu.vector_store %arg21[%swap3A_196, %swap3A_197], %broadcast_in_dim3A_4 {strides = array<i32>} : memref<79x128xf32, #tpu.memory_space<vmem>>, vector<16xf32>,
      %swap3A_199 = arith.index_cast %scan3A_180 : i32 to index
      %swap3A_200 = arith.constant 48 : index
      %swap3A_201 = tpu.vector_load %arg20[%swap3A_199, %swap3A_200] {strides = array<i32>} : memref<79x128xf32, #tpu.memory_space<vmem>>, vector<16xf32>,
      tpu.vector_store %arg20[%swap3A_199, %swap3A_200], %broadcast_in_dim3A_4 {strides = array<i32>} : memref<79x128xf32, #tpu.memory_space<vmem>>, vector<16xf32>,
      %swap3A_202 = arith.index_cast %scan3A_180 : i32 to index
      %swap3A_203 = arith.constant 48 : index
      %swap3A_204 = tpu.vector_load %arg21[%swap3A_202, %swap3A_203] {strides = array<i32>} : memref<79x128xf32, #tpu.memory_space<vmem>>, vector<16xf32>,
      tpu.vector_store %arg21[%swap3A_202, %swap3A_203], %broadcast_in_dim3A_4 {strides = array<i32>} : memref<79x128xf32, #tpu.memory_space<vmem>>, vector<16xf32>,
      %swap3A_205 = arith.index_cast %scan3A_180 : i32 to index
      %swap3A_206 = arith.constant 64 : index
      %swap3A_207 = tpu.vector_load %arg20[%swap3A_205, %swap3A_206] {strides = array<i32>} : memref<79x128xf32, #tpu.memory_space<vmem>>, vector<16xf32>,
      tpu.vector_store %arg20[%swap3A_205, %swap3A_206], %broadcast_in_dim3A_4 {strides = array<i32>} : memref<79x128xf32, #tpu.memory_space<vmem>>, vector<16xf32>,
      %swap3A_208 = arith.index_cast %scan3A_180 : i32 to index
      %swap3A_209 = arith.constant 64 : index
      %swap3A_210 = tpu.vector_load %arg21[%swap3A_208, %swap3A_209] {strides = array<i32>} : memref<79x128xf32, #tpu.memory_space<vmem>>, vector<16xf32>,
      tpu.vector_store %arg21[%swap3A_208, %swap3A_209], %broadcast_in_dim3A_4 {strides = array<i32>} : memref<79x128xf32, #tpu.memory_space<vmem>>, vector<16xf32>,
      %swap3A_211 = arith.index_cast %scan3A_180 : i32 to index
      %swap3A_212 = arith.constant 80 : index
      %swap3A_213 = tpu.vector_load %arg20[%swap3A_211, %swap3A_212] {strides = array<i32>} : memref<79x128xf32, #tpu.memory_space<vmem>>, vector<16xf32>,
      tpu.vector_store %arg20[%swap3A_211, %swap3A_212], %broadcast_in_dim3A_4 {strides = array<i32>} : memref<79x128xf32, #tpu.memory_space<vmem>>, vector<16xf32>,
      %swap3A_214 = arith.index_cast %scan3A_180 : i32 to index
      %swap3A_215 = arith.constant 80 : index
      %swap3A_216 = tpu.vector_load %arg21[%swap3A_214, %swap3A_215] {strides = array<i32>} : memref<79x128xf32, #tpu.memory_space<vmem>>, vector<16xf32>,
      tpu.vector_store %arg21[%swap3A_214, %swap3A_215], %broadcast_in_dim3A_4 {strides = array<i32>} : memref<79x128xf32, #tpu.memory_space<vmem>>, vector<16xf32>,
      %swap3A_217 = arith.index_cast %scan3A_180 : i32 to index
      %swap3A_218 = arith.constant 96 : index
      %swap3A_219 = tpu.vector_load %arg20[%swap3A_217, %swap3A_218] {strides = array<i32>} : memref<79x128xf32, #tpu.memory_space<vmem>>, vector<16xf32>,
      tpu.vector_store %arg20[%swap3A_217, %swap3A_218], %broadcast_in_dim3A_4 {strides = array<i32>} : memref<79x128xf32, #tpu.memory_space<vmem>>, vector<16xf32>,
      %swap3A_220 = arith.index_cast %scan3A_180 : i32 to index
      %swap3A_221 = arith.constant 96 : index
      %swap3A_222 = tpu.vector_load %arg21[%swap3A_220, %swap3A_221] {strides = array<i32>} : memref<79x128xf32, #tpu.memory_space<vmem>>, vector<16xf32>,
      tpu.vector_store %arg21[%swap3A_220, %swap3A_221], %broadcast_in_dim3A_4 {strides = array<i32>} : memref<79x128xf32, #tpu.memory_space<vmem>>, vector<16xf32>,
      %swap3A_223 = arith.index_cast %scan3A_180 : i32 to index
      %swap3A_224 = arith.constant 112 : index
      %swap3A_225 = tpu.vector_load %arg20[%swap3A_223, %swap3A_224] {strides = array<i32>} : memref<79x128xf32, #tpu.memory_space<vmem>>, vector<16xf32>,
      tpu.vector_store %arg20[%swap3A_223, %swap3A_224], %broadcast_in_dim3A_4 {strides = array<i32>} : memref<79x128xf32, #tpu.memory_space<vmem>>, vector<16xf32>,
      %swap3A_226 = arith.index_cast %scan3A_180 : i32 to index
      %swap3A_227 = arith.constant 112 : index
      %swap3A_228 = tpu.vector_load %arg21[%swap3A_226, %swap3A_227] {strides = array<i32>} : memref<79x128xf32, #tpu.memory_space<vmem>>, vector<16xf32>,
      tpu.vector_store %arg21[%swap3A_226, %swap3A_227], %broadcast_in_dim3A_4 {strides = array<i32>} : memref<79x128xf32, #tpu.memory_space<vmem>>, vector<16xf32>,
    }
    %scan3A_9 = arith.constant 79 : i32
    %eq3A = arith.constant 0 : i32
    %eq3A_10 = arith.cmpi eq, %arg1, %eq3A : i32
    %convert_element_type3A = arith.extui %eq3A_10 : i1 to i32
    %cond3A = arith.constant 0 : i32
    %cond3A_11 = arith.cmpi ne, %convert_element_type3A, %cond3A : i32
    scf.if %cond3A_11 {
      "tpu.region"() ({
        %run_scoped3A_180 = tpu.sem_alloc : memref<!tpu.dma_semaphore, #tpu.memory_space<semaphore_mem>>
        tpu.enqueue_dma source(%arg20 : memref<79x128xf32, #tpu.memory_space<vmem>>) target(%arg25 : memref<79x128xf32, #tpu.memory_space<vmem_shared>>) target_semaphore(%run_scoped3A_180 : memref<!tpu.dma_semaphore, #tpu.memory_space<semaphore_mem>>)
        tpu.wait_dma2 semaphore(%run_scoped3A_180 : memref<!tpu.dma_semaphore, #tpu.memory_space<semaphore_mem>>) src(%arg20 : memref<79x128xf32, #tpu.memory_space<vmem>>) dst(%arg25 : memref<79x128xf32, #tpu.memory_space<vmem_shared>>)
        tpu.yield
      }) : () -> ()
      "tpu.region"() ({
        %run_scoped3A_180 = tpu.sem_alloc : memref<!tpu.dma_semaphore, #tpu.memory_space<semaphore_mem>>
        tpu.enqueue_dma source(%arg21 : memref<79x128xf32, #tpu.memory_space<vmem>>) target(%arg26 : memref<79x128xf32, #tpu.memory_space<vmem_shared>>) target_semaphore(%run_scoped3A_180 : memref<!tpu.dma_semaphore, #tpu.memory_space<semaphore_mem>>)
        tpu.wait_dma2 semaphore(%run_scoped3A_180 : memref<!tpu.dma_semaphore, #tpu.memory_space<semaphore_mem>>) src(%arg21 : memref<79x128xf32, #tpu.memory_space<vmem>>) dst(%arg26 : memref<79x128xf32, #tpu.memory_space<vmem_shared>>)
        tpu.yield
      }) : () -> ()
    } else {
    }
    %iota3A = tpu.iota {dimensions = array<i32: 0>} : vector<16xi32>
    %add3A_12 = arith.constant 0 : i32
    %add3A_13 = arith.addi %mul3A_2, %add3A_12 : i32
    %dma_start3A = tpu.memref_slice %arg3[%add3A_13] : memref<320000xi32, #tpu.memory_space<hbm>> -> memref<128xi32, #tpu.memory_space<hbm>>
    %dma_start3A_14 = tpu.memref_slice %arg3[%add3A_13] : memref<320000xi32, #tpu.memory_space<hbm>> -> memref<128xi32, #tpu.memory_space<hbm>>
    tpu.enqueue_dma source(%dma_start3A_14 : memref<128xi32, #tpu.memory_space<hbm>>) target(%arg10 : memref<128xi32, #tpu.memory_space<vmem>>) target_semaphore(%arg29 : memref<!tpu.dma_semaphore, #tpu.memory_space<semaphore_mem>>)
    %dma_start3A_15 = tpu.memref_slice %arg4[%add3A_13] : memref<320000xi32, #tpu.memory_space<hbm>> -> memref<128xi32, #tpu.memory_space<hbm>>
    %dma_start3A_16 = tpu.memref_slice %arg4[%add3A_13] : memref<320000xi32, #tpu.memory_space<hbm>> -> memref<128xi32, #tpu.memory_space<hbm>>
    tpu.enqueue_dma source(%dma_start3A_16 : memref<128xi32, #tpu.memory_space<hbm>>) target(%arg11 : memref<128xi32, #tpu.memory_space<vmem>>) target_semaphore(%arg29 : memref<!tpu.dma_semaphore, #tpu.memory_space<semaphore_mem>>)
    %dma_wait3A = tpu.memref_slice %arg3[%mul3A_2] : memref<320000xi32, #tpu.memory_space<hbm>> -> memref<128xi32, #tpu.memory_space<hbm>>
    %dma_wait3A_17 = tpu.memref_slice %arg3[%mul3A_2] : memref<320000xi32, #tpu.memory_space<hbm>> -> memref<128xi32, #tpu.memory_space<hbm>>
    tpu.wait_dma2 semaphore(%arg29 : memref<!tpu.dma_semaphore, #tpu.memory_space<semaphore_mem>>) src(%dma_wait3A_17 : memref<128xi32, #tpu.memory_space<hbm>>) dst(%arg10 : memref<128xi32, #tpu.memory_space<vmem>>)
    %dma_wait3A_18 = tpu.memref_slice %arg4[%mul3A_2] : memref<320000xi32, #tpu.memory_space<hbm>> -> memref<128xi32, #tpu.memory_space<hbm>>
    %dma_wait3A_19 = tpu.memref_slice %arg4[%mul3A_2] : memref<320000xi32, #tpu.memory_space<hbm>> -> memref<128xi32, #tpu.memory_space<hbm>>
    tpu.wait_dma2 semaphore(%arg29 : memref<!tpu.dma_semaphore, #tpu.memory_space<semaphore_mem>>) src(%dma_wait3A_19 : memref<128xi32, #tpu.memory_space<hbm>>) dst(%arg11 : memref<128xi32, #tpu.memory_space<vmem>>)
    %dma_start3A_20 = arith.constant 0 : i32
    %dma_start3A_21 = arith.constant 0 : i32
    %dma_start3A_22 = tpu.memref_slice %arg2[%dma_start3A_20, %dma_start3A_21] : memref<10000x128xf32, #tpu.memory_space<hbm>> -> memref<10000x128xf32, #tpu.memory_space<hbm>>
    tpu.enqueue_indirect_dma source(%dma_start3A_22 : memref<10000x128xf32, #tpu.memory_space<hbm>>) target(%arg14 : memref<128x128xf32, #tpu.memory_space<vmem>>) offsets(%arg10 : memref<128xi32, #tpu.memory_space<vmem>>) semaphore(%arg27 : memref<!tpu.dma_semaphore, #tpu.memory_space<semaphore_mem>>)
    %dma_start3A_23 = arith.constant 0 : i32
    %dma_start3A_24 = arith.constant 0 : i32
    %dma_start3A_25 = tpu.memref_slice %arg2[%dma_start3A_23, %dma_start3A_24] : memref<10000x128xf32, #tpu.memory_space<hbm>> -> memref<10000x128xf32, #tpu.memory_space<hbm>>
    tpu.enqueue_indirect_dma source(%dma_start3A_25 : memref<10000x128xf32, #tpu.memory_space<hbm>>) target(%arg15 : memref<128x128xf32, #tpu.memory_space<vmem>>) offsets(%arg11 : memref<128xi32, #tpu.memory_space<vmem>>) semaphore(%arg27 : memref<!tpu.dma_semaphore, #tpu.memory_space<semaphore_mem>>)
    %add3A_26 = arith.constant 128 : i32
    %add3A_27 = arith.addi %mul3A_2, %add3A_26 : i32
    %dma_start3A_28 = tpu.memref_slice %arg3[%add3A_27] : memref<320000xi32, #tpu.memory_space<hbm>> -> memref<128xi32, #tpu.memory_space<hbm>>
    %dma_start3A_29 = tpu.memref_slice %arg3[%add3A_27] : memref<320000xi32, #tpu.memory_space<hbm>> -> memref<128xi32, #tpu.memory_space<hbm>>
    tpu.enqueue_dma source(%dma_start3A_29 : memref<128xi32, #tpu.memory_space<hbm>>) target(%arg12 : memref<128xi32, #tpu.memory_space<vmem>>) target_semaphore(%arg30 : memref<!tpu.dma_semaphore, #tpu.memory_space<semaphore_mem>>)
    %dma_start3A_30 = tpu.memref_slice %arg4[%add3A_27] : memref<320000xi32, #tpu.memory_space<hbm>> -> memref<128xi32, #tpu.memory_space<hbm>>
    %dma_start3A_31 = tpu.memref_slice %arg4[%add3A_27] : memref<320000xi32, #tpu.memory_space<hbm>> -> memref<128xi32, #tpu.memory_space<hbm>>
    tpu.enqueue_dma source(%dma_start3A_31 : memref<128xi32, #tpu.memory_space<hbm>>) target(%arg13 : memref<128xi32, #tpu.memory_space<vmem>>) target_semaphore(%arg30 : memref<!tpu.dma_semaphore, #tpu.memory_space<semaphore_mem>>)
    %dma_wait3A_32 = tpu.memref_slice %arg3[%mul3A_2] : memref<320000xi32, #tpu.memory_space<hbm>> -> memref<128xi32, #tpu.memory_space<hbm>>
    %dma_wait3A_33 = tpu.memref_slice %arg3[%mul3A_2] : memref<320000xi32, #tpu.memory_space<hbm>> -> memref<128xi32, #tpu.memory_space<hbm>>
    tpu.wait_dma2 semaphore(%arg30 : memref<!tpu.dma_semaphore, #tpu.memory_space<semaphore_mem>>) src(%dma_wait3A_33 : memref<128xi32, #tpu.memory_space<hbm>>) dst(%arg12 : memref<128xi32, #tpu.memory_space<vmem>>)
    %dma_wait3A_34 = tpu.memref_slice %arg4[%mul3A_2] : memref<320000xi32, #tpu.memory_space<hbm>> -> memref<128xi32, #tpu.memory_space<hbm>>
    %dma_wait3A_35 = tpu.memref_slice %arg4[%mul3A_2] : memref<320000xi32, #tpu.memory_space<hbm>> -> memref<128xi32, #tpu.memory_space<hbm>>
    tpu.wait_dma2 semaphore(%arg30 : memref<!tpu.dma_semaphore, #tpu.memory_space<semaphore_mem>>) src(%dma_wait3A_35 : memref<128xi32, #tpu.memory_space<hbm>>) dst(%arg13 : memref<128xi32, #tpu.memory_space<vmem>>)
    %dma_start3A_36 = arith.constant 0 : i32
    %dma_start3A_37 = arith.constant 0 : i32
    %dma_start3A_38 = tpu.memref_slice %arg2[%dma_start3A_36, %dma_start3A_37] : memref<10000x128xf32, #tpu.memory_space<hbm>> -> memref<10000x128xf32, #tpu.memory_space<hbm>>
    tpu.enqueue_indirect_dma source(%dma_start3A_38 : memref<10000x128xf32, #tpu.memory_space<hbm>>) target(%arg16 : memref<128x128xf32, #tpu.memory_space<vmem>>) offsets(%arg12 : memref<128xi32, #tpu.memory_space<vmem>>) semaphore(%arg28 : memref<!tpu.dma_semaphore, #tpu.memory_space<semaphore_mem>>)
    %dma_start3A_39 = arith.constant 0 : i32
    %dma_start3A_40 = arith.constant 0 : i32
    %dma_start3A_41 = tpu.memref_slice %arg2[%dma_start3A_39, %dma_start3A_40] : memref<10000x128xf32, #tpu.memory_space<hbm>> -> memref<10000x128xf32, #tpu.memory_space<hbm>>
    tpu.enqueue_indirect_dma source(%dma_start3A_41 : memref<10000x128xf32, #tpu.memory_space<hbm>>) target(%arg17 : memref<128x128xf32, #tpu.memory_space<vmem>>) offsets(%arg13 : memref<128xi32, #tpu.memory_space<vmem>>) semaphore(%arg28 : memref<!tpu.dma_semaphore, #tpu.memory_space<semaphore_mem>>)
    %scan3A_42 = arith.constant 0 : i32
    %scan3A_43 = arith.constant 0 : i32
    %scan3A_44 = arith.constant 39 : i32
    %scan3A_45 = arith.addi %scan3A_43, %scan3A_44 : i32
    %scan3A_46 = arith.constant 1 : i32
    scf.for %scan3A_180 = %scan3A_43 to %scan3A_45 step %scan3A_46  : i32 {
      %dma_wait3A_181 = arith.constant 0 : i32
      %dma_wait3A_182 = arith.constant 0 : i32
      %dma_wait3A_183 = tpu.memref_slice %arg2[%dma_wait3A_181, %dma_wait3A_182] : memref<10000x128xf32, #tpu.memory_space<hbm>> -> memref<10000x128xf32, #tpu.memory_space<hbm>>
      tpu.wait_indirect_dma semaphore(%arg27 : memref<!tpu.dma_semaphore, #tpu.memory_space<semaphore_mem>>) src(%dma_wait3A_183 : memref<10000x128xf32, #tpu.memory_space<hbm>>) dst(%arg14 : memref<128x128xf32, #tpu.memory_space<vmem>>)
      %dma_wait3A_184 = arith.constant 0 : i32
      %dma_wait3A_185 = arith.constant 0 : i32
      %dma_wait3A_186 = tpu.memref_slice %arg2[%dma_wait3A_184, %dma_wait3A_185] : memref<10000x128xf32, #tpu.memory_space<hbm>> -> memref<10000x128xf32, #tpu.memory_space<hbm>>
      tpu.wait_indirect_dma semaphore(%arg27 : memref<!tpu.dma_semaphore, #tpu.memory_space<semaphore_mem>>) src(%dma_wait3A_186 : memref<10000x128xf32, #tpu.memory_space<hbm>>) dst(%arg15 : memref<128x128xf32, #tpu.memory_space<vmem>>)
      %gt3A = arith.constant 0 : i32
      %gt3A_187 = arith.cmpi sgt, %scan3A_180, %gt3A : i32
      %convert_element_type3A_188 = arith.extui %gt3A_187 : i1 to i32
      %cond3A_189 = arith.constant 0 : i32
      %cond3A_190 = arith.cmpi ne, %convert_element_type3A_188, %cond3A_189 : i32
      scf.if %cond3A_190 {
        %dma_wait3A_271 = arith.constant 0 : i32
        %dma_wait3A_272 = arith.constant 0 : i32
        %dma_wait3A_273 = tpu.memref_slice %arg22[%dma_wait3A_271, %dma_wait3A_272] : memref<4x128xf32, #tpu.memory_space<vmem>> -> memref<1x128xf32, #tpu.memory_space<vmem>>
        %dma_wait3A_274 = tpu.memref_squeeze %dma_wait3A_273 : memref<1x128xf32, #tpu.memory_space<vmem>> -> memref<128xf32, #tpu.memory_space<vmem>>
        %dma_wait3A_275 = tpu.memref_slice %arg7[%mul3A_2] : memref<320000xf32, #tpu.memory_space<hbm>> -> memref<128xf32, #tpu.memory_space<hbm>>
        %dma_wait3A_276 = tpu.memref_slice %arg7[%mul3A_2] : memref<320000xf32, #tpu.memory_space<hbm>> -> memref<128xf32, #tpu.memory_space<hbm>>
        %dma_wait3A_277 = arith.constant 0 : i32
        %dma_wait3A_278 = tpu.memref_slice %arg22[%dma_wait3A_271, %dma_wait3A_277] : memref<4x128xf32, #tpu.memory_space<vmem>> -> memref<1x128xf32, #tpu.memory_space<vmem>>
        %dma_wait3A_279 = tpu.memref_squeeze %dma_wait3A_278 : memref<1x128xf32, #tpu.memory_space<vmem>> -> memref<128xf32, #tpu.memory_space<vmem>>
        tpu.wait_dma2 semaphore(%arg31 : memref<!tpu.dma_semaphore, #tpu.memory_space<semaphore_mem>>) src(%dma_wait3A_279 : memref<128xf32, #tpu.memory_space<vmem>>) dst(%dma_wait3A_276 : memref<128xf32, #tpu.memory_space<hbm>>)
        %dma_wait3A_280 = arith.constant 1 : i32
        %dma_wait3A_281 = arith.constant 0 : i32
        %dma_wait3A_282 = tpu.memref_slice %arg22[%dma_wait3A_280, %dma_wait3A_281] : memref<4x128xf32, #tpu.memory_space<vmem>> -> memref<1x128xf32, #tpu.memory_space<vmem>>
        %dma_wait3A_283 = tpu.memref_squeeze %dma_wait3A_282 : memref<1x128xf32, #tpu.memory_space<vmem>> -> memref<128xf32, #tpu.memory_space<vmem>>
        %dma_wait3A_284 = tpu.memref_slice %arg8[%mul3A_2] : memref<320000xf32, #tpu.memory_space<hbm>> -> memref<128xf32, #tpu.memory_space<hbm>>
        %dma_wait3A_285 = tpu.memref_slice %arg8[%mul3A_2] : memref<320000xf32, #tpu.memory_space<hbm>> -> memref<128xf32, #tpu.memory_space<hbm>>
        %dma_wait3A_286 = arith.constant 0 : i32
        %dma_wait3A_287 = tpu.memref_slice %arg22[%dma_wait3A_280, %dma_wait3A_286] : memref<4x128xf32, #tpu.memory_space<vmem>> -> memref<1x128xf32, #tpu.memory_space<vmem>>
        %dma_wait3A_288 = tpu.memref_squeeze %dma_wait3A_287 : memref<1x128xf32, #tpu.memory_space<vmem>> -> memref<128xf32, #tpu.memory_space<vmem>>
        tpu.wait_dma2 semaphore(%arg31 : memref<!tpu.dma_semaphore, #tpu.memory_space<semaphore_mem>>) src(%dma_wait3A_288 : memref<128xf32, #tpu.memory_space<vmem>>) dst(%dma_wait3A_285 : memref<128xf32, #tpu.memory_space<hbm>>)
      } else {
      }
      %scan3A_191 = arith.constant 0 : i32
      %scan3A_192 = arith.constant 0 : i32
      %scan3A_193 = arith.constant 8 : i32
      %scan3A_194 = arith.addi %scan3A_192, %scan3A_193 : i32
      %scan3A_195 = arith.constant 1 : i32
      scf.for %scan3A_271 = %scan3A_192 to %scan3A_194 step %scan3A_195  : i32 {
        %broadcast_in_dim3A_272 = arith.constant 0.000000e+00 : f32
        %broadcast_in_dim3A_273 = vector.broadcast %broadcast_in_dim3A_272 : f32 to vector<16xf32>
        %scan3A_274 = arith.constant 0 : i32
        %scan3A_275 = arith.constant 16 : i32
        %scan3A_276 = arith.addi %scan3A_274, %scan3A_275 : i32
        %scan3A_277 = arith.constant 1 : i32
        %scan3A_278:2 = scf.for %scan3A_366 = %scan3A_274 to %scan3A_276 step %scan3A_277 iter_args(%scan3A_367 = %broadcast_in_dim3A_273, %scan3A_368 = %broadcast_in_dim3A_273) -> (vector<16xf32>, vector<16xf32>)  : i32 {
          %mul3A_369 = arith.constant 16 : i32
          %mul3A_370 = arith.muli %scan3A_271, %mul3A_369 : i32
          %add3A_371 = arith.addi %mul3A_370, %scan3A_366 : i32
          %get3A_372 = arith.index_cast %add3A_371 : i32 to index
          %get3A_373 = arith.constant 0 : index
          %get3A_374 = tpu.vector_load %arg14[%get3A_372, %get3A_373] {strides = array<i32>} : memref<128x128xf32, #tpu.memory_space<vmem>>, vector<16xf32>,
          %get3A_375 = arith.index_cast %add3A_371 : i32 to index
          %get3A_376 = arith.constant 0 : index
          %get3A_377 = tpu.vector_load %arg15[%get3A_375, %get3A_376] {strides = array<i32>} : memref<128x128xf32, #tpu.memory_space<vmem>>, vector<16xf32>,
          %mul3A_378 = arith.mulf %get3A_374, %get3A_377 : vector<16xf32>
          %get3A_379 = arith.index_cast %add3A_371 : i32 to index
          %get3A_380 = arith.constant 16 : index
          %get3A_381 = tpu.vector_load %arg14[%get3A_379, %get3A_380] {strides = array<i32>} : memref<128x128xf32, #tpu.memory_space<vmem>>, vector<16xf32>,
          %get3A_382 = arith.index_cast %add3A_371 : i32 to index
          %get3A_383 = arith.constant 16 : index
          %get3A_384 = tpu.vector_load %arg15[%get3A_382, %get3A_383] {strides = array<i32>} : memref<128x128xf32, #tpu.memory_space<vmem>>, vector<16xf32>,
          %mul3A_385 = arith.mulf %get3A_381, %get3A_384 : vector<16xf32>
          %add3A_386 = arith.addf %mul3A_378, %mul3A_385 : vector<16xf32>
          %get3A_387 = arith.index_cast %add3A_371 : i32 to index
          %get3A_388 = arith.constant 32 : index
          %get3A_389 = tpu.vector_load %arg14[%get3A_387, %get3A_388] {strides = array<i32>} : memref<128x128xf32, #tpu.memory_space<vmem>>, vector<16xf32>,
          %get3A_390 = arith.index_cast %add3A_371 : i32 to index
          %get3A_391 = arith.constant 32 : index
          %get3A_392 = tpu.vector_load %arg15[%get3A_390, %get3A_391] {strides = array<i32>} : memref<128x128xf32, #tpu.memory_space<vmem>>, vector<16xf32>,
          %mul3A_393 = arith.mulf %get3A_389, %get3A_392 : vector<16xf32>
          %add3A_394 = arith.addf %add3A_386, %mul3A_393 : vector<16xf32>
          %get3A_395 = arith.index_cast %add3A_371 : i32 to index
          %get3A_396 = arith.constant 48 : index
          %get3A_397 = tpu.vector_load %arg14[%get3A_395, %get3A_396] {strides = array<i32>} : memref<128x128xf32, #tpu.memory_space<vmem>>, vector<16xf32>,
          %get3A_398 = arith.index_cast %add3A_371 : i32 to index
          %get3A_399 = arith.constant 48 : index
          %get3A_400 = tpu.vector_load %arg15[%get3A_398, %get3A_399] {strides = array<i32>} : memref<128x128xf32, #tpu.memory_space<vmem>>, vector<16xf32>,
          %mul3A_401 = arith.mulf %get3A_397, %get3A_400 : vector<16xf32>
          %add3A_402 = arith.addf %add3A_394, %mul3A_401 : vector<16xf32>
          %get3A_403 = arith.index_cast %add3A_371 : i32 to index
          %get3A_404 = arith.constant 64 : index
          %get3A_405 = tpu.vector_load %arg14[%get3A_403, %get3A_404] {strides = array<i32>} : memref<128x128xf32, #tpu.memory_space<vmem>>, vector<16xf32>,
          %get3A_406 = arith.index_cast %add3A_371 : i32 to index
          %get3A_407 = arith.constant 64 : index
          %get3A_408 = tpu.vector_load %arg15[%get3A_406, %get3A_407] {strides = array<i32>} : memref<128x128xf32, #tpu.memory_space<vmem>>, vector<16xf32>,
          %mul3A_409 = arith.mulf %get3A_405, %get3A_408 : vector<16xf32>
          %get3A_410 = arith.index_cast %add3A_371 : i32 to index
          %get3A_411 = arith.constant 80 : index
          %get3A_412 = tpu.vector_load %arg14[%get3A_410, %get3A_411] {strides = array<i32>} : memref<128x128xf32, #tpu.memory_space<vmem>>, vector<16xf32>,
          %get3A_413 = arith.index_cast %add3A_371 : i32 to index
          %get3A_414 = arith.constant 80 : index
          %get3A_415 = tpu.vector_load %arg15[%get3A_413, %get3A_414] {strides = array<i32>} : memref<128x128xf32, #tpu.memory_space<vmem>>, vector<16xf32>,
          %mul3A_416 = arith.mulf %get3A_412, %get3A_415 : vector<16xf32>
          %add3A_417 = arith.addf %mul3A_409, %mul3A_416 : vector<16xf32>
          %get3A_418 = arith.index_cast %add3A_371 : i32 to index
          %get3A_419 = arith.constant 96 : index
          %get3A_420 = tpu.vector_load %arg14[%get3A_418, %get3A_419] {strides = array<i32>} : memref<128x128xf32, #tpu.memory_space<vmem>>, vector<16xf32>,
          %get3A_421 = arith.index_cast %add3A_371 : i32 to index
          %get3A_422 = arith.constant 96 : index
          %get3A_423 = tpu.vector_load %arg15[%get3A_421, %get3A_422] {strides = array<i32>} : memref<128x128xf32, #tpu.memory_space<vmem>>, vector<16xf32>,
          %mul3A_424 = arith.mulf %get3A_420, %get3A_423 : vector<16xf32>
          %add3A_425 = arith.addf %add3A_417, %mul3A_424 : vector<16xf32>
          %get3A_426 = arith.index_cast %add3A_371 : i32 to index
          %get3A_427 = arith.constant 112 : index
          %get3A_428 = tpu.vector_load %arg14[%get3A_426, %get3A_427] {strides = array<i32>} : memref<128x128xf32, #tpu.memory_space<vmem>>, vector<16xf32>,
          %get3A_429 = arith.index_cast %add3A_371 : i32 to index
          %get3A_430 = arith.constant 112 : index
          %get3A_431 = tpu.vector_load %arg15[%get3A_429, %get3A_430] {strides = array<i32>} : memref<128x128xf32, #tpu.memory_space<vmem>>, vector<16xf32>,
          %mul3A_432 = arith.mulf %get3A_428, %get3A_431 : vector<16xf32>
          %add3A_433 = arith.addf %add3A_425, %mul3A_432 : vector<16xf32>
          %eq3A_434 = vector.broadcast %scan3A_366 : i32 to vector<16xi32>
          %eq3A_435 = arith.cmpi eq, %iota3A, %eq3A_434 : vector<16xi32>
          %reduce_sum3A = arith.constant true
          %reduce_sum3A_436 = vector.broadcast %reduce_sum3A : i1 to vector<16xi1>
          %reduce_sum3A_437 = tpu.scan <sum>, %add3A_402 masked %reduce_sum3A_436 : vector<16xf32>, vector<16xi1> -> vector<16xf32>
          %reduce_sum3A_438 = vector.extract %reduce_sum3A_437[15] : f32 from vector<16xf32>
          %broadcast_in_dim3A_439 = vector.broadcast %reduce_sum3A_438 : f32 to vector<16xf32>
          %select_n3A = arith.select %eq3A_435, %broadcast_in_dim3A_439, %scan3A_367 : vector<16xi1>, vector<16xf32>
          %reduce_sum3A_440 = arith.constant true
          %reduce_sum3A_441 = vector.broadcast %reduce_sum3A_440 : i1 to vector<16xi1>
          %reduce_sum3A_442 = tpu.scan <sum>, %add3A_433 masked %reduce_sum3A_441 : vector<16xf32>, vector<16xi1> -> vector<16xf32>
          %reduce_sum3A_443 = vector.extract %reduce_sum3A_442[15] : f32 from vector<16xf32>
          %broadcast_in_dim3A_444 = vector.broadcast %reduce_sum3A_443 : f32 to vector<16xf32>
          %select_n3A_445 = arith.select %eq3A_435, %broadcast_in_dim3A_444, %scan3A_368 : vector<16xi1>, vector<16xf32>
          scf.yield %select_n3A, %select_n3A_445 : vector<16xf32>, vector<16xf32>
        }
        %scan3A_279 = arith.constant 16 : i32
        %mul3A_280 = arith.constant 16 : i32
        %mul3A_281 = arith.muli %scan3A_271, %mul3A_280 : i32
        %get3A_282 = arith.index_cast %mul3A_281 : i32 to index
        %get3A_283 = tpu.vector_load %arg10[%get3A_282] {strides = array<i32>} : memref<128xi32, #tpu.memory_space<vmem>>, vector<16xi32>,
        %mul3A_284 = arith.constant 16 : i32
        %mul3A_285 = arith.muli %scan3A_271, %mul3A_284 : i32
        %get3A_286 = arith.index_cast %mul3A_285 : i32 to index
        %get3A_287 = tpu.vector_load %arg11[%get3A_286] {strides = array<i32>} : memref<128xi32, #tpu.memory_space<vmem>>, vector<16xi32>,
        %shift_right_logical3A_288 = arith.constant 7 : i32
        %shift_right_logical3A_289 = vector.broadcast %shift_right_logical3A_288 : i32 to vector<16xi32>
        %shift_right_logical3A_290 = arith.shrui %get3A_283, %shift_right_logical3A_289 : vector<16xi32>
        %and3A_291 = arith.constant 127 : i32
        %and3A_292 = vector.broadcast %and3A_291 : i32 to vector<16xi32>
        %and3A_293 = arith.andi %get3A_283, %and3A_292 : vector<16xi32>
        %shift_right_logical3A_294 = arith.constant 7 : i32
        %shift_right_logical3A_295 = vector.broadcast %shift_right_logical3A_294 : i32 to vector<16xi32>
        %shift_right_logical3A_296 = arith.shrui %get3A_287, %shift_right_logical3A_295 : vector<16xi32>
        %and3A_297 = arith.constant 127 : i32
        %and3A_298 = vector.broadcast %and3A_297 : i32 to vector<16xi32>
        %and3A_299 = arith.andi %get3A_287, %and3A_298 : vector<16xi32>
        %gather3A_300 = tpu.vector_load_idx %arg18[%shift_right_logical3A_290, %and3A_293] : memref<79x128xf32, #tpu.memory_space<vmem>>[vector<16xi32>, vector<16xi32>], vector<16xf32>,
        %gather3A_301 = tpu.vector_load_idx %arg18[%shift_right_logical3A_296, %and3A_299] : memref<79x128xf32, #tpu.memory_space<vmem>>[vector<16xi32>, vector<16xi32>], vector<16xf32>,
        %gather3A_302 = tpu.vector_load_idx %arg19[%shift_right_logical3A_290, %and3A_293] : memref<79x128xf32, #tpu.memory_space<vmem>>[vector<16xi32>, vector<16xi32>], vector<16xf32>,
        %gather3A_303 = tpu.vector_load_idx %arg19[%shift_right_logical3A_296, %and3A_299] : memref<79x128xf32, #tpu.memory_space<vmem>>[vector<16xi32>, vector<16xi32>], vector<16xf32>,
        %neg3A_304 = arith.constant 0.000000e+00 : f32
        %neg3A_305 = vector.broadcast %neg3A_304 : f32 to vector<16xf32>
        %neg3A_306 = arith.subf %neg3A_305, %scan3A_278#0 : vector<16xf32>
        %exp3A_307 = math.exp %neg3A_306 : vector<16xf32>
        %add3A_308 = arith.constant 1.000000e+00 : f32
        %add3A_309 = vector.broadcast %add3A_308 : f32 to vector<16xf32>
        %add3A_310 = arith.addf %add3A_309, %exp3A_307 : vector<16xf32>
        %div3A_311 = arith.constant 1.000000e+00 : f32
        %div3A_312 = vector.broadcast %div3A_311 : f32 to vector<16xf32>
        %div3A_313 = arith.divf %div3A_312, %add3A_310 : vector<16xf32>
        %mul3A_314 = arith.mulf %gather3A_300, %gather3A_301 : vector<16xf32>
        %add3A_315 = arith.constant 9.99999993E-9 : f32
        %add3A_316 = vector.broadcast %add3A_315 : f32 to vector<16xf32>
        %add3A_317 = arith.addf %mul3A_314, %add3A_316 : vector<16xf32>
        %div3A_318 = arith.divf %div3A_313, %add3A_317 : vector<16xf32>
        %neg3A_319 = arith.constant 0.000000e+00 : f32
        %neg3A_320 = vector.broadcast %neg3A_319 : f32 to vector<16xf32>
        %neg3A_321 = arith.subf %neg3A_320, %div3A_318 : vector<16xf32>
        %exp3A_322 = math.exp %neg3A_321 : vector<16xf32>
        %add3A_323 = arith.constant 1.000000e+00 : f32
        %add3A_324 = vector.broadcast %add3A_323 : f32 to vector<16xf32>
        %add3A_325 = arith.addf %add3A_324, %exp3A_322 : vector<16xf32>
        %div3A_326 = arith.constant 1.000000e+00 : f32
        %div3A_327 = vector.broadcast %div3A_326 : f32 to vector<16xf32>
        %div3A_328 = arith.divf %div3A_327, %add3A_325 : vector<16xf32>
        %neg3A_329 = arith.constant 0.000000e+00 : f32
        %neg3A_330 = vector.broadcast %neg3A_329 : f32 to vector<16xf32>
        %neg3A_331 = arith.subf %neg3A_330, %scan3A_278#1 : vector<16xf32>
        %exp3A_332 = math.exp %neg3A_331 : vector<16xf32>
        %add3A_333 = arith.constant 1.000000e+00 : f32
        %add3A_334 = vector.broadcast %add3A_333 : f32 to vector<16xf32>
        %add3A_335 = arith.addf %add3A_334, %exp3A_332 : vector<16xf32>
        %div3A_336 = arith.constant 1.000000e+00 : f32
        %div3A_337 = vector.broadcast %div3A_336 : f32 to vector<16xf32>
        %div3A_338 = arith.divf %div3A_337, %add3A_335 : vector<16xf32>
        %mul3A_339 = arith.mulf %gather3A_302, %gather3A_303 : vector<16xf32>
        %add3A_340 = arith.constant 9.99999993E-9 : f32
        %add3A_341 = vector.broadcast %add3A_340 : f32 to vector<16xf32>
        %add3A_342 = arith.addf %mul3A_339, %add3A_341 : vector<16xf32>
        %div3A_343 = arith.divf %div3A_338, %add3A_342 : vector<16xf32>
        %neg3A_344 = arith.constant 0.000000e+00 : f32
        %neg3A_345 = vector.broadcast %neg3A_344 : f32 to vector<16xf32>
        %neg3A_346 = arith.subf %neg3A_345, %div3A_343 : vector<16xf32>
        %exp3A_347 = math.exp %neg3A_346 : vector<16xf32>
        %add3A_348 = arith.constant 1.000000e+00 : f32
        %add3A_349 = vector.broadcast %add3A_348 : f32 to vector<16xf32>
        %add3A_350 = arith.addf %add3A_349, %exp3A_347 : vector<16xf32>
        %div3A_351 = arith.constant 1.000000e+00 : f32
        %div3A_352 = vector.broadcast %div3A_351 : f32 to vector<16xf32>
        %div3A_353 = arith.divf %div3A_352, %add3A_350 : vector<16xf32>
        %mul3A_354 = arith.constant 16 : i32
        %mul3A_355 = arith.muli %scan3A_271, %mul3A_354 : i32
        %swap3A_356 = arith.constant 0 : i32
        %swap3A_357 = arith.index_cast %swap3A_356 : i32 to index
        %swap3A_358 = arith.index_cast %mul3A_355 : i32 to index
        %swap3A_359 = tpu.vector_load %arg22[%swap3A_357, %swap3A_358] {strides = array<i32>} : memref<4x128xf32, #tpu.memory_space<vmem>>, vector<16xf32>,
        tpu.vector_store %arg22[%swap3A_357, %swap3A_358], %div3A_328 {strides = array<i32>} : memref<4x128xf32, #tpu.memory_space<vmem>>, vector<16xf32>,
        %mul3A_360 = arith.constant 16 : i32
        %mul3A_361 = arith.muli %scan3A_271, %mul3A_360 : i32
        %swap3A_362 = arith.constant 1 : i32
        %swap3A_363 = arith.index_cast %swap3A_362 : i32 to index
        %swap3A_364 = arith.index_cast %mul3A_361 : i32 to index
        %swap3A_365 = tpu.vector_load %arg22[%swap3A_363, %swap3A_364] {strides = array<i32>} : memref<4x128xf32, #tpu.memory_space<vmem>>, vector<16xf32>,
        tpu.vector_store %arg22[%swap3A_363, %swap3A_364], %div3A_353 {strides = array<i32>} : memref<4x128xf32, #tpu.memory_space<vmem>>, vector<16xf32>,
        tpu.vector_store_idx %arg20[%shift_right_logical3A_296, %and3A_299], %div3A_328 {add = true} : memref<79x128xf32, #tpu.memory_space<vmem>>[vector<16xi32>, vector<16xi32>], vector<16xf32>,
        tpu.vector_store_idx %arg21[%shift_right_logical3A_296, %and3A_299], %div3A_353 {add = true} : memref<79x128xf32, #tpu.memory_space<vmem>>[vector<16xi32>, vector<16xi32>], vector<16xf32>,
      }
      %scan3A_196 = arith.constant 8 : i32
      %mul3A_197 = arith.constant 2 : i32
      %mul3A_198 = arith.muli %mul3A_197, %scan3A_180 : i32
      %mul3A_199 = arith.constant 128 : i32
      %mul3A_200 = arith.muli %mul3A_198, %mul3A_199 : i32
      %add3A_201 = arith.addi %mul3A_2, %mul3A_200 : i32
      %dma_start3A_202 = arith.constant 0 : i32
      %dma_start3A_203 = arith.constant 0 : i32
      %dma_start3A_204 = tpu.memref_slice %arg22[%dma_start3A_202, %dma_start3A_203] : memref<4x128xf32, #tpu.memory_space<vmem>> -> memref<1x128xf32, #tpu.memory_space<vmem>>
      %dma_start3A_205 = tpu.memref_squeeze %dma_start3A_204 : memref<1x128xf32, #tpu.memory_space<vmem>> -> memref<128xf32, #tpu.memory_space<vmem>>
      %dma_start3A_206 = tpu.memref_slice %arg7[%add3A_201] : memref<320000xf32, #tpu.memory_space<hbm>> -> memref<128xf32, #tpu.memory_space<hbm>>
      %dma_start3A_207 = tpu.memref_slice %arg7[%add3A_201] : memref<320000xf32, #tpu.memory_space<hbm>> -> memref<128xf32, #tpu.memory_space<hbm>>
      %dma_start3A_208 = arith.constant 0 : i32
      %dma_start3A_209 = tpu.memref_slice %arg22[%dma_start3A_202, %dma_start3A_208] : memref<4x128xf32, #tpu.memory_space<vmem>> -> memref<1x128xf32, #tpu.memory_space<vmem>>
      %dma_start3A_210 = tpu.memref_squeeze %dma_start3A_209 : memref<1x128xf32, #tpu.memory_space<vmem>> -> memref<128xf32, #tpu.memory_space<vmem>>
      tpu.enqueue_dma source(%dma_start3A_210 : memref<128xf32, #tpu.memory_space<vmem>>) target(%dma_start3A_207 : memref<128xf32, #tpu.memory_space<hbm>>) target_semaphore(%arg31 : memref<!tpu.dma_semaphore, #tpu.memory_space<semaphore_mem>>)
      %dma_start3A_211 = arith.constant 1 : i32
      %dma_start3A_212 = arith.constant 0 : i32
      %dma_start3A_213 = tpu.memref_slice %arg22[%dma_start3A_211, %dma_start3A_212] : memref<4x128xf32, #tpu.memory_space<vmem>> -> memref<1x128xf32, #tpu.memory_space<vmem>>
      %dma_start3A_214 = tpu.memref_squeeze %dma_start3A_213 : memref<1x128xf32, #tpu.memory_space<vmem>> -> memref<128xf32, #tpu.memory_space<vmem>>
      %dma_start3A_215 = tpu.memref_slice %arg8[%add3A_201] : memref<320000xf32, #tpu.memory_space<hbm>> -> memref<128xf32, #tpu.memory_space<hbm>>
      %dma_start3A_216 = tpu.memref_slice %arg8[%add3A_201] : memref<320000xf32, #tpu.memory_space<hbm>> -> memref<128xf32, #tpu.memory_space<hbm>>
      %dma_start3A_217 = arith.constant 0 : i32
      %dma_start3A_218 = tpu.memref_slice %arg22[%dma_start3A_211, %dma_start3A_217] : memref<4x128xf32, #tpu.memory_space<vmem>> -> memref<1x128xf32, #tpu.memory_space<vmem>>
      %dma_start3A_219 = tpu.memref_squeeze %dma_start3A_218 : memref<1x128xf32, #tpu.memory_space<vmem>> -> memref<128xf32, #tpu.memory_space<vmem>>
      tpu.enqueue_dma source(%dma_start3A_219 : memref<128xf32, #tpu.memory_space<vmem>>) target(%dma_start3A_216 : memref<128xf32, #tpu.memory_space<hbm>>) target_semaphore(%arg31 : memref<!tpu.dma_semaphore, #tpu.memory_space<semaphore_mem>>)
      %lt3A = arith.constant 38 : i32
      %lt3A_220 = arith.cmpi slt, %scan3A_180, %lt3A : i32
      %convert_element_type3A_221 = arith.extui %lt3A_220 : i1 to i32
      %cond3A_222 = arith.constant 0 : i32
      %cond3A_223 = arith.cmpi ne, %convert_element_type3A_221, %cond3A_222 : i32
      scf.if %cond3A_223 {
        %mul3A_271 = arith.constant 2 : i32
        %mul3A_272 = arith.muli %mul3A_271, %scan3A_180 : i32
        %add3A_273 = arith.constant 2 : i32
        %add3A_274 = arith.addi %mul3A_272, %add3A_273 : i32
        %mul3A_275 = arith.constant 128 : i32
        %mul3A_276 = arith.muli %add3A_274, %mul3A_275 : i32
        %add3A_277 = arith.addi %mul3A_2, %mul3A_276 : i32
        %dma_start3A_278 = tpu.memref_slice %arg3[%add3A_277] : memref<320000xi32, #tpu.memory_space<hbm>> -> memref<128xi32, #tpu.memory_space<hbm>>
        %dma_start3A_279 = tpu.memref_slice %arg3[%add3A_277] : memref<320000xi32, #tpu.memory_space<hbm>> -> memref<128xi32, #tpu.memory_space<hbm>>
        tpu.enqueue_dma source(%dma_start3A_279 : memref<128xi32, #tpu.memory_space<hbm>>) target(%arg10 : memref<128xi32, #tpu.memory_space<vmem>>) target_semaphore(%arg29 : memref<!tpu.dma_semaphore, #tpu.memory_space<semaphore_mem>>)
        %dma_start3A_280 = tpu.memref_slice %arg4[%add3A_277] : memref<320000xi32, #tpu.memory_space<hbm>> -> memref<128xi32, #tpu.memory_space<hbm>>
        %dma_start3A_281 = tpu.memref_slice %arg4[%add3A_277] : memref<320000xi32, #tpu.memory_space<hbm>> -> memref<128xi32, #tpu.memory_space<hbm>>
        tpu.enqueue_dma source(%dma_start3A_281 : memref<128xi32, #tpu.memory_space<hbm>>) target(%arg11 : memref<128xi32, #tpu.memory_space<vmem>>) target_semaphore(%arg29 : memref<!tpu.dma_semaphore, #tpu.memory_space<semaphore_mem>>)
        %dma_wait3A_282 = tpu.memref_slice %arg3[%mul3A_2] : memref<320000xi32, #tpu.memory_space<hbm>> -> memref<128xi32, #tpu.memory_space<hbm>>
        %dma_wait3A_283 = tpu.memref_slice %arg3[%mul3A_2] : memref<320000xi32, #tpu.memory_space<hbm>> -> memref<128xi32, #tpu.memory_space<hbm>>
        tpu.wait_dma2 semaphore(%arg29 : memref<!tpu.dma_semaphore, #tpu.memory_space<semaphore_mem>>) src(%dma_wait3A_283 : memref<128xi32, #tpu.memory_space<hbm>>) dst(%arg10 : memref<128xi32, #tpu.memory_space<vmem>>)
        %dma_wait3A_284 = tpu.memref_slice %arg4[%mul3A_2] : memref<320000xi32, #tpu.memory_space<hbm>> -> memref<128xi32, #tpu.memory_space<hbm>>
        %dma_wait3A_285 = tpu.memref_slice %arg4[%mul3A_2] : memref<320000xi32, #tpu.memory_space<hbm>> -> memref<128xi32, #tpu.memory_space<hbm>>
        tpu.wait_dma2 semaphore(%arg29 : memref<!tpu.dma_semaphore, #tpu.memory_space<semaphore_mem>>) src(%dma_wait3A_285 : memref<128xi32, #tpu.memory_space<hbm>>) dst(%arg11 : memref<128xi32, #tpu.memory_space<vmem>>)
        %dma_start3A_286 = arith.constant 0 : i32
        %dma_start3A_287 = arith.constant 0 : i32
        %dma_start3A_288 = tpu.memref_slice %arg2[%dma_start3A_286, %dma_start3A_287] : memref<10000x128xf32, #tpu.memory_space<hbm>> -> memref<10000x128xf32, #tpu.memory_space<hbm>>
        tpu.enqueue_indirect_dma source(%dma_start3A_288 : memref<10000x128xf32, #tpu.memory_space<hbm>>) target(%arg14 : memref<128x128xf32, #tpu.memory_space<vmem>>) offsets(%arg10 : memref<128xi32, #tpu.memory_space<vmem>>) semaphore(%arg27 : memref<!tpu.dma_semaphore, #tpu.memory_space<semaphore_mem>>)
        %dma_start3A_289 = arith.constant 0 : i32
        %dma_start3A_290 = arith.constant 0 : i32
        %dma_start3A_291 = tpu.memref_slice %arg2[%dma_start3A_289, %dma_start3A_290] : memref<10000x128xf32, #tpu.memory_space<hbm>> -> memref<10000x128xf32, #tpu.memory_space<hbm>>
        tpu.enqueue_indirect_dma source(%dma_start3A_291 : memref<10000x128xf32, #tpu.memory_space<hbm>>) target(%arg15 : memref<128x128xf32, #tpu.memory_space<vmem>>) offsets(%arg11 : memref<128xi32, #tpu.memory_space<vmem>>) semaphore(%arg27 : memref<!tpu.dma_semaphore, #tpu.memory_space<semaphore_mem>>)
      } else {
      }
      %dma_wait3A_224 = arith.constant 0 : i32
      %dma_wait3A_225 = arith.constant 0 : i32
      %dma_wait3A_226 = tpu.memref_slice %arg2[%dma_wait3A_224, %dma_wait3A_225] : memref<10000x128xf32, #tpu.memory_space<hbm>> -> memref<10000x128xf32, #tpu.memory_space<hbm>>
      tpu.wait_indirect_dma semaphore(%arg28 : memref<!tpu.dma_semaphore, #tpu.memory_space<semaphore_mem>>) src(%dma_wait3A_226 : memref<10000x128xf32, #tpu.memory_space<hbm>>) dst(%arg16 : memref<128x128xf32, #tpu.memory_space<vmem>>)
      %dma_wait3A_227 = arith.constant 0 : i32
      %dma_wait3A_228 = arith.constant 0 : i32
      %dma_wait3A_229 = tpu.memref_slice %arg2[%dma_wait3A_227, %dma_wait3A_228] : memref<10000x128xf32, #tpu.memory_space<hbm>> -> memref<10000x128xf32, #tpu.memory_space<hbm>>
      tpu.wait_indirect_dma semaphore(%arg28 : memref<!tpu.dma_semaphore, #tpu.memory_space<semaphore_mem>>) src(%dma_wait3A_229 : memref<10000x128xf32, #tpu.memory_space<hbm>>) dst(%arg17 : memref<128x128xf32, #tpu.memory_space<vmem>>)
      %gt3A_230 = arith.constant 0 : i32
      %gt3A_231 = arith.cmpi sgt, %scan3A_180, %gt3A_230 : i32
      %convert_element_type3A_232 = arith.extui %gt3A_231 : i1 to i32
      %cond3A_233 = arith.constant 0 : i32
      %cond3A_234 = arith.cmpi ne, %convert_element_type3A_232, %cond3A_233 : i32
      scf.if %cond3A_234 {
        %dma_wait3A_271 = arith.constant 0 : i32
        %dma_wait3A_272 = arith.constant 0 : i32
        %dma_wait3A_273 = tpu.memref_slice %arg22[%dma_wait3A_271, %dma_wait3A_272] : memref<4x128xf32, #tpu.memory_space<vmem>> -> memref<1x128xf32, #tpu.memory_space<vmem>>
        %dma_wait3A_274 = tpu.memref_squeeze %dma_wait3A_273 : memref<1x128xf32, #tpu.memory_space<vmem>> -> memref<128xf32, #tpu.memory_space<vmem>>
        %dma_wait3A_275 = tpu.memref_slice %arg7[%mul3A_2] : memref<320000xf32, #tpu.memory_space<hbm>> -> memref<128xf32, #tpu.memory_space<hbm>>
        %dma_wait3A_276 = tpu.memref_slice %arg7[%mul3A_2] : memref<320000xf32, #tpu.memory_space<hbm>> -> memref<128xf32, #tpu.memory_space<hbm>>
        %dma_wait3A_277 = arith.constant 0 : i32
        %dma_wait3A_278 = tpu.memref_slice %arg22[%dma_wait3A_271, %dma_wait3A_277] : memref<4x128xf32, #tpu.memory_space<vmem>> -> memref<1x128xf32, #tpu.memory_space<vmem>>
        %dma_wait3A_279 = tpu.memref_squeeze %dma_wait3A_278 : memref<1x128xf32, #tpu.memory_space<vmem>> -> memref<128xf32, #tpu.memory_space<vmem>>
        tpu.wait_dma2 semaphore(%arg31 : memref<!tpu.dma_semaphore, #tpu.memory_space<semaphore_mem>>) src(%dma_wait3A_279 : memref<128xf32, #tpu.memory_space<vmem>>) dst(%dma_wait3A_276 : memref<128xf32, #tpu.memory_space<hbm>>)
        %dma_wait3A_280 = arith.constant 1 : i32
        %dma_wait3A_281 = arith.constant 0 : i32
        %dma_wait3A_282 = tpu.memref_slice %arg22[%dma_wait3A_280, %dma_wait3A_281] : memref<4x128xf32, #tpu.memory_space<vmem>> -> memref<1x128xf32, #tpu.memory_space<vmem>>
        %dma_wait3A_283 = tpu.memref_squeeze %dma_wait3A_282 : memref<1x128xf32, #tpu.memory_space<vmem>> -> memref<128xf32, #tpu.memory_space<vmem>>
        %dma_wait3A_284 = tpu.memref_slice %arg8[%mul3A_2] : memref<320000xf32, #tpu.memory_space<hbm>> -> memref<128xf32, #tpu.memory_space<hbm>>
        %dma_wait3A_285 = tpu.memref_slice %arg8[%mul3A_2] : memref<320000xf32, #tpu.memory_space<hbm>> -> memref<128xf32, #tpu.memory_space<hbm>>
        %dma_wait3A_286 = arith.constant 0 : i32
        %dma_wait3A_287 = tpu.memref_slice %arg22[%dma_wait3A_280, %dma_wait3A_286] : memref<4x128xf32, #tpu.memory_space<vmem>> -> memref<1x128xf32, #tpu.memory_space<vmem>>
        %dma_wait3A_288 = tpu.memref_squeeze %dma_wait3A_287 : memref<1x128xf32, #tpu.memory_space<vmem>> -> memref<128xf32, #tpu.memory_space<vmem>>
        tpu.wait_dma2 semaphore(%arg31 : memref<!tpu.dma_semaphore, #tpu.memory_space<semaphore_mem>>) src(%dma_wait3A_288 : memref<128xf32, #tpu.memory_space<vmem>>) dst(%dma_wait3A_285 : memref<128xf32, #tpu.memory_space<hbm>>)
      } else {
      }
      %scan3A_235 = arith.constant 0 : i32
      %scan3A_236 = arith.constant 0 : i32
      %scan3A_237 = arith.constant 8 : i32
      %scan3A_238 = arith.addi %scan3A_236, %scan3A_237 : i32
      %scan3A_239 = arith.constant 1 : i32
      scf.for %scan3A_271 = %scan3A_236 to %scan3A_238 step %scan3A_239  : i32 {
        %broadcast_in_dim3A_272 = arith.constant 0.000000e+00 : f32
        %broadcast_in_dim3A_273 = vector.broadcast %broadcast_in_dim3A_272 : f32 to vector<16xf32>
        %scan3A_274 = arith.constant 0 : i32
        %scan3A_275 = arith.constant 16 : i32
        %scan3A_276 = arith.addi %scan3A_274, %scan3A_275 : i32
        %scan3A_277 = arith.constant 1 : i32
        %scan3A_278:2 = scf.for %scan3A_366 = %scan3A_274 to %scan3A_276 step %scan3A_277 iter_args(%scan3A_367 = %broadcast_in_dim3A_273, %scan3A_368 = %broadcast_in_dim3A_273) -> (vector<16xf32>, vector<16xf32>)  : i32 {
          %mul3A_369 = arith.constant 16 : i32
          %mul3A_370 = arith.muli %scan3A_271, %mul3A_369 : i32
          %add3A_371 = arith.addi %mul3A_370, %scan3A_366 : i32
          %get3A_372 = arith.index_cast %add3A_371 : i32 to index
          %get3A_373 = arith.constant 0 : index
          %get3A_374 = tpu.vector_load %arg16[%get3A_372, %get3A_373] {strides = array<i32>} : memref<128x128xf32, #tpu.memory_space<vmem>>, vector<16xf32>,
          %get3A_375 = arith.index_cast %add3A_371 : i32 to index
          %get3A_376 = arith.constant 0 : index
          %get3A_377 = tpu.vector_load %arg17[%get3A_375, %get3A_376] {strides = array<i32>} : memref<128x128xf32, #tpu.memory_space<vmem>>, vector<16xf32>,
          %mul3A_378 = arith.mulf %get3A_374, %get3A_377 : vector<16xf32>
          %get3A_379 = arith.index_cast %add3A_371 : i32 to index
          %get3A_380 = arith.constant 16 : index
          %get3A_381 = tpu.vector_load %arg16[%get3A_379, %get3A_380] {strides = array<i32>} : memref<128x128xf32, #tpu.memory_space<vmem>>, vector<16xf32>,
          %get3A_382 = arith.index_cast %add3A_371 : i32 to index
          %get3A_383 = arith.constant 16 : index
          %get3A_384 = tpu.vector_load %arg17[%get3A_382, %get3A_383] {strides = array<i32>} : memref<128x128xf32, #tpu.memory_space<vmem>>, vector<16xf32>,
          %mul3A_385 = arith.mulf %get3A_381, %get3A_384 : vector<16xf32>
          %add3A_386 = arith.addf %mul3A_378, %mul3A_385 : vector<16xf32>
          %get3A_387 = arith.index_cast %add3A_371 : i32 to index
          %get3A_388 = arith.constant 32 : index
          %get3A_389 = tpu.vector_load %arg16[%get3A_387, %get3A_388] {strides = array<i32>} : memref<128x128xf32, #tpu.memory_space<vmem>>, vector<16xf32>,
          %get3A_390 = arith.index_cast %add3A_371 : i32 to index
          %get3A_391 = arith.constant 32 : index
          %get3A_392 = tpu.vector_load %arg17[%get3A_390, %get3A_391] {strides = array<i32>} : memref<128x128xf32, #tpu.memory_space<vmem>>, vector<16xf32>,
          %mul3A_393 = arith.mulf %get3A_389, %get3A_392 : vector<16xf32>
          %add3A_394 = arith.addf %add3A_386, %mul3A_393 : vector<16xf32>
          %get3A_395 = arith.index_cast %add3A_371 : i32 to index
          %get3A_396 = arith.constant 48 : index
          %get3A_397 = tpu.vector_load %arg16[%get3A_395, %get3A_396] {strides = array<i32>} : memref<128x128xf32, #tpu.memory_space<vmem>>, vector<16xf32>,
          %get3A_398 = arith.index_cast %add3A_371 : i32 to index
          %get3A_399 = arith.constant 48 : index
          %get3A_400 = tpu.vector_load %arg17[%get3A_398, %get3A_399] {strides = array<i32>} : memref<128x128xf32, #tpu.memory_space<vmem>>, vector<16xf32>,
          %mul3A_401 = arith.mulf %get3A_397, %get3A_400 : vector<16xf32>
          %add3A_402 = arith.addf %add3A_394, %mul3A_401 : vector<16xf32>
          %get3A_403 = arith.index_cast %add3A_371 : i32 to index
          %get3A_404 = arith.constant 64 : index
          %get3A_405 = tpu.vector_load %arg16[%get3A_403, %get3A_404] {strides = array<i32>} : memref<128x128xf32, #tpu.memory_space<vmem>>, vector<16xf32>,
          %get3A_406 = arith.index_cast %add3A_371 : i32 to index
          %get3A_407 = arith.constant 64 : index
          %get3A_408 = tpu.vector_load %arg17[%get3A_406, %get3A_407] {strides = array<i32>} : memref<128x128xf32, #tpu.memory_space<vmem>>, vector<16xf32>,
          %mul3A_409 = arith.mulf %get3A_405, %get3A_408 : vector<16xf32>
          %get3A_410 = arith.index_cast %add3A_371 : i32 to index
          %get3A_411 = arith.constant 80 : index
          %get3A_412 = tpu.vector_load %arg16[%get3A_410, %get3A_411] {strides = array<i32>} : memref<128x128xf32, #tpu.memory_space<vmem>>, vector<16xf32>,
          %get3A_413 = arith.index_cast %add3A_371 : i32 to index
          %get3A_414 = arith.constant 80 : index
          %get3A_415 = tpu.vector_load %arg17[%get3A_413, %get3A_414] {strides = array<i32>} : memref<128x128xf32, #tpu.memory_space<vmem>>, vector<16xf32>,
          %mul3A_416 = arith.mulf %get3A_412, %get3A_415 : vector<16xf32>
          %add3A_417 = arith.addf %mul3A_409, %mul3A_416 : vector<16xf32>
          %get3A_418 = arith.index_cast %add3A_371 : i32 to index
          %get3A_419 = arith.constant 96 : index
          %get3A_420 = tpu.vector_load %arg16[%get3A_418, %get3A_419] {strides = array<i32>} : memref<128x128xf32, #tpu.memory_space<vmem>>, vector<16xf32>,
          %get3A_421 = arith.index_cast %add3A_371 : i32 to index
          %get3A_422 = arith.constant 96 : index
          %get3A_423 = tpu.vector_load %arg17[%get3A_421, %get3A_422] {strides = array<i32>} : memref<128x128xf32, #tpu.memory_space<vmem>>, vector<16xf32>,
          %mul3A_424 = arith.mulf %get3A_420, %get3A_423 : vector<16xf32>
          %add3A_425 = arith.addf %add3A_417, %mul3A_424 : vector<16xf32>
          %get3A_426 = arith.index_cast %add3A_371 : i32 to index
          %get3A_427 = arith.constant 112 : index
          %get3A_428 = tpu.vector_load %arg16[%get3A_426, %get3A_427] {strides = array<i32>} : memref<128x128xf32, #tpu.memory_space<vmem>>, vector<16xf32>,
          %get3A_429 = arith.index_cast %add3A_371 : i32 to index
          %get3A_430 = arith.constant 112 : index
          %get3A_431 = tpu.vector_load %arg17[%get3A_429, %get3A_430] {strides = array<i32>} : memref<128x128xf32, #tpu.memory_space<vmem>>, vector<16xf32>,
          %mul3A_432 = arith.mulf %get3A_428, %get3A_431 : vector<16xf32>
          %add3A_433 = arith.addf %add3A_425, %mul3A_432 : vector<16xf32>
          %eq3A_434 = vector.broadcast %scan3A_366 : i32 to vector<16xi32>
          %eq3A_435 = arith.cmpi eq, %iota3A, %eq3A_434 : vector<16xi32>
          %reduce_sum3A = arith.constant true
          %reduce_sum3A_436 = vector.broadcast %reduce_sum3A : i1 to vector<16xi1>
          %reduce_sum3A_437 = tpu.scan <sum>, %add3A_402 masked %reduce_sum3A_436 : vector<16xf32>, vector<16xi1> -> vector<16xf32>
          %reduce_sum3A_438 = vector.extract %reduce_sum3A_437[15] : f32 from vector<16xf32>
          %broadcast_in_dim3A_439 = vector.broadcast %reduce_sum3A_438 : f32 to vector<16xf32>
          %select_n3A = arith.select %eq3A_435, %broadcast_in_dim3A_439, %scan3A_367 : vector<16xi1>, vector<16xf32>
          %reduce_sum3A_440 = arith.constant true
          %reduce_sum3A_441 = vector.broadcast %reduce_sum3A_440 : i1 to vector<16xi1>
          %reduce_sum3A_442 = tpu.scan <sum>, %add3A_433 masked %reduce_sum3A_441 : vector<16xf32>, vector<16xi1> -> vector<16xf32>
          %reduce_sum3A_443 = vector.extract %reduce_sum3A_442[15] : f32 from vector<16xf32>
          %broadcast_in_dim3A_444 = vector.broadcast %reduce_sum3A_443 : f32 to vector<16xf32>
          %select_n3A_445 = arith.select %eq3A_435, %broadcast_in_dim3A_444, %scan3A_368 : vector<16xi1>, vector<16xf32>
          scf.yield %select_n3A, %select_n3A_445 : vector<16xf32>, vector<16xf32>
        }
        %scan3A_279 = arith.constant 16 : i32
        %mul3A_280 = arith.constant 16 : i32
        %mul3A_281 = arith.muli %scan3A_271, %mul3A_280 : i32
        %get3A_282 = arith.index_cast %mul3A_281 : i32 to index
        %get3A_283 = tpu.vector_load %arg12[%get3A_282] {strides = array<i32>} : memref<128xi32, #tpu.memory_space<vmem>>, vector<16xi32>,
        %mul3A_284 = arith.constant 16 : i32
        %mul3A_285 = arith.muli %scan3A_271, %mul3A_284 : i32
        %get3A_286 = arith.index_cast %mul3A_285 : i32 to index
        %get3A_287 = tpu.vector_load %arg13[%get3A_286] {strides = array<i32>} : memref<128xi32, #tpu.memory_space<vmem>>, vector<16xi32>,
        %shift_right_logical3A_288 = arith.constant 7 : i32
        %shift_right_logical3A_289 = vector.broadcast %shift_right_logical3A_288 : i32 to vector<16xi32>
        %shift_right_logical3A_290 = arith.shrui %get3A_283, %shift_right_logical3A_289 : vector<16xi32>
        %and3A_291 = arith.constant 127 : i32
        %and3A_292 = vector.broadcast %and3A_291 : i32 to vector<16xi32>
        %and3A_293 = arith.andi %get3A_283, %and3A_292 : vector<16xi32>
        %shift_right_logical3A_294 = arith.constant 7 : i32
        %shift_right_logical3A_295 = vector.broadcast %shift_right_logical3A_294 : i32 to vector<16xi32>
        %shift_right_logical3A_296 = arith.shrui %get3A_287, %shift_right_logical3A_295 : vector<16xi32>
        %and3A_297 = arith.constant 127 : i32
        %and3A_298 = vector.broadcast %and3A_297 : i32 to vector<16xi32>
        %and3A_299 = arith.andi %get3A_287, %and3A_298 : vector<16xi32>
        %gather3A_300 = tpu.vector_load_idx %arg18[%shift_right_logical3A_290, %and3A_293] : memref<79x128xf32, #tpu.memory_space<vmem>>[vector<16xi32>, vector<16xi32>], vector<16xf32>,
        %gather3A_301 = tpu.vector_load_idx %arg18[%shift_right_logical3A_296, %and3A_299] : memref<79x128xf32, #tpu.memory_space<vmem>>[vector<16xi32>, vector<16xi32>], vector<16xf32>,
        %gather3A_302 = tpu.vector_load_idx %arg19[%shift_right_logical3A_290, %and3A_293] : memref<79x128xf32, #tpu.memory_space<vmem>>[vector<16xi32>, vector<16xi32>], vector<16xf32>,
        %gather3A_303 = tpu.vector_load_idx %arg19[%shift_right_logical3A_296, %and3A_299] : memref<79x128xf32, #tpu.memory_space<vmem>>[vector<16xi32>, vector<16xi32>], vector<16xf32>,
        %neg3A_304 = arith.constant 0.000000e+00 : f32
        %neg3A_305 = vector.broadcast %neg3A_304 : f32 to vector<16xf32>
        %neg3A_306 = arith.subf %neg3A_305, %scan3A_278#0 : vector<16xf32>
        %exp3A_307 = math.exp %neg3A_306 : vector<16xf32>
        %add3A_308 = arith.constant 1.000000e+00 : f32
        %add3A_309 = vector.broadcast %add3A_308 : f32 to vector<16xf32>
        %add3A_310 = arith.addf %add3A_309, %exp3A_307 : vector<16xf32>
        %div3A_311 = arith.constant 1.000000e+00 : f32
        %div3A_312 = vector.broadcast %div3A_311 : f32 to vector<16xf32>
        %div3A_313 = arith.divf %div3A_312, %add3A_310 : vector<16xf32>
        %mul3A_314 = arith.mulf %gather3A_300, %gather3A_301 : vector<16xf32>
        %add3A_315 = arith.constant 9.99999993E-9 : f32
        %add3A_316 = vector.broadcast %add3A_315 : f32 to vector<16xf32>
        %add3A_317 = arith.addf %mul3A_314, %add3A_316 : vector<16xf32>
        %div3A_318 = arith.divf %div3A_313, %add3A_317 : vector<16xf32>
        %neg3A_319 = arith.constant 0.000000e+00 : f32
        %neg3A_320 = vector.broadcast %neg3A_319 : f32 to vector<16xf32>
        %neg3A_321 = arith.subf %neg3A_320, %div3A_318 : vector<16xf32>
        %exp3A_322 = math.exp %neg3A_321 : vector<16xf32>
        %add3A_323 = arith.constant 1.000000e+00 : f32
        %add3A_324 = vector.broadcast %add3A_323 : f32 to vector<16xf32>
        %add3A_325 = arith.addf %add3A_324, %exp3A_322 : vector<16xf32>
        %div3A_326 = arith.constant 1.000000e+00 : f32
        %div3A_327 = vector.broadcast %div3A_326 : f32 to vector<16xf32>
        %div3A_328 = arith.divf %div3A_327, %add3A_325 : vector<16xf32>
        %neg3A_329 = arith.constant 0.000000e+00 : f32
        %neg3A_330 = vector.broadcast %neg3A_329 : f32 to vector<16xf32>
        %neg3A_331 = arith.subf %neg3A_330, %scan3A_278#1 : vector<16xf32>
        %exp3A_332 = math.exp %neg3A_331 : vector<16xf32>
        %add3A_333 = arith.constant 1.000000e+00 : f32
        %add3A_334 = vector.broadcast %add3A_333 : f32 to vector<16xf32>
        %add3A_335 = arith.addf %add3A_334, %exp3A_332 : vector<16xf32>
        %div3A_336 = arith.constant 1.000000e+00 : f32
        %div3A_337 = vector.broadcast %div3A_336 : f32 to vector<16xf32>
        %div3A_338 = arith.divf %div3A_337, %add3A_335 : vector<16xf32>
        %mul3A_339 = arith.mulf %gather3A_302, %gather3A_303 : vector<16xf32>
        %add3A_340 = arith.constant 9.99999993E-9 : f32
        %add3A_341 = vector.broadcast %add3A_340 : f32 to vector<16xf32>
        %add3A_342 = arith.addf %mul3A_339, %add3A_341 : vector<16xf32>
        %div3A_343 = arith.divf %div3A_338, %add3A_342 : vector<16xf32>
        %neg3A_344 = arith.constant 0.000000e+00 : f32
        %neg3A_345 = vector.broadcast %neg3A_344 : f32 to vector<16xf32>
        %neg3A_346 = arith.subf %neg3A_345, %div3A_343 : vector<16xf32>
        %exp3A_347 = math.exp %neg3A_346 : vector<16xf32>
        %add3A_348 = arith.constant 1.000000e+00 : f32
        %add3A_349 = vector.broadcast %add3A_348 : f32 to vector<16xf32>
        %add3A_350 = arith.addf %add3A_349, %exp3A_347 : vector<16xf32>
        %div3A_351 = arith.constant 1.000000e+00 : f32
        %div3A_352 = vector.broadcast %div3A_351 : f32 to vector<16xf32>
        %div3A_353 = arith.divf %div3A_352, %add3A_350 : vector<16xf32>
        %mul3A_354 = arith.constant 16 : i32
        %mul3A_355 = arith.muli %scan3A_271, %mul3A_354 : i32
        %swap3A_356 = arith.constant 2 : i32
        %swap3A_357 = arith.index_cast %swap3A_356 : i32 to index
        %swap3A_358 = arith.index_cast %mul3A_355 : i32 to index
        %swap3A_359 = tpu.vector_load %arg22[%swap3A_357, %swap3A_358] {strides = array<i32>} : memref<4x128xf32, #tpu.memory_space<vmem>>, vector<16xf32>,
        tpu.vector_store %arg22[%swap3A_357, %swap3A_358], %div3A_328 {strides = array<i32>} : memref<4x128xf32, #tpu.memory_space<vmem>>, vector<16xf32>,
        %mul3A_360 = arith.constant 16 : i32
        %mul3A_361 = arith.muli %scan3A_271, %mul3A_360 : i32
        %swap3A_362 = arith.constant 3 : i32
        %swap3A_363 = arith.index_cast %swap3A_362 : i32 to index
        %swap3A_364 = arith.index_cast %mul3A_361 : i32 to index
        %swap3A_365 = tpu.vector_load %arg22[%swap3A_363, %swap3A_364] {strides = array<i32>} : memref<4x128xf32, #tpu.memory_space<vmem>>, vector<16xf32>,
        tpu.vector_store %arg22[%swap3A_363, %swap3A_364], %div3A_353 {strides = array<i32>} : memref<4x128xf32, #tpu.memory_space<vmem>>, vector<16xf32>,
        tpu.vector_store_idx %arg20[%shift_right_logical3A_296, %and3A_299], %div3A_328 {add = true} : memref<79x128xf32, #tpu.memory_space<vmem>>[vector<16xi32>, vector<16xi32>], vector<16xf32>,
        tpu.vector_store_idx %arg21[%shift_right_logical3A_296, %and3A_299], %div3A_353 {add = true} : memref<79x128xf32, #tpu.memory_space<vmem>>[vector<16xi32>, vector<16xi32>], vector<16xf32>,
      }
      %scan3A_240 = arith.constant 8 : i32
      %mul3A_241 = arith.constant 2 : i32
      %mul3A_242 = arith.muli %mul3A_241, %scan3A_180 : i32
      %add3A_243 = arith.constant 1 : i32
      %add3A_244 = arith.addi %mul3A_242, %add3A_243 : i32
      %mul3A_245 = arith.constant 128 : i32
      %mul3A_246 = arith.muli %add3A_244, %mul3A_245 : i32
      %add3A_247 = arith.addi %mul3A_2, %mul3A_246 : i32
      %dma_start3A_248 = arith.constant 2 : i32
      %dma_start3A_249 = arith.constant 0 : i32
      %dma_start3A_250 = tpu.memref_slice %arg22[%dma_start3A_248, %dma_start3A_249] : memref<4x128xf32, #tpu.memory_space<vmem>> -> memref<1x128xf32, #tpu.memory_space<vmem>>
      %dma_start3A_251 = tpu.memref_squeeze %dma_start3A_250 : memref<1x128xf32, #tpu.memory_space<vmem>> -> memref<128xf32, #tpu.memory_space<vmem>>
      %dma_start3A_252 = tpu.memref_slice %arg7[%add3A_247] : memref<320000xf32, #tpu.memory_space<hbm>> -> memref<128xf32, #tpu.memory_space<hbm>>
      %dma_start3A_253 = tpu.memref_slice %arg7[%add3A_247] : memref<320000xf32, #tpu.memory_space<hbm>> -> memref<128xf32, #tpu.memory_space<hbm>>
      %dma_start3A_254 = arith.constant 0 : i32
      %dma_start3A_255 = tpu.memref_slice %arg22[%dma_start3A_248, %dma_start3A_254] : memref<4x128xf32, #tpu.memory_space<vmem>> -> memref<1x128xf32, #tpu.memory_space<vmem>>
      %dma_start3A_256 = tpu.memref_squeeze %dma_start3A_255 : memref<1x128xf32, #tpu.memory_space<vmem>> -> memref<128xf32, #tpu.memory_space<vmem>>
      tpu.enqueue_dma source(%dma_start3A_256 : memref<128xf32, #tpu.memory_space<vmem>>) target(%dma_start3A_253 : memref<128xf32, #tpu.memory_space<hbm>>) target_semaphore(%arg31 : memref<!tpu.dma_semaphore, #tpu.memory_space<semaphore_mem>>)
      %dma_start3A_257 = arith.constant 3 : i32
      %dma_start3A_258 = arith.constant 0 : i32
      %dma_start3A_259 = tpu.memref_slice %arg22[%dma_start3A_257, %dma_start3A_258] : memref<4x128xf32, #tpu.memory_space<vmem>> -> memref<1x128xf32, #tpu.memory_space<vmem>>
      %dma_start3A_260 = tpu.memref_squeeze %dma_start3A_259 : memref<1x128xf32, #tpu.memory_space<vmem>> -> memref<128xf32, #tpu.memory_space<vmem>>
      %dma_start3A_261 = tpu.memref_slice %arg8[%add3A_247] : memref<320000xf32, #tpu.memory_space<hbm>> -> memref<128xf32, #tpu.memory_space<hbm>>
      %dma_start3A_262 = tpu.memref_slice %arg8[%add3A_247] : memref<320000xf32, #tpu.memory_space<hbm>> -> memref<128xf32, #tpu.memory_space<hbm>>
      %dma_start3A_263 = arith.constant 0 : i32
      %dma_start3A_264 = tpu.memref_slice %arg22[%dma_start3A_257, %dma_start3A_263] : memref<4x128xf32, #tpu.memory_space<vmem>> -> memref<1x128xf32, #tpu.memory_space<vmem>>
      %dma_start3A_265 = tpu.memref_squeeze %dma_start3A_264 : memref<1x128xf32, #tpu.memory_space<vmem>> -> memref<128xf32, #tpu.memory_space<vmem>>
      tpu.enqueue_dma source(%dma_start3A_265 : memref<128xf32, #tpu.memory_space<vmem>>) target(%dma_start3A_262 : memref<128xf32, #tpu.memory_space<hbm>>) target_semaphore(%arg31 : memref<!tpu.dma_semaphore, #tpu.memory_space<semaphore_mem>>)
      %lt3A_266 = arith.constant 38 : i32
      %lt3A_267 = arith.cmpi slt, %scan3A_180, %lt3A_266 : i32
      %convert_element_type3A_268 = arith.extui %lt3A_267 : i1 to i32
      %cond3A_269 = arith.constant 0 : i32
      %cond3A_270 = arith.cmpi ne, %convert_element_type3A_268, %cond3A_269 : i32
      scf.if %cond3A_270 {
        %mul3A_271 = arith.constant 2 : i32
        %mul3A_272 = arith.muli %mul3A_271, %scan3A_180 : i32
        %add3A_273 = arith.constant 3 : i32
        %add3A_274 = arith.addi %mul3A_272, %add3A_273 : i32
        %mul3A_275 = arith.constant 128 : i32
        %mul3A_276 = arith.muli %add3A_274, %mul3A_275 : i32
        %add3A_277 = arith.addi %mul3A_2, %mul3A_276 : i32
        %dma_start3A_278 = tpu.memref_slice %arg3[%add3A_277] : memref<320000xi32, #tpu.memory_space<hbm>> -> memref<128xi32, #tpu.memory_space<hbm>>
        %dma_start3A_279 = tpu.memref_slice %arg3[%add3A_277] : memref<320000xi32, #tpu.memory_space<hbm>> -> memref<128xi32, #tpu.memory_space<hbm>>
        tpu.enqueue_dma source(%dma_start3A_279 : memref<128xi32, #tpu.memory_space<hbm>>) target(%arg12 : memref<128xi32, #tpu.memory_space<vmem>>) target_semaphore(%arg30 : memref<!tpu.dma_semaphore, #tpu.memory_space<semaphore_mem>>)
        %dma_start3A_280 = tpu.memref_slice %arg4[%add3A_277] : memref<320000xi32, #tpu.memory_space<hbm>> -> memref<128xi32, #tpu.memory_space<hbm>>
        %dma_start3A_281 = tpu.memref_slice %arg4[%add3A_277] : memref<320000xi32, #tpu.memory_space<hbm>> -> memref<128xi32, #tpu.memory_space<hbm>>
        tpu.enqueue_dma source(%dma_start3A_281 : memref<128xi32, #tpu.memory_space<hbm>>) target(%arg13 : memref<128xi32, #tpu.memory_space<vmem>>) target_semaphore(%arg30 : memref<!tpu.dma_semaphore, #tpu.memory_space<semaphore_mem>>)
        %dma_wait3A_282 = tpu.memref_slice %arg3[%mul3A_2] : memref<320000xi32, #tpu.memory_space<hbm>> -> memref<128xi32, #tpu.memory_space<hbm>>
        %dma_wait3A_283 = tpu.memref_slice %arg3[%mul3A_2] : memref<320000xi32, #tpu.memory_space<hbm>> -> memref<128xi32, #tpu.memory_space<hbm>>
        tpu.wait_dma2 semaphore(%arg30 : memref<!tpu.dma_semaphore, #tpu.memory_space<semaphore_mem>>) src(%dma_wait3A_283 : memref<128xi32, #tpu.memory_space<hbm>>) dst(%arg12 : memref<128xi32, #tpu.memory_space<vmem>>)
        %dma_wait3A_284 = tpu.memref_slice %arg4[%mul3A_2] : memref<320000xi32, #tpu.memory_space<hbm>> -> memref<128xi32, #tpu.memory_space<hbm>>
        %dma_wait3A_285 = tpu.memref_slice %arg4[%mul3A_2] : memref<320000xi32, #tpu.memory_space<hbm>> -> memref<128xi32, #tpu.memory_space<hbm>>
        tpu.wait_dma2 semaphore(%arg30 : memref<!tpu.dma_semaphore, #tpu.memory_space<semaphore_mem>>) src(%dma_wait3A_285 : memref<128xi32, #tpu.memory_space<hbm>>) dst(%arg13 : memref<128xi32, #tpu.memory_space<vmem>>)
        %dma_start3A_286 = arith.constant 0 : i32
        %dma_start3A_287 = arith.constant 0 : i32
        %dma_start3A_288 = tpu.memref_slice %arg2[%dma_start3A_286, %dma_start3A_287] : memref<10000x128xf32, #tpu.memory_space<hbm>> -> memref<10000x128xf32, #tpu.memory_space<hbm>>
        tpu.enqueue_indirect_dma source(%dma_start3A_288 : memref<10000x128xf32, #tpu.memory_space<hbm>>) target(%arg16 : memref<128x128xf32, #tpu.memory_space<vmem>>) offsets(%arg12 : memref<128xi32, #tpu.memory_space<vmem>>) semaphore(%arg28 : memref<!tpu.dma_semaphore, #tpu.memory_space<semaphore_mem>>)
        %dma_start3A_289 = arith.constant 0 : i32
        %dma_start3A_290 = arith.constant 0 : i32
        %dma_start3A_291 = tpu.memref_slice %arg2[%dma_start3A_289, %dma_start3A_290] : memref<10000x128xf32, #tpu.memory_space<hbm>> -> memref<10000x128xf32, #tpu.memory_space<hbm>>
        tpu.enqueue_indirect_dma source(%dma_start3A_291 : memref<10000x128xf32, #tpu.memory_space<hbm>>) target(%arg17 : memref<128x128xf32, #tpu.memory_space<vmem>>) offsets(%arg13 : memref<128xi32, #tpu.memory_space<vmem>>) semaphore(%arg28 : memref<!tpu.dma_semaphore, #tpu.memory_space<semaphore_mem>>)
      } else {
      }
    }
    %scan3A_47 = arith.constant 39 : i32
    %dma_wait3A_48 = arith.constant 0 : i32
    %dma_wait3A_49 = arith.constant 0 : i32
    %dma_wait3A_50 = tpu.memref_slice %arg22[%dma_wait3A_48, %dma_wait3A_49] : memref<4x128xf32, #tpu.memory_space<vmem>> -> memref<1x128xf32, #tpu.memory_space<vmem>>
    %dma_wait3A_51 = tpu.memref_squeeze %dma_wait3A_50 : memref<1x128xf32, #tpu.memory_space<vmem>> -> memref<128xf32, #tpu.memory_space<vmem>>
    %dma_wait3A_52 = tpu.memref_slice %arg7[%mul3A_2] : memref<320000xf32, #tpu.memory_space<hbm>> -> memref<128xf32, #tpu.memory_space<hbm>>
    %dma_wait3A_53 = tpu.memref_slice %arg7[%mul3A_2] : memref<320000xf32, #tpu.memory_space<hbm>> -> memref<128xf32, #tpu.memory_space<hbm>>
    %dma_wait3A_54 = arith.constant 0 : i32
    %dma_wait3A_55 = tpu.memref_slice %arg22[%dma_wait3A_48, %dma_wait3A_54] : memref<4x128xf32, #tpu.memory_space<vmem>> -> memref<1x128xf32, #tpu.memory_space<vmem>>
    %dma_wait3A_56 = tpu.memref_squeeze %dma_wait3A_55 : memref<1x128xf32, #tpu.memory_space<vmem>> -> memref<128xf32, #tpu.memory_space<vmem>>
    tpu.wait_dma2 semaphore(%arg31 : memref<!tpu.dma_semaphore, #tpu.memory_space<semaphore_mem>>) src(%dma_wait3A_56 : memref<128xf32, #tpu.memory_space<vmem>>) dst(%dma_wait3A_53 : memref<128xf32, #tpu.memory_space<hbm>>)
    %dma_wait3A_57 = arith.constant 1 : i32
    %dma_wait3A_58 = arith.constant 0 : i32
    %dma_wait3A_59 = tpu.memref_slice %arg22[%dma_wait3A_57, %dma_wait3A_58] : memref<4x128xf32, #tpu.memory_space<vmem>> -> memref<1x128xf32, #tpu.memory_space<vmem>>
    %dma_wait3A_60 = tpu.memref_squeeze %dma_wait3A_59 : memref<1x128xf32, #tpu.memory_space<vmem>> -> memref<128xf32, #tpu.memory_space<vmem>>
    %dma_wait3A_61 = tpu.memref_slice %arg8[%mul3A_2] : memref<320000xf32, #tpu.memory_space<hbm>> -> memref<128xf32, #tpu.memory_space<hbm>>
    %dma_wait3A_62 = tpu.memref_slice %arg8[%mul3A_2] : memref<320000xf32, #tpu.memory_space<hbm>> -> memref<128xf32, #tpu.memory_space<hbm>>
    %dma_wait3A_63 = arith.constant 0 : i32
    %dma_wait3A_64 = tpu.memref_slice %arg22[%dma_wait3A_57, %dma_wait3A_63] : memref<4x128xf32, #tpu.memory_space<vmem>> -> memref<1x128xf32, #tpu.memory_space<vmem>>
    %dma_wait3A_65 = tpu.memref_squeeze %dma_wait3A_64 : memref<1x128xf32, #tpu.memory_space<vmem>> -> memref<128xf32, #tpu.memory_space<vmem>>
    tpu.wait_dma2 semaphore(%arg31 : memref<!tpu.dma_semaphore, #tpu.memory_space<semaphore_mem>>) src(%dma_wait3A_65 : memref<128xf32, #tpu.memory_space<vmem>>) dst(%dma_wait3A_62 : memref<128xf32, #tpu.memory_space<hbm>>)
    %dma_wait3A_66 = arith.constant 0 : i32
    %dma_wait3A_67 = arith.constant 0 : i32
    %dma_wait3A_68 = tpu.memref_slice %arg22[%dma_wait3A_66, %dma_wait3A_67] : memref<4x128xf32, #tpu.memory_space<vmem>> -> memref<1x128xf32, #tpu.memory_space<vmem>>
    %dma_wait3A_69 = tpu.memref_squeeze %dma_wait3A_68 : memref<1x128xf32, #tpu.memory_space<vmem>> -> memref<128xf32, #tpu.memory_space<vmem>>
    %dma_wait3A_70 = tpu.memref_slice %arg7[%mul3A_2] : memref<320000xf32, #tpu.memory_space<hbm>> -> memref<128xf32, #tpu.memory_space<hbm>>
    %dma_wait3A_71 = tpu.memref_slice %arg7[%mul3A_2] : memref<320000xf32, #tpu.memory_space<hbm>> -> memref<128xf32, #tpu.memory_space<hbm>>
    %dma_wait3A_72 = arith.constant 0 : i32
    %dma_wait3A_73 = tpu.memref_slice %arg22[%dma_wait3A_66, %dma_wait3A_72] : memref<4x128xf32, #tpu.memory_space<vmem>> -> memref<1x128xf32, #tpu.memory_space<vmem>>
    %dma_wait3A_74 = tpu.memref_squeeze %dma_wait3A_73 : memref<1x128xf32, #tpu.memory_space<vmem>> -> memref<128xf32, #tpu.memory_space<vmem>>
    tpu.wait_dma2 semaphore(%arg31 : memref<!tpu.dma_semaphore, #tpu.memory_space<semaphore_mem>>) src(%dma_wait3A_74 : memref<128xf32, #tpu.memory_space<vmem>>) dst(%dma_wait3A_71 : memref<128xf32, #tpu.memory_space<hbm>>)
    %dma_wait3A_75 = arith.constant 1 : i32
    %dma_wait3A_76 = arith.constant 0 : i32
    %dma_wait3A_77 = tpu.memref_slice %arg22[%dma_wait3A_75, %dma_wait3A_76] : memref<4x128xf32, #tpu.memory_space<vmem>> -> memref<1x128xf32, #tpu.memory_space<vmem>>
    %dma_wait3A_78 = tpu.memref_squeeze %dma_wait3A_77 : memref<1x128xf32, #tpu.memory_space<vmem>> -> memref<128xf32, #tpu.memory_space<vmem>>
    %dma_wait3A_79 = tpu.memref_slice %arg8[%mul3A_2] : memref<320000xf32, #tpu.memory_space<hbm>> -> memref<128xf32, #tpu.memory_space<hbm>>
    %dma_wait3A_80 = tpu.memref_slice %arg8[%mul3A_2] : memref<320000xf32, #tpu.memory_space<hbm>> -> memref<128xf32, #tpu.memory_space<hbm>>
    %dma_wait3A_81 = arith.constant 0 : i32
    %dma_wait3A_82 = tpu.memref_slice %arg22[%dma_wait3A_75, %dma_wait3A_81] : memref<4x128xf32, #tpu.memory_space<vmem>> -> memref<1x128xf32, #tpu.memory_space<vmem>>
    %dma_wait3A_83 = tpu.memref_squeeze %dma_wait3A_82 : memref<1x128xf32, #tpu.memory_space<vmem>> -> memref<128xf32, #tpu.memory_space<vmem>>
    tpu.wait_dma2 semaphore(%arg31 : memref<!tpu.dma_semaphore, #tpu.memory_space<semaphore_mem>>) src(%dma_wait3A_83 : memref<128xf32, #tpu.memory_space<vmem>>) dst(%dma_wait3A_80 : memref<128xf32, #tpu.memory_space<hbm>>)
    %add3A_84 = arith.constant 9984 : i32
    %add3A_85 = arith.addi %mul3A_2, %add3A_84 : i32
    %run_scoped3A_86 = arith.constant 0 : i32
    "tpu.region"() ({
      %run_scoped3A_180 = tpu.sem_alloc : memref<!tpu.dma_semaphore, #tpu.memory_space<semaphore_mem>>
      %dma_start3A_181 = arith.constant 0 : i32
      %dma_start3A_182 = tpu.memref_slice %arg24[%run_scoped3A_86, %dma_start3A_181] : memref<2x16xi32, #tpu.memory_space<vmem>> -> memref<1x16xi32, #tpu.memory_space<vmem>>
      %dma_start3A_183 = tpu.memref_squeeze %dma_start3A_182 : memref<1x16xi32, #tpu.memory_space<vmem>> -> memref<16xi32, #tpu.memory_space<vmem>>
      %dma_start3A_184 = tpu.memref_slice %arg3[%add3A_85] : memref<320000xi32, #tpu.memory_space<hbm>> -> memref<16xi32, #tpu.memory_space<hbm>>
      %dma_start3A_185 = arith.constant 0 : i32
      %dma_start3A_186 = tpu.memref_slice %arg24[%run_scoped3A_86, %dma_start3A_185] : memref<2x16xi32, #tpu.memory_space<vmem>> -> memref<1x16xi32, #tpu.memory_space<vmem>>
      %dma_start3A_187 = tpu.memref_squeeze %dma_start3A_186 : memref<1x16xi32, #tpu.memory_space<vmem>> -> memref<16xi32, #tpu.memory_space<vmem>>
      %dma_start3A_188 = tpu.memref_slice %arg3[%add3A_85] : memref<320000xi32, #tpu.memory_space<hbm>> -> memref<16xi32, #tpu.memory_space<hbm>>
      tpu.enqueue_dma source(%dma_start3A_188 : memref<16xi32, #tpu.memory_space<hbm>>) target(%dma_start3A_187 : memref<16xi32, #tpu.memory_space<vmem>>) target_semaphore(%run_scoped3A_180 : memref<!tpu.dma_semaphore, #tpu.memory_space<semaphore_mem>>)
      %dma_wait3A_189 = arith.constant 0 : i32
      %dma_wait3A_190 = tpu.memref_slice %arg24[%run_scoped3A_86, %dma_wait3A_189] : memref<2x16xi32, #tpu.memory_space<vmem>> -> memref<1x16xi32, #tpu.memory_space<vmem>>
      %dma_wait3A_191 = tpu.memref_squeeze %dma_wait3A_190 : memref<1x16xi32, #tpu.memory_space<vmem>> -> memref<16xi32, #tpu.memory_space<vmem>>
      %dma_wait3A_192 = tpu.memref_slice %arg3[%add3A_85] : memref<320000xi32, #tpu.memory_space<hbm>> -> memref<16xi32, #tpu.memory_space<hbm>>
      %dma_wait3A_193 = arith.constant 0 : i32
      %dma_wait3A_194 = tpu.memref_slice %arg24[%run_scoped3A_86, %dma_wait3A_193] : memref<2x16xi32, #tpu.memory_space<vmem>> -> memref<1x16xi32, #tpu.memory_space<vmem>>
      %dma_wait3A_195 = tpu.memref_squeeze %dma_wait3A_194 : memref<1x16xi32, #tpu.memory_space<vmem>> -> memref<16xi32, #tpu.memory_space<vmem>>
      %dma_wait3A_196 = tpu.memref_slice %arg3[%add3A_85] : memref<320000xi32, #tpu.memory_space<hbm>> -> memref<16xi32, #tpu.memory_space<hbm>>
      tpu.wait_dma2 semaphore(%run_scoped3A_180 : memref<!tpu.dma_semaphore, #tpu.memory_space<semaphore_mem>>) src(%dma_wait3A_196 : memref<16xi32, #tpu.memory_space<hbm>>) dst(%dma_wait3A_195 : memref<16xi32, #tpu.memory_space<vmem>>)
      tpu.yield
    }) : () -> ()
    %run_scoped3A_87 = arith.constant 1 : i32
    "tpu.region"() ({
      %run_scoped3A_180 = tpu.sem_alloc : memref<!tpu.dma_semaphore, #tpu.memory_space<semaphore_mem>>
      %dma_start3A_181 = arith.constant 0 : i32
      %dma_start3A_182 = tpu.memref_slice %arg24[%run_scoped3A_87, %dma_start3A_181] : memref<2x16xi32, #tpu.memory_space<vmem>> -> memref<1x16xi32, #tpu.memory_space<vmem>>
      %dma_start3A_183 = tpu.memref_squeeze %dma_start3A_182 : memref<1x16xi32, #tpu.memory_space<vmem>> -> memref<16xi32, #tpu.memory_space<vmem>>
      %dma_start3A_184 = tpu.memref_slice %arg4[%add3A_85] : memref<320000xi32, #tpu.memory_space<hbm>> -> memref<16xi32, #tpu.memory_space<hbm>>
      %dma_start3A_185 = arith.constant 0 : i32
      %dma_start3A_186 = tpu.memref_slice %arg24[%run_scoped3A_87, %dma_start3A_185] : memref<2x16xi32, #tpu.memory_space<vmem>> -> memref<1x16xi32, #tpu.memory_space<vmem>>
      %dma_start3A_187 = tpu.memref_squeeze %dma_start3A_186 : memref<1x16xi32, #tpu.memory_space<vmem>> -> memref<16xi32, #tpu.memory_space<vmem>>
      %dma_start3A_188 = tpu.memref_slice %arg4[%add3A_85] : memref<320000xi32, #tpu.memory_space<hbm>> -> memref<16xi32, #tpu.memory_space<hbm>>
      tpu.enqueue_dma source(%dma_start3A_188 : memref<16xi32, #tpu.memory_space<hbm>>) target(%dma_start3A_187 : memref<16xi32, #tpu.memory_space<vmem>>) target_semaphore(%run_scoped3A_180 : memref<!tpu.dma_semaphore, #tpu.memory_space<semaphore_mem>>)
      %dma_wait3A_189 = arith.constant 0 : i32
      %dma_wait3A_190 = tpu.memref_slice %arg24[%run_scoped3A_87, %dma_wait3A_189] : memref<2x16xi32, #tpu.memory_space<vmem>> -> memref<1x16xi32, #tpu.memory_space<vmem>>
      %dma_wait3A_191 = tpu.memref_squeeze %dma_wait3A_190 : memref<1x16xi32, #tpu.memory_space<vmem>> -> memref<16xi32, #tpu.memory_space<vmem>>
      %dma_wait3A_192 = tpu.memref_slice %arg4[%add3A_85] : memref<320000xi32, #tpu.memory_space<hbm>> -> memref<16xi32, #tpu.memory_space<hbm>>
      %dma_wait3A_193 = arith.constant 0 : i32
      %dma_wait3A_194 = tpu.memref_slice %arg24[%run_scoped3A_87, %dma_wait3A_193] : memref<2x16xi32, #tpu.memory_space<vmem>> -> memref<1x16xi32, #tpu.memory_space<vmem>>
      %dma_wait3A_195 = tpu.memref_squeeze %dma_wait3A_194 : memref<1x16xi32, #tpu.memory_space<vmem>> -> memref<16xi32, #tpu.memory_space<vmem>>
      %dma_wait3A_196 = tpu.memref_slice %arg4[%add3A_85] : memref<320000xi32, #tpu.memory_space<hbm>> -> memref<16xi32, #tpu.memory_space<hbm>>
      tpu.wait_dma2 semaphore(%run_scoped3A_180 : memref<!tpu.dma_semaphore, #tpu.memory_space<semaphore_mem>>) src(%dma_wait3A_196 : memref<16xi32, #tpu.memory_space<hbm>>) dst(%dma_wait3A_195 : memref<16xi32, #tpu.memory_space<vmem>>)
      tpu.yield
    }) : () -> ()
    %run_scoped3A_88 = arith.constant 0 : i32
    "tpu.region"() ({
      %run_scoped3A_180 = tpu.sem_alloc : memref<!tpu.dma_semaphore, #tpu.memory_space<semaphore_mem>>
      %dma_start3A_181 = arith.constant 0 : i32
      %dma_start3A_182 = arith.constant 0 : i32
      %dma_start3A_183 = tpu.memref_slice %arg14[%dma_start3A_181, %dma_start3A_182] : memref<128x128xf32, #tpu.memory_space<vmem>> -> memref<16x128xf32, #tpu.memory_space<vmem>>
      %dma_start3A_184 = arith.constant 0 : i32
      %dma_start3A_185 = tpu.memref_slice %arg24[%run_scoped3A_88, %dma_start3A_184] : memref<2x16xi32, #tpu.memory_space<vmem>> -> memref<1x16xi32, #tpu.memory_space<vmem>>
      %dma_start3A_186 = tpu.memref_squeeze %dma_start3A_185 : memref<1x16xi32, #tpu.memory_space<vmem>> -> memref<16xi32, #tpu.memory_space<vmem>>
      %dma_start3A_187 = arith.constant 0 : i32
      %dma_start3A_188 = arith.constant 0 : i32
      %dma_start3A_189 = tpu.memref_slice %arg2[%dma_start3A_187, %dma_start3A_188] : memref<10000x128xf32, #tpu.memory_space<hbm>> -> memref<10000x128xf32, #tpu.memory_space<hbm>>
      tpu.enqueue_indirect_dma source(%dma_start3A_189 : memref<10000x128xf32, #tpu.memory_space<hbm>>) target(%dma_start3A_183 : memref<16x128xf32, #tpu.memory_space<vmem>>) offsets(%dma_start3A_186 : memref<16xi32, #tpu.memory_space<vmem>>) semaphore(%run_scoped3A_180 : memref<!tpu.dma_semaphore, #tpu.memory_space<semaphore_mem>>)
      %dma_wait3A_190 = arith.constant 0 : i32
      %dma_wait3A_191 = arith.constant 0 : i32
      %dma_wait3A_192 = tpu.memref_slice %arg14[%dma_wait3A_190, %dma_wait3A_191] : memref<128x128xf32, #tpu.memory_space<vmem>> -> memref<16x128xf32, #tpu.memory_space<vmem>>
      %dma_wait3A_193 = arith.constant 0 : i32
      %dma_wait3A_194 = tpu.memref_slice %arg24[%run_scoped3A_88, %dma_wait3A_193] : memref<2x16xi32, #tpu.memory_space<vmem>> -> memref<1x16xi32, #tpu.memory_space<vmem>>
      %dma_wait3A_195 = tpu.memref_squeeze %dma_wait3A_194 : memref<1x16xi32, #tpu.memory_space<vmem>> -> memref<16xi32, #tpu.memory_space<vmem>>
      %dma_wait3A_196 = arith.constant 0 : i32
      %dma_wait3A_197 = arith.constant 0 : i32
      %dma_wait3A_198 = tpu.memref_slice %arg2[%dma_wait3A_196, %dma_wait3A_197] : memref<10000x128xf32, #tpu.memory_space<hbm>> -> memref<10000x128xf32, #tpu.memory_space<hbm>>
      tpu.wait_indirect_dma semaphore(%run_scoped3A_180 : memref<!tpu.dma_semaphore, #tpu.memory_space<semaphore_mem>>) src(%dma_wait3A_198 : memref<10000x128xf32, #tpu.memory_space<hbm>>) dst(%dma_wait3A_192 : memref<16x128xf32, #tpu.memory_space<vmem>>)
      tpu.yield
    }) : () -> ()
    %run_scoped3A_89 = arith.constant 1 : i32
    "tpu.region"() ({
      %run_scoped3A_180 = tpu.sem_alloc : memref<!tpu.dma_semaphore, #tpu.memory_space<semaphore_mem>>
      %dma_start3A_181 = arith.constant 0 : i32
      %dma_start3A_182 = arith.constant 0 : i32
      %dma_start3A_183 = tpu.memref_slice %arg15[%dma_start3A_181, %dma_start3A_182] : memref<128x128xf32, #tpu.memory_space<vmem>> -> memref<16x128xf32, #tpu.memory_space<vmem>>
      %dma_start3A_184 = arith.constant 0 : i32
      %dma_start3A_185 = tpu.memref_slice %arg24[%run_scoped3A_89, %dma_start3A_184] : memref<2x16xi32, #tpu.memory_space<vmem>> -> memref<1x16xi32, #tpu.memory_space<vmem>>
      %dma_start3A_186 = tpu.memref_squeeze %dma_start3A_185 : memref<1x16xi32, #tpu.memory_space<vmem>> -> memref<16xi32, #tpu.memory_space<vmem>>
      %dma_start3A_187 = arith.constant 0 : i32
      %dma_start3A_188 = arith.constant 0 : i32
      %dma_start3A_189 = tpu.memref_slice %arg2[%dma_start3A_187, %dma_start3A_188] : memref<10000x128xf32, #tpu.memory_space<hbm>> -> memref<10000x128xf32, #tpu.memory_space<hbm>>
      tpu.enqueue_indirect_dma source(%dma_start3A_189 : memref<10000x128xf32, #tpu.memory_space<hbm>>) target(%dma_start3A_183 : memref<16x128xf32, #tpu.memory_space<vmem>>) offsets(%dma_start3A_186 : memref<16xi32, #tpu.memory_space<vmem>>) semaphore(%run_scoped3A_180 : memref<!tpu.dma_semaphore, #tpu.memory_space<semaphore_mem>>)
      %dma_wait3A_190 = arith.constant 0 : i32
      %dma_wait3A_191 = arith.constant 0 : i32
      %dma_wait3A_192 = tpu.memref_slice %arg15[%dma_wait3A_190, %dma_wait3A_191] : memref<128x128xf32, #tpu.memory_space<vmem>> -> memref<16x128xf32, #tpu.memory_space<vmem>>
      %dma_wait3A_193 = arith.constant 0 : i32
      %dma_wait3A_194 = tpu.memref_slice %arg24[%run_scoped3A_89, %dma_wait3A_193] : memref<2x16xi32, #tpu.memory_space<vmem>> -> memref<1x16xi32, #tpu.memory_space<vmem>>
      %dma_wait3A_195 = tpu.memref_squeeze %dma_wait3A_194 : memref<1x16xi32, #tpu.memory_space<vmem>> -> memref<16xi32, #tpu.memory_space<vmem>>
      %dma_wait3A_196 = arith.constant 0 : i32
      %dma_wait3A_197 = arith.constant 0 : i32
      %dma_wait3A_198 = tpu.memref_slice %arg2[%dma_wait3A_196, %dma_wait3A_197] : memref<10000x128xf32, #tpu.memory_space<hbm>> -> memref<10000x128xf32, #tpu.memory_space<hbm>>
      tpu.wait_indirect_dma semaphore(%run_scoped3A_180 : memref<!tpu.dma_semaphore, #tpu.memory_space<semaphore_mem>>) src(%dma_wait3A_198 : memref<10000x128xf32, #tpu.memory_space<hbm>>) dst(%dma_wait3A_192 : memref<16x128xf32, #tpu.memory_space<vmem>>)
      tpu.yield
    }) : () -> ()
    %broadcast_in_dim3A_90 = arith.constant 0.000000e+00 : f32
    %broadcast_in_dim3A_91 = vector.broadcast %broadcast_in_dim3A_90 : f32 to vector<16xf32>
    %scan3A_92 = arith.constant 0 : i32
    %scan3A_93 = arith.constant 16 : i32
    %scan3A_94 = arith.addi %scan3A_92, %scan3A_93 : i32
    %scan3A_95 = arith.constant 1 : i32
    %scan3A_96:2 = scf.for %scan3A_180 = %scan3A_92 to %scan3A_94 step %scan3A_95 iter_args(%scan3A_181 = %broadcast_in_dim3A_91, %scan3A_182 = %broadcast_in_dim3A_91) -> (vector<16xf32>, vector<16xf32>)  : i32 {
      %get3A_183 = arith.index_cast %scan3A_180 : i32 to index
      %get3A_184 = arith.constant 0 : index
      %get3A_185 = tpu.vector_load %arg14[%get3A_183, %get3A_184] {strides = array<i32>} : memref<128x128xf32, #tpu.memory_space<vmem>>, vector<16xf32>,
      %get3A_186 = arith.index_cast %scan3A_180 : i32 to index
      %get3A_187 = arith.constant 0 : index
      %get3A_188 = tpu.vector_load %arg15[%get3A_186, %get3A_187] {strides = array<i32>} : memref<128x128xf32, #tpu.memory_space<vmem>>, vector<16xf32>,
      %mul3A_189 = arith.mulf %get3A_185, %get3A_188 : vector<16xf32>
      %get3A_190 = arith.index_cast %scan3A_180 : i32 to index
      %get3A_191 = arith.constant 16 : index
      %get3A_192 = tpu.vector_load %arg14[%get3A_190, %get3A_191] {strides = array<i32>} : memref<128x128xf32, #tpu.memory_space<vmem>>, vector<16xf32>,
      %get3A_193 = arith.index_cast %scan3A_180 : i32 to index
      %get3A_194 = arith.constant 16 : index
      %get3A_195 = tpu.vector_load %arg15[%get3A_193, %get3A_194] {strides = array<i32>} : memref<128x128xf32, #tpu.memory_space<vmem>>, vector<16xf32>,
      %mul3A_196 = arith.mulf %get3A_192, %get3A_195 : vector<16xf32>
      %add3A_197 = arith.addf %mul3A_189, %mul3A_196 : vector<16xf32>
      %get3A_198 = arith.index_cast %scan3A_180 : i32 to index
      %get3A_199 = arith.constant 32 : index
      %get3A_200 = tpu.vector_load %arg14[%get3A_198, %get3A_199] {strides = array<i32>} : memref<128x128xf32, #tpu.memory_space<vmem>>, vector<16xf32>,
      %get3A_201 = arith.index_cast %scan3A_180 : i32 to index
      %get3A_202 = arith.constant 32 : index
      %get3A_203 = tpu.vector_load %arg15[%get3A_201, %get3A_202] {strides = array<i32>} : memref<128x128xf32, #tpu.memory_space<vmem>>, vector<16xf32>,
      %mul3A_204 = arith.mulf %get3A_200, %get3A_203 : vector<16xf32>
      %add3A_205 = arith.addf %add3A_197, %mul3A_204 : vector<16xf32>
      %get3A_206 = arith.index_cast %scan3A_180 : i32 to index
      %get3A_207 = arith.constant 48 : index
      %get3A_208 = tpu.vector_load %arg14[%get3A_206, %get3A_207] {strides = array<i32>} : memref<128x128xf32, #tpu.memory_space<vmem>>, vector<16xf32>,
      %get3A_209 = arith.index_cast %scan3A_180 : i32 to index
      %get3A_210 = arith.constant 48 : index
      %get3A_211 = tpu.vector_load %arg15[%get3A_209, %get3A_210] {strides = array<i32>} : memref<128x128xf32, #tpu.memory_space<vmem>>, vector<16xf32>,
      %mul3A_212 = arith.mulf %get3A_208, %get3A_211 : vector<16xf32>
      %add3A_213 = arith.addf %add3A_205, %mul3A_212 : vector<16xf32>
      %get3A_214 = arith.index_cast %scan3A_180 : i32 to index
      %get3A_215 = arith.constant 64 : index
      %get3A_216 = tpu.vector_load %arg14[%get3A_214, %get3A_215] {strides = array<i32>} : memref<128x128xf32, #tpu.memory_space<vmem>>, vector<16xf32>,
      %get3A_217 = arith.index_cast %scan3A_180 : i32 to index
      %get3A_218 = arith.constant 64 : index
      %get3A_219 = tpu.vector_load %arg15[%get3A_217, %get3A_218] {strides = array<i32>} : memref<128x128xf32, #tpu.memory_space<vmem>>, vector<16xf32>,
      %mul3A_220 = arith.mulf %get3A_216, %get3A_219 : vector<16xf32>
      %get3A_221 = arith.index_cast %scan3A_180 : i32 to index
      %get3A_222 = arith.constant 80 : index
      %get3A_223 = tpu.vector_load %arg14[%get3A_221, %get3A_222] {strides = array<i32>} : memref<128x128xf32, #tpu.memory_space<vmem>>, vector<16xf32>,
      %get3A_224 = arith.index_cast %scan3A_180 : i32 to index
      %get3A_225 = arith.constant 80 : index
      %get3A_226 = tpu.vector_load %arg15[%get3A_224, %get3A_225] {strides = array<i32>} : memref<128x128xf32, #tpu.memory_space<vmem>>, vector<16xf32>,
      %mul3A_227 = arith.mulf %get3A_223, %get3A_226 : vector<16xf32>
      %add3A_228 = arith.addf %mul3A_220, %mul3A_227 : vector<16xf32>
      %get3A_229 = arith.index_cast %scan3A_180 : i32 to index
      %get3A_230 = arith.constant 96 : index
      %get3A_231 = tpu.vector_load %arg14[%get3A_229, %get3A_230] {strides = array<i32>} : memref<128x128xf32, #tpu.memory_space<vmem>>, vector<16xf32>,
      %get3A_232 = arith.index_cast %scan3A_180 : i32 to index
      %get3A_233 = arith.constant 96 : index
      %get3A_234 = tpu.vector_load %arg15[%get3A_232, %get3A_233] {strides = array<i32>} : memref<128x128xf32, #tpu.memory_space<vmem>>, vector<16xf32>,
      %mul3A_235 = arith.mulf %get3A_231, %get3A_234 : vector<16xf32>
      %add3A_236 = arith.addf %add3A_228, %mul3A_235 : vector<16xf32>
      %get3A_237 = arith.index_cast %scan3A_180 : i32 to index
      %get3A_238 = arith.constant 112 : index
      %get3A_239 = tpu.vector_load %arg14[%get3A_237, %get3A_238] {strides = array<i32>} : memref<128x128xf32, #tpu.memory_space<vmem>>, vector<16xf32>,
      %get3A_240 = arith.index_cast %scan3A_180 : i32 to index
      %get3A_241 = arith.constant 112 : index
      %get3A_242 = tpu.vector_load %arg15[%get3A_240, %get3A_241] {strides = array<i32>} : memref<128x128xf32, #tpu.memory_space<vmem>>, vector<16xf32>,
      %mul3A_243 = arith.mulf %get3A_239, %get3A_242 : vector<16xf32>
      %add3A_244 = arith.addf %add3A_236, %mul3A_243 : vector<16xf32>
      %eq3A_245 = vector.broadcast %scan3A_180 : i32 to vector<16xi32>
      %eq3A_246 = arith.cmpi eq, %iota3A, %eq3A_245 : vector<16xi32>
      %reduce_sum3A = arith.constant true
      %reduce_sum3A_247 = vector.broadcast %reduce_sum3A : i1 to vector<16xi1>
      %reduce_sum3A_248 = tpu.scan <sum>, %add3A_213 masked %reduce_sum3A_247 : vector<16xf32>, vector<16xi1> -> vector<16xf32>
      %reduce_sum3A_249 = vector.extract %reduce_sum3A_248[15] : f32 from vector<16xf32>
      %broadcast_in_dim3A_250 = vector.broadcast %reduce_sum3A_249 : f32 to vector<16xf32>
      %select_n3A = arith.select %eq3A_246, %broadcast_in_dim3A_250, %scan3A_181 : vector<16xi1>, vector<16xf32>
      %reduce_sum3A_251 = arith.constant true
      %reduce_sum3A_252 = vector.broadcast %reduce_sum3A_251 : i1 to vector<16xi1>
      %reduce_sum3A_253 = tpu.scan <sum>, %add3A_244 masked %reduce_sum3A_252 : vector<16xf32>, vector<16xi1> -> vector<16xf32>
      %reduce_sum3A_254 = vector.extract %reduce_sum3A_253[15] : f32 from vector<16xf32>
      %broadcast_in_dim3A_255 = vector.broadcast %reduce_sum3A_254 : f32 to vector<16xf32>
      %select_n3A_256 = arith.select %eq3A_246, %broadcast_in_dim3A_255, %scan3A_182 : vector<16xi1>, vector<16xf32>
      scf.yield %select_n3A, %select_n3A_256 : vector<16xf32>, vector<16xf32>
    }
    %scan3A_97 = arith.constant 16 : i32
    %get3A = arith.constant 0 : i32
    %get3A_98 = arith.index_cast %get3A : i32 to index
    %get3A_99 = arith.constant 0 : index
    %get3A_100 = tpu.vector_load %arg24[%get3A_98, %get3A_99] {strides = array<i32>} : memref<2x16xi32, #tpu.memory_space<vmem>>, vector<16xi32>,
    %get3A_101 = arith.constant 1 : i32
    %get3A_102 = arith.index_cast %get3A_101 : i32 to index
    %get3A_103 = arith.constant 0 : index
    %get3A_104 = tpu.vector_load %arg24[%get3A_102, %get3A_103] {strides = array<i32>} : memref<2x16xi32, #tpu.memory_space<vmem>>, vector<16xi32>,
    %shift_right_logical3A = arith.constant 7 : i32
    %shift_right_logical3A_105 = vector.broadcast %shift_right_logical3A : i32 to vector<16xi32>
    %shift_right_logical3A_106 = arith.shrui %get3A_100, %shift_right_logical3A_105 : vector<16xi32>
    %and3A = arith.constant 127 : i32
    %and3A_107 = vector.broadcast %and3A : i32 to vector<16xi32>
    %and3A_108 = arith.andi %get3A_100, %and3A_107 : vector<16xi32>
    %shift_right_logical3A_109 = arith.constant 7 : i32
    %shift_right_logical3A_110 = vector.broadcast %shift_right_logical3A_109 : i32 to vector<16xi32>
    %shift_right_logical3A_111 = arith.shrui %get3A_104, %shift_right_logical3A_110 : vector<16xi32>
    %and3A_112 = arith.constant 127 : i32
    %and3A_113 = vector.broadcast %and3A_112 : i32 to vector<16xi32>
    %and3A_114 = arith.andi %get3A_104, %and3A_113 : vector<16xi32>
    %gather3A = tpu.vector_load_idx %arg18[%shift_right_logical3A_106, %and3A_108] : memref<79x128xf32, #tpu.memory_space<vmem>>[vector<16xi32>, vector<16xi32>], vector<16xf32>,
    %gather3A_115 = tpu.vector_load_idx %arg18[%shift_right_logical3A_111, %and3A_114] : memref<79x128xf32, #tpu.memory_space<vmem>>[vector<16xi32>, vector<16xi32>], vector<16xf32>,
    %gather3A_116 = tpu.vector_load_idx %arg19[%shift_right_logical3A_106, %and3A_108] : memref<79x128xf32, #tpu.memory_space<vmem>>[vector<16xi32>, vector<16xi32>], vector<16xf32>,
    %gather3A_117 = tpu.vector_load_idx %arg19[%shift_right_logical3A_111, %and3A_114] : memref<79x128xf32, #tpu.memory_space<vmem>>[vector<16xi32>, vector<16xi32>], vector<16xf32>,
    %neg3A = arith.constant 0.000000e+00 : f32
    %neg3A_118 = vector.broadcast %neg3A : f32 to vector<16xf32>
    %neg3A_119 = arith.subf %neg3A_118, %scan3A_96#0 : vector<16xf32>
    %exp3A = math.exp %neg3A_119 : vector<16xf32>
    %add3A_120 = arith.constant 1.000000e+00 : f32
    %add3A_121 = vector.broadcast %add3A_120 : f32 to vector<16xf32>
    %add3A_122 = arith.addf %add3A_121, %exp3A : vector<16xf32>
    %div3A = arith.constant 1.000000e+00 : f32
    %div3A_123 = vector.broadcast %div3A : f32 to vector<16xf32>
    %div3A_124 = arith.divf %div3A_123, %add3A_122 : vector<16xf32>
    %mul3A_125 = arith.mulf %gather3A, %gather3A_115 : vector<16xf32>
    %add3A_126 = arith.constant 9.99999993E-9 : f32
    %add3A_127 = vector.broadcast %add3A_126 : f32 to vector<16xf32>
    %add3A_128 = arith.addf %mul3A_125, %add3A_127 : vector<16xf32>
    %div3A_129 = arith.divf %div3A_124, %add3A_128 : vector<16xf32>
    %neg3A_130 = arith.constant 0.000000e+00 : f32
    %neg3A_131 = vector.broadcast %neg3A_130 : f32 to vector<16xf32>
    %neg3A_132 = arith.subf %neg3A_131, %div3A_129 : vector<16xf32>
    %exp3A_133 = math.exp %neg3A_132 : vector<16xf32>
    %add3A_134 = arith.constant 1.000000e+00 : f32
    %add3A_135 = vector.broadcast %add3A_134 : f32 to vector<16xf32>
    %add3A_136 = arith.addf %add3A_135, %exp3A_133 : vector<16xf32>
    %div3A_137 = arith.constant 1.000000e+00 : f32
    %div3A_138 = vector.broadcast %div3A_137 : f32 to vector<16xf32>
    %div3A_139 = arith.divf %div3A_138, %add3A_136 : vector<16xf32>
    %neg3A_140 = arith.constant 0.000000e+00 : f32
    %neg3A_141 = vector.broadcast %neg3A_140 : f32 to vector<16xf32>
    %neg3A_142 = arith.subf %neg3A_141, %scan3A_96#1 : vector<16xf32>
    %exp3A_143 = math.exp %neg3A_142 : vector<16xf32>
    %add3A_144 = arith.constant 1.000000e+00 : f32
    %add3A_145 = vector.broadcast %add3A_144 : f32 to vector<16xf32>
    %add3A_146 = arith.addf %add3A_145, %exp3A_143 : vector<16xf32>
    %div3A_147 = arith.constant 1.000000e+00 : f32
    %div3A_148 = vector.broadcast %div3A_147 : f32 to vector<16xf32>
    %div3A_149 = arith.divf %div3A_148, %add3A_146 : vector<16xf32>
    %mul3A_150 = arith.mulf %gather3A_116, %gather3A_117 : vector<16xf32>
    %add3A_151 = arith.constant 9.99999993E-9 : f32
    %add3A_152 = vector.broadcast %add3A_151 : f32 to vector<16xf32>
    %add3A_153 = arith.addf %mul3A_150, %add3A_152 : vector<16xf32>
    %div3A_154 = arith.divf %div3A_149, %add3A_153 : vector<16xf32>
    %neg3A_155 = arith.constant 0.000000e+00 : f32
    %neg3A_156 = vector.broadcast %neg3A_155 : f32 to vector<16xf32>
    %neg3A_157 = arith.subf %neg3A_156, %div3A_154 : vector<16xf32>
    %exp3A_158 = math.exp %neg3A_157 : vector<16xf32>
    %add3A_159 = arith.constant 1.000000e+00 : f32
    %add3A_160 = vector.broadcast %add3A_159 : f32 to vector<16xf32>
    %add3A_161 = arith.addf %add3A_160, %exp3A_158 : vector<16xf32>
    %div3A_162 = arith.constant 1.000000e+00 : f32
    %div3A_163 = vector.broadcast %div3A_162 : f32 to vector<16xf32>
    %div3A_164 = arith.divf %div3A_163, %add3A_161 : vector<16xf32>
    %swap3A = arith.constant 0 : i32
    %swap3A_165 = arith.index_cast %swap3A : i32 to index
    %swap3A_166 = arith.constant 0 : index
    %swap3A_167 = tpu.vector_load %arg22[%swap3A_165, %swap3A_166] {strides = array<i32>} : memref<4x128xf32, #tpu.memory_space<vmem>>, vector<16xf32>,
    tpu.vector_store %arg22[%swap3A_165, %swap3A_166], %div3A_139 {strides = array<i32>} : memref<4x128xf32, #tpu.memory_space<vmem>>, vector<16xf32>,
    %swap3A_168 = arith.constant 1 : i32
    %swap3A_169 = arith.index_cast %swap3A_168 : i32 to index
    %swap3A_170 = arith.constant 0 : index
    %swap3A_171 = tpu.vector_load %arg22[%swap3A_169, %swap3A_170] {strides = array<i32>} : memref<4x128xf32, #tpu.memory_space<vmem>>, vector<16xf32>,
    tpu.vector_store %arg22[%swap3A_169, %swap3A_170], %div3A_164 {strides = array<i32>} : memref<4x128xf32, #tpu.memory_space<vmem>>, vector<16xf32>,
    tpu.vector_store_idx %arg20[%shift_right_logical3A_111, %and3A_114], %div3A_139 {add = true} : memref<79x128xf32, #tpu.memory_space<vmem>>[vector<16xi32>, vector<16xi32>], vector<16xf32>,
    tpu.vector_store_idx %arg21[%shift_right_logical3A_111, %and3A_114], %div3A_164 {add = true} : memref<79x128xf32, #tpu.memory_space<vmem>>[vector<16xi32>, vector<16xi32>], vector<16xf32>,
    %run_scoped3A_172 = arith.constant 0 : i32
    "tpu.region"() ({
      %run_scoped3A_180 = tpu.sem_alloc : memref<!tpu.dma_semaphore, #tpu.memory_space<semaphore_mem>>
      %dma_start3A_181 = arith.constant 0 : i32
      %dma_start3A_182 = tpu.memref_slice %arg22[%run_scoped3A_172, %dma_start3A_181] : memref<4x128xf32, #tpu.memory_space<vmem>> -> memref<1x16xf32, #tpu.memory_space<vmem>>
      %dma_start3A_183 = tpu.memref_squeeze %dma_start3A_182 : memref<1x16xf32, #tpu.memory_space<vmem>> -> memref<16xf32, #tpu.memory_space<vmem>>
      %dma_start3A_184 = tpu.memref_slice %arg7[%add3A_85] : memref<320000xf32, #tpu.memory_space<hbm>> -> memref<16xf32, #tpu.memory_space<hbm>>
      %dma_start3A_185 = tpu.memref_slice %arg7[%add3A_85] : memref<320000xf32, #tpu.memory_space<hbm>> -> memref<16xf32, #tpu.memory_space<hbm>>
      %dma_start3A_186 = arith.constant 0 : i32
      %dma_start3A_187 = tpu.memref_slice %arg22[%run_scoped3A_172, %dma_start3A_186] : memref<4x128xf32, #tpu.memory_space<vmem>> -> memref<1x16xf32, #tpu.memory_space<vmem>>
      %dma_start3A_188 = tpu.memref_squeeze %dma_start3A_187 : memref<1x16xf32, #tpu.memory_space<vmem>> -> memref<16xf32, #tpu.memory_space<vmem>>
      tpu.enqueue_dma source(%dma_start3A_188 : memref<16xf32, #tpu.memory_space<vmem>>) target(%dma_start3A_185 : memref<16xf32, #tpu.memory_space<hbm>>) target_semaphore(%run_scoped3A_180 : memref<!tpu.dma_semaphore, #tpu.memory_space<semaphore_mem>>)
      %dma_wait3A_189 = arith.constant 0 : i32
      %dma_wait3A_190 = tpu.memref_slice %arg22[%run_scoped3A_172, %dma_wait3A_189] : memref<4x128xf32, #tpu.memory_space<vmem>> -> memref<1x16xf32, #tpu.memory_space<vmem>>
      %dma_wait3A_191 = tpu.memref_squeeze %dma_wait3A_190 : memref<1x16xf32, #tpu.memory_space<vmem>> -> memref<16xf32, #tpu.memory_space<vmem>>
      %dma_wait3A_192 = tpu.memref_slice %arg7[%add3A_85] : memref<320000xf32, #tpu.memory_space<hbm>> -> memref<16xf32, #tpu.memory_space<hbm>>
      %dma_wait3A_193 = tpu.memref_slice %arg7[%add3A_85] : memref<320000xf32, #tpu.memory_space<hbm>> -> memref<16xf32, #tpu.memory_space<hbm>>
      %dma_wait3A_194 = arith.constant 0 : i32
      %dma_wait3A_195 = tpu.memref_slice %arg22[%run_scoped3A_172, %dma_wait3A_194] : memref<4x128xf32, #tpu.memory_space<vmem>> -> memref<1x16xf32, #tpu.memory_space<vmem>>
      %dma_wait3A_196 = tpu.memref_squeeze %dma_wait3A_195 : memref<1x16xf32, #tpu.memory_space<vmem>> -> memref<16xf32, #tpu.memory_space<vmem>>
      tpu.wait_dma2 semaphore(%run_scoped3A_180 : memref<!tpu.dma_semaphore, #tpu.memory_space<semaphore_mem>>) src(%dma_wait3A_196 : memref<16xf32, #tpu.memory_space<vmem>>) dst(%dma_wait3A_193 : memref<16xf32, #tpu.memory_space<hbm>>)
      tpu.yield
    }) : () -> ()
    %run_scoped3A_173 = arith.constant 1 : i32
    "tpu.region"() ({
      %run_scoped3A_180 = tpu.sem_alloc : memref<!tpu.dma_semaphore, #tpu.memory_space<semaphore_mem>>
      %dma_start3A_181 = arith.constant 0 : i32
      %dma_start3A_182 = tpu.memref_slice %arg22[%run_scoped3A_173, %dma_start3A_181] : memref<4x128xf32, #tpu.memory_space<vmem>> -> memref<1x16xf32, #tpu.memory_space<vmem>>
      %dma_start3A_183 = tpu.memref_squeeze %dma_start3A_182 : memref<1x16xf32, #tpu.memory_space<vmem>> -> memref<16xf32, #tpu.memory_space<vmem>>
      %dma_start3A_184 = tpu.memref_slice %arg8[%add3A_85] : memref<320000xf32, #tpu.memory_space<hbm>> -> memref<16xf32, #tpu.memory_space<hbm>>
      %dma_start3A_185 = tpu.memref_slice %arg8[%add3A_85] : memref<320000xf32, #tpu.memory_space<hbm>> -> memref<16xf32, #tpu.memory_space<hbm>>
      %dma_start3A_186 = arith.constant 0 : i32
      %dma_start3A_187 = tpu.memref_slice %arg22[%run_scoped3A_173, %dma_start3A_186] : memref<4x128xf32, #tpu.memory_space<vmem>> -> memref<1x16xf32, #tpu.memory_space<vmem>>
      %dma_start3A_188 = tpu.memref_squeeze %dma_start3A_187 : memref<1x16xf32, #tpu.memory_space<vmem>> -> memref<16xf32, #tpu.memory_space<vmem>>
      tpu.enqueue_dma source(%dma_start3A_188 : memref<16xf32, #tpu.memory_space<vmem>>) target(%dma_start3A_185 : memref<16xf32, #tpu.memory_space<hbm>>) target_semaphore(%run_scoped3A_180 : memref<!tpu.dma_semaphore, #tpu.memory_space<semaphore_mem>>)
      %dma_wait3A_189 = arith.constant 0 : i32
      %dma_wait3A_190 = tpu.memref_slice %arg22[%run_scoped3A_173, %dma_wait3A_189] : memref<4x128xf32, #tpu.memory_space<vmem>> -> memref<1x16xf32, #tpu.memory_space<vmem>>
      %dma_wait3A_191 = tpu.memref_squeeze %dma_wait3A_190 : memref<1x16xf32, #tpu.memory_space<vmem>> -> memref<16xf32, #tpu.memory_space<vmem>>
      %dma_wait3A_192 = tpu.memref_slice %arg8[%add3A_85] : memref<320000xf32, #tpu.memory_space<hbm>> -> memref<16xf32, #tpu.memory_space<hbm>>
      %dma_wait3A_193 = tpu.memref_slice %arg8[%add3A_85] : memref<320000xf32, #tpu.memory_space<hbm>> -> memref<16xf32, #tpu.memory_space<hbm>>
      %dma_wait3A_194 = arith.constant 0 : i32
      %dma_wait3A_195 = tpu.memref_slice %arg22[%run_scoped3A_173, %dma_wait3A_194] : memref<4x128xf32, #tpu.memory_space<vmem>> -> memref<1x16xf32, #tpu.memory_space<vmem>>
      %dma_wait3A_196 = tpu.memref_squeeze %dma_wait3A_195 : memref<1x16xf32, #tpu.memory_space<vmem>> -> memref<16xf32, #tpu.memory_space<vmem>>
      tpu.wait_dma2 semaphore(%run_scoped3A_180 : memref<!tpu.dma_semaphore, #tpu.memory_space<semaphore_mem>>) src(%dma_wait3A_196 : memref<16xf32, #tpu.memory_space<vmem>>) dst(%dma_wait3A_193 : memref<16xf32, #tpu.memory_space<hbm>>)
      tpu.yield
    }) : () -> ()
    %barrier3A = arith.constant 0 : index
    tpu.barrier barrier_id(%barrier3A)
    "tpu.region"() ({
      %run_scoped3A_180 = tpu.sem_alloc : memref<!tpu.dma_semaphore, #tpu.memory_space<semaphore_mem>>
      %dma_start3A_181 = arith.constant 0 : i32
      %dma_start3A_182 = arith.constant 0 : i32
      %dma_start3A_183 = tpu.memref_slice %arg25[%dma_start3A_181, %dma_start3A_182] : memref<79x128xf32, #tpu.memory_space<vmem_shared>> -> memref<79x128xf32, #tpu.memory_space<vmem_shared>>
      tpu.enqueue_indirect_dma source(%arg20 : memref<79x128xf32, #tpu.memory_space<vmem>>) target(%dma_start3A_183 : memref<79x128xf32, #tpu.memory_space<vmem_shared>>) offsets(%arg23 : memref<79xi32, #tpu.memory_space<vmem>>) semaphore(%run_scoped3A_180 : memref<!tpu.dma_semaphore, #tpu.memory_space<semaphore_mem>>) {add = true}
      %dma_wait3A_184 = arith.constant 0 : i32
      %dma_wait3A_185 = arith.constant 0 : i32
      %dma_wait3A_186 = tpu.memref_slice %arg25[%dma_wait3A_184, %dma_wait3A_185] : memref<79x128xf32, #tpu.memory_space<vmem_shared>> -> memref<79x128xf32, #tpu.memory_space<vmem_shared>>
      tpu.wait_indirect_dma semaphore(%run_scoped3A_180 : memref<!tpu.dma_semaphore, #tpu.memory_space<semaphore_mem>>) src(%arg20 : memref<79x128xf32, #tpu.memory_space<vmem>>) dst(%dma_wait3A_186 : memref<79x128xf32, #tpu.memory_space<vmem_shared>>)
      tpu.yield
    }) : () -> ()
    "tpu.region"() ({
      %run_scoped3A_180 = tpu.sem_alloc : memref<!tpu.dma_semaphore, #tpu.memory_space<semaphore_mem>>
      %dma_start3A_181 = arith.constant 0 : i32
      %dma_start3A_182 = arith.constant 0 : i32
      %dma_start3A_183 = tpu.memref_slice %arg26[%dma_start3A_181, %dma_start3A_182] : memref<79x128xf32, #tpu.memory_space<vmem_shared>> -> memref<79x128xf32, #tpu.memory_space<vmem_shared>>
      tpu.enqueue_indirect_dma source(%arg21 : memref<79x128xf32, #tpu.memory_space<vmem>>) target(%dma_start3A_183 : memref<79x128xf32, #tpu.memory_space<vmem_shared>>) offsets(%arg23 : memref<79xi32, #tpu.memory_space<vmem>>) semaphore(%run_scoped3A_180 : memref<!tpu.dma_semaphore, #tpu.memory_space<semaphore_mem>>) {add = true}
      %dma_wait3A_184 = arith.constant 0 : i32
      %dma_wait3A_185 = arith.constant 0 : i32
      %dma_wait3A_186 = tpu.memref_slice %arg26[%dma_wait3A_184, %dma_wait3A_185] : memref<79x128xf32, #tpu.memory_space<vmem_shared>> -> memref<79x128xf32, #tpu.memory_space<vmem_shared>>
      tpu.wait_indirect_dma semaphore(%run_scoped3A_180 : memref<!tpu.dma_semaphore, #tpu.memory_space<semaphore_mem>>) src(%arg21 : memref<79x128xf32, #tpu.memory_space<vmem>>) dst(%dma_wait3A_186 : memref<79x128xf32, #tpu.memory_space<vmem_shared>>)
      tpu.yield
    }) : () -> ()
    %barrier3A_174 = arith.constant 0 : index
    tpu.barrier barrier_id(%barrier3A_174)
    %eq3A_175 = arith.constant 0 : i32
    %eq3A_176 = arith.cmpi eq, %arg1, %eq3A_175 : i32
    %convert_element_type3A_177 = arith.extui %eq3A_176 : i1 to i32
    %cond3A_178 = arith.constant 0 : i32
    %cond3A_179 = arith.cmpi ne, %convert_element_type3A_177, %cond3A_178 : i32
    scf.if %cond3A_179 {
      %run_scoped3A_180 = arith.constant 0 : i32
      "tpu.region"() ({
        %run_scoped3A_182 = tpu.sem_alloc : memref<!tpu.dma_semaphore, #tpu.memory_space<semaphore_mem>>
        %dma_start3A_183 = arith.constant 0 : i32
        %dma_start3A_184 = arith.constant 0 : i32
        %dma_start3A_185 = tpu.memref_slice %arg9[%arg0, %run_scoped3A_180, %dma_start3A_183, %dma_start3A_184] : memref<2x2x79x128xf32, #tpu.memory_space<hbm>> -> memref<1x1x79x128xf32, #tpu.memory_space<hbm>>
        %dma_start3A_186 = tpu.memref_squeeze %dma_start3A_185 : memref<1x1x79x128xf32, #tpu.memory_space<hbm>> -> memref<79x128xf32, #tpu.memory_space<hbm>>
        tpu.enqueue_dma source(%arg25 : memref<79x128xf32, #tpu.memory_space<vmem_shared>>) target(%dma_start3A_186 : memref<79x128xf32, #tpu.memory_space<hbm>>) target_semaphore(%run_scoped3A_182 : memref<!tpu.dma_semaphore, #tpu.memory_space<semaphore_mem>>)
        %dma_wait3A_187 = arith.constant 0 : i32
        %dma_wait3A_188 = arith.constant 0 : i32
        %dma_wait3A_189 = tpu.memref_slice %arg9[%arg0, %run_scoped3A_180, %dma_wait3A_187, %dma_wait3A_188] : memref<2x2x79x128xf32, #tpu.memory_space<hbm>> -> memref<1x1x79x128xf32, #tpu.memory_space<hbm>>
        %dma_wait3A_190 = tpu.memref_squeeze %dma_wait3A_189 : memref<1x1x79x128xf32, #tpu.memory_space<hbm>> -> memref<79x128xf32, #tpu.memory_space<hbm>>
        tpu.wait_dma2 semaphore(%run_scoped3A_182 : memref<!tpu.dma_semaphore, #tpu.memory_space<semaphore_mem>>) src(%arg25 : memref<79x128xf32, #tpu.memory_space<vmem_shared>>) dst(%dma_wait3A_190 : memref<79x128xf32, #tpu.memory_space<hbm>>)
        tpu.yield
      }) : () -> ()
      %run_scoped3A_181 = arith.constant 1 : i32
      "tpu.region"() ({
        %run_scoped3A_182 = tpu.sem_alloc : memref<!tpu.dma_semaphore, #tpu.memory_space<semaphore_mem>>
        %dma_start3A_183 = arith.constant 0 : i32
        %dma_start3A_184 = arith.constant 0 : i32
        %dma_start3A_185 = tpu.memref_slice %arg9[%arg0, %run_scoped3A_181, %dma_start3A_183, %dma_start3A_184] : memref<2x2x79x128xf32, #tpu.memory_space<hbm>> -> memref<1x1x79x128xf32, #tpu.memory_space<hbm>>
        %dma_start3A_186 = tpu.memref_squeeze %dma_start3A_185 : memref<1x1x79x128xf32, #tpu.memory_space<hbm>> -> memref<79x128xf32, #tpu.memory_space<hbm>>
        tpu.enqueue_dma source(%arg26 : memref<79x128xf32, #tpu.memory_space<vmem_shared>>) target(%dma_start3A_186 : memref<79x128xf32, #tpu.memory_space<hbm>>) target_semaphore(%run_scoped3A_182 : memref<!tpu.dma_semaphore, #tpu.memory_space<semaphore_mem>>)
        %dma_wait3A_187 = arith.constant 0 : i32
        %dma_wait3A_188 = arith.constant 0 : i32
        %dma_wait3A_189 = tpu.memref_slice %arg9[%arg0, %run_scoped3A_181, %dma_wait3A_187, %dma_wait3A_188] : memref<2x2x79x128xf32, #tpu.memory_space<hbm>> -> memref<1x1x79x128xf32, #tpu.memory_space<hbm>>
        %dma_wait3A_190 = tpu.memref_squeeze %dma_wait3A_189 : memref<1x1x79x128xf32, #tpu.memory_space<hbm>> -> memref<79x128xf32, #tpu.memory_space<hbm>>
        tpu.wait_dma2 semaphore(%run_scoped3A_182 : memref<!tpu.dma_semaphore, #tpu.memory_space<semaphore_mem>>) src(%arg26 : memref<79x128xf32, #tpu.memory_space<vmem_shared>>) dst(%dma_wait3A_190 : memref<79x128xf32, #tpu.memory_space<hbm>>)
        tpu.yield
      }) : () -> ()
    } else {
    }
    return
  }
}

#map = affine_map<(d0, d1) -> (0, 0)>
#map1 = affine_map<(d0, d1) -> (0)>
#map2 = affine_map<(d0, d1) -> (0, 0, 0)>
module attributes {stable_mosaic.version = 14 : i64} {
  func.func @_sc2_body(%arg0: i32, %arg1: i32, %arg2: memref<10000x128xf32, #tpu.memory_space<hbm>>, %arg3: memref<320000xi32, #tpu.memory_space<hbm>>, %arg4: memref<320000xi32, #tpu.memory_space<hbm>>, %arg5: memref<320000xf32, #tpu.memory_space<hbm>>, %arg6: memref<320000xf32, #tpu.memory_space<hbm>>, %arg7: memref<2x79x128xf32, #tpu.memory_space<hbm>>, %arg8: memref<2x10112x128xf32, #tpu.memory_space<hbm>>, %arg9: memref<80xi32, #tpu.memory_space<vmem>>, %arg10: memref<80xi32, #tpu.memory_space<vmem>>, %arg11: memref<80xf32, #tpu.memory_space<vmem>>, %arg12: memref<80xf32, #tpu.memory_space<vmem>>, %arg13: memref<96xf32, #tpu.memory_space<vmem>>, %arg14: memref<80x128xf32, #tpu.memory_space<vmem>>, %arg15: memref<79x128xf32, #tpu.memory_space<vmem>>, %arg16: memref<79x128xf32, #tpu.memory_space<vmem>>, %arg17: memref<104x128xf32, #tpu.memory_space<vmem>>, %arg18: memref<10112x128xf32, #tpu.memory_space<vmem_shared>>) attributes {dimension_semantics = [#tpu.dimension_semantics<core_parallel>, #tpu.dimension_semantics<subcore_parallel>], iteration_bounds = array<i64: 2, 16>, scalar_prefetch = 0 : i64, scratch_operands = 10 : i64, tpu.core_type = #tpu.core_type<sc_vector_subcore>, window_params = [{transform_indices = #map}, {transform_indices = #map1}, {transform_indices = #map1}, {transform_indices = #map1}, {transform_indices = #map1}, {transform_indices = #map2}, {transform_indices = #map2}]} {
    %mul3A = arith.constant 2 : i32
    %mul3A_0 = arith.muli %arg1, %mul3A : i32
    %add3A = arith.addi %mul3A_0, %arg0 : i32
    %mul3A_1 = arith.constant 10000 : i32
    %mul3A_2 = arith.muli %add3A, %mul3A_1 : i32
    %run_scoped3A = arith.constant 0 : i32
    "tpu.region"() ({
      %run_scoped3A_33 = tpu.sem_alloc : memref<!tpu.dma_semaphore, #tpu.memory_space<semaphore_mem>>
      %dma_start3A = arith.constant 0 : i32
      %dma_start3A_34 = arith.constant 0 : i32
      %dma_start3A_35 = tpu.memref_slice %arg7[%run_scoped3A, %dma_start3A, %dma_start3A_34] : memref<2x79x128xf32, #tpu.memory_space<hbm>> -> memref<1x79x128xf32, #tpu.memory_space<hbm>>
      %dma_start3A_36 = tpu.memref_squeeze %dma_start3A_35 : memref<1x79x128xf32, #tpu.memory_space<hbm>> -> memref<79x128xf32, #tpu.memory_space<hbm>>
      %dma_start3A_37 = arith.constant 0 : i32
      %dma_start3A_38 = arith.constant 0 : i32
      %dma_start3A_39 = tpu.memref_slice %arg7[%run_scoped3A, %dma_start3A_37, %dma_start3A_38] : memref<2x79x128xf32, #tpu.memory_space<hbm>> -> memref<1x79x128xf32, #tpu.memory_space<hbm>>
      %dma_start3A_40 = tpu.memref_squeeze %dma_start3A_39 : memref<1x79x128xf32, #tpu.memory_space<hbm>> -> memref<79x128xf32, #tpu.memory_space<hbm>>
      tpu.enqueue_dma source(%dma_start3A_40 : memref<79x128xf32, #tpu.memory_space<hbm>>) target(%arg15 : memref<79x128xf32, #tpu.memory_space<vmem>>) target_semaphore(%run_scoped3A_33 : memref<!tpu.dma_semaphore, #tpu.memory_space<semaphore_mem>>)
      %dma_wait3A = arith.constant 0 : i32
      %dma_wait3A_41 = arith.constant 0 : i32
      %dma_wait3A_42 = tpu.memref_slice %arg7[%run_scoped3A, %dma_wait3A, %dma_wait3A_41] : memref<2x79x128xf32, #tpu.memory_space<hbm>> -> memref<1x79x128xf32, #tpu.memory_space<hbm>>
      %dma_wait3A_43 = tpu.memref_squeeze %dma_wait3A_42 : memref<1x79x128xf32, #tpu.memory_space<hbm>> -> memref<79x128xf32, #tpu.memory_space<hbm>>
      %dma_wait3A_44 = arith.constant 0 : i32
      %dma_wait3A_45 = arith.constant 0 : i32
      %dma_wait3A_46 = tpu.memref_slice %arg7[%run_scoped3A, %dma_wait3A_44, %dma_wait3A_45] : memref<2x79x128xf32, #tpu.memory_space<hbm>> -> memref<1x79x128xf32, #tpu.memory_space<hbm>>
      %dma_wait3A_47 = tpu.memref_squeeze %dma_wait3A_46 : memref<1x79x128xf32, #tpu.memory_space<hbm>> -> memref<79x128xf32, #tpu.memory_space<hbm>>
      tpu.wait_dma2 semaphore(%run_scoped3A_33 : memref<!tpu.dma_semaphore, #tpu.memory_space<semaphore_mem>>) src(%dma_wait3A_47 : memref<79x128xf32, #tpu.memory_space<hbm>>) dst(%arg15 : memref<79x128xf32, #tpu.memory_space<vmem>>)
      tpu.yield
    }) : () -> ()
    %run_scoped3A_3 = arith.constant 1 : i32
    "tpu.region"() ({
      %run_scoped3A_33 = tpu.sem_alloc : memref<!tpu.dma_semaphore, #tpu.memory_space<semaphore_mem>>
      %dma_start3A = arith.constant 0 : i32
      %dma_start3A_34 = arith.constant 0 : i32
      %dma_start3A_35 = tpu.memref_slice %arg7[%run_scoped3A_3, %dma_start3A, %dma_start3A_34] : memref<2x79x128xf32, #tpu.memory_space<hbm>> -> memref<1x79x128xf32, #tpu.memory_space<hbm>>
      %dma_start3A_36 = tpu.memref_squeeze %dma_start3A_35 : memref<1x79x128xf32, #tpu.memory_space<hbm>> -> memref<79x128xf32, #tpu.memory_space<hbm>>
      %dma_start3A_37 = arith.constant 0 : i32
      %dma_start3A_38 = arith.constant 0 : i32
      %dma_start3A_39 = tpu.memref_slice %arg7[%run_scoped3A_3, %dma_start3A_37, %dma_start3A_38] : memref<2x79x128xf32, #tpu.memory_space<hbm>> -> memref<1x79x128xf32, #tpu.memory_space<hbm>>
      %dma_start3A_40 = tpu.memref_squeeze %dma_start3A_39 : memref<1x79x128xf32, #tpu.memory_space<hbm>> -> memref<79x128xf32, #tpu.memory_space<hbm>>
      tpu.enqueue_dma source(%dma_start3A_40 : memref<79x128xf32, #tpu.memory_space<hbm>>) target(%arg16 : memref<79x128xf32, #tpu.memory_space<vmem>>) target_semaphore(%run_scoped3A_33 : memref<!tpu.dma_semaphore, #tpu.memory_space<semaphore_mem>>)
      %dma_wait3A = arith.constant 0 : i32
      %dma_wait3A_41 = arith.constant 0 : i32
      %dma_wait3A_42 = tpu.memref_slice %arg7[%run_scoped3A_3, %dma_wait3A, %dma_wait3A_41] : memref<2x79x128xf32, #tpu.memory_space<hbm>> -> memref<1x79x128xf32, #tpu.memory_space<hbm>>
      %dma_wait3A_43 = tpu.memref_squeeze %dma_wait3A_42 : memref<1x79x128xf32, #tpu.memory_space<hbm>> -> memref<79x128xf32, #tpu.memory_space<hbm>>
      %dma_wait3A_44 = arith.constant 0 : i32
      %dma_wait3A_45 = arith.constant 0 : i32
      %dma_wait3A_46 = tpu.memref_slice %arg7[%run_scoped3A_3, %dma_wait3A_44, %dma_wait3A_45] : memref<2x79x128xf32, #tpu.memory_space<hbm>> -> memref<1x79x128xf32, #tpu.memory_space<hbm>>
      %dma_wait3A_47 = tpu.memref_squeeze %dma_wait3A_46 : memref<1x79x128xf32, #tpu.memory_space<hbm>> -> memref<79x128xf32, #tpu.memory_space<hbm>>
      tpu.wait_dma2 semaphore(%run_scoped3A_33 : memref<!tpu.dma_semaphore, #tpu.memory_space<semaphore_mem>>) src(%dma_wait3A_47 : memref<79x128xf32, #tpu.memory_space<hbm>>) dst(%arg16 : memref<79x128xf32, #tpu.memory_space<vmem>>)
      tpu.yield
    }) : () -> ()
    %broadcast_in_dim3A = arith.constant 0.000000e+00 : f32
    %broadcast_in_dim3A_4 = vector.broadcast %broadcast_in_dim3A : f32 to vector<16xf32>
    %scan3A = arith.constant 0 : i32
    %scan3A_5 = arith.constant 0 : i32
    %scan3A_6 = arith.constant 104 : i32
    %scan3A_7 = arith.addi %scan3A_5, %scan3A_6 : i32
    %scan3A_8 = arith.constant 1 : i32
    scf.for %scan3A_33 = %scan3A_5 to %scan3A_7 step %scan3A_8  : i32 {
      %swap3A = arith.index_cast %scan3A_33 : i32 to index
      %swap3A_34 = arith.constant 0 : index
      %swap3A_35 = tpu.vector_load %arg17[%swap3A, %swap3A_34] {strides = array<i32>} : memref<104x128xf32, #tpu.memory_space<vmem>>, vector<16xf32>,
      tpu.vector_store %arg17[%swap3A, %swap3A_34], %broadcast_in_dim3A_4 {strides = array<i32>} : memref<104x128xf32, #tpu.memory_space<vmem>>, vector<16xf32>,
      %swap3A_36 = arith.index_cast %scan3A_33 : i32 to index
      %swap3A_37 = arith.constant 16 : index
      %swap3A_38 = tpu.vector_load %arg17[%swap3A_36, %swap3A_37] {strides = array<i32>} : memref<104x128xf32, #tpu.memory_space<vmem>>, vector<16xf32>,
      tpu.vector_store %arg17[%swap3A_36, %swap3A_37], %broadcast_in_dim3A_4 {strides = array<i32>} : memref<104x128xf32, #tpu.memory_space<vmem>>, vector<16xf32>,
      %swap3A_39 = arith.index_cast %scan3A_33 : i32 to index
      %swap3A_40 = arith.constant 32 : index
      %swap3A_41 = tpu.vector_load %arg17[%swap3A_39, %swap3A_40] {strides = array<i32>} : memref<104x128xf32, #tpu.memory_space<vmem>>, vector<16xf32>,
      tpu.vector_store %arg17[%swap3A_39, %swap3A_40], %broadcast_in_dim3A_4 {strides = array<i32>} : memref<104x128xf32, #tpu.memory_space<vmem>>, vector<16xf32>,
      %swap3A_42 = arith.index_cast %scan3A_33 : i32 to index
      %swap3A_43 = arith.constant 48 : index
      %swap3A_44 = tpu.vector_load %arg17[%swap3A_42, %swap3A_43] {strides = array<i32>} : memref<104x128xf32, #tpu.memory_space<vmem>>, vector<16xf32>,
      tpu.vector_store %arg17[%swap3A_42, %swap3A_43], %broadcast_in_dim3A_4 {strides = array<i32>} : memref<104x128xf32, #tpu.memory_space<vmem>>, vector<16xf32>,
      %swap3A_45 = arith.index_cast %scan3A_33 : i32 to index
      %swap3A_46 = arith.constant 64 : index
      %swap3A_47 = tpu.vector_load %arg17[%swap3A_45, %swap3A_46] {strides = array<i32>} : memref<104x128xf32, #tpu.memory_space<vmem>>, vector<16xf32>,
      tpu.vector_store %arg17[%swap3A_45, %swap3A_46], %broadcast_in_dim3A_4 {strides = array<i32>} : memref<104x128xf32, #tpu.memory_space<vmem>>, vector<16xf32>,
      %swap3A_48 = arith.index_cast %scan3A_33 : i32 to index
      %swap3A_49 = arith.constant 80 : index
      %swap3A_50 = tpu.vector_load %arg17[%swap3A_48, %swap3A_49] {strides = array<i32>} : memref<104x128xf32, #tpu.memory_space<vmem>>, vector<16xf32>,
      tpu.vector_store %arg17[%swap3A_48, %swap3A_49], %broadcast_in_dim3A_4 {strides = array<i32>} : memref<104x128xf32, #tpu.memory_space<vmem>>, vector<16xf32>,
      %swap3A_51 = arith.index_cast %scan3A_33 : i32 to index
      %swap3A_52 = arith.constant 96 : index
      %swap3A_53 = tpu.vector_load %arg17[%swap3A_51, %swap3A_52] {strides = array<i32>} : memref<104x128xf32, #tpu.memory_space<vmem>>, vector<16xf32>,
      tpu.vector_store %arg17[%swap3A_51, %swap3A_52], %broadcast_in_dim3A_4 {strides = array<i32>} : memref<104x128xf32, #tpu.memory_space<vmem>>, vector<16xf32>,
      %swap3A_54 = arith.index_cast %scan3A_33 : i32 to index
      %swap3A_55 = arith.constant 112 : index
      %swap3A_56 = tpu.vector_load %arg17[%swap3A_54, %swap3A_55] {strides = array<i32>} : memref<104x128xf32, #tpu.memory_space<vmem>>, vector<16xf32>,
      tpu.vector_store %arg17[%swap3A_54, %swap3A_55], %broadcast_in_dim3A_4 {strides = array<i32>} : memref<104x128xf32, #tpu.memory_space<vmem>>, vector<16xf32>,
    }
    %scan3A_9 = arith.constant 104 : i32
    %mul3A_10 = arith.constant 632 : i32
    %mul3A_11 = arith.muli %arg1, %mul3A_10 : i32
    %add3A_12 = arith.constant 0 : i32
    %add3A_13 = arith.addi %mul3A_11, %add3A_12 : i32
    "tpu.region"() ({
      %run_scoped3A_33 = tpu.sem_alloc : memref<!tpu.dma_semaphore, #tpu.memory_space<semaphore_mem>>
      %dma_start3A = arith.constant 0 : i32
      %dma_start3A_34 = tpu.memref_slice %arg18[%add3A_13, %dma_start3A] : memref<10112x128xf32, #tpu.memory_space<vmem_shared>> -> memref<104x128xf32, #tpu.memory_space<vmem_shared>>
      %dma_start3A_35 = arith.constant 0 : i32
      %dma_start3A_36 = tpu.memref_slice %arg18[%add3A_13, %dma_start3A_35] : memref<10112x128xf32, #tpu.memory_space<vmem_shared>> -> memref<104x128xf32, #tpu.memory_space<vmem_shared>>
      tpu.enqueue_dma source(%arg17 : memref<104x128xf32, #tpu.memory_space<vmem>>) target(%dma_start3A_36 : memref<104x128xf32, #tpu.memory_space<vmem_shared>>) target_semaphore(%run_scoped3A_33 : memref<!tpu.dma_semaphore, #tpu.memory_space<semaphore_mem>>)
      %dma_wait3A = arith.constant 0 : i32
      %dma_wait3A_37 = tpu.memref_slice %arg18[%add3A_13, %dma_wait3A] : memref<10112x128xf32, #tpu.memory_space<vmem_shared>> -> memref<104x128xf32, #tpu.memory_space<vmem_shared>>
      %dma_wait3A_38 = arith.constant 0 : i32
      %dma_wait3A_39 = tpu.memref_slice %arg18[%add3A_13, %dma_wait3A_38] : memref<10112x128xf32, #tpu.memory_space<vmem_shared>> -> memref<104x128xf32, #tpu.memory_space<vmem_shared>>
      tpu.wait_dma2 semaphore(%run_scoped3A_33 : memref<!tpu.dma_semaphore, #tpu.memory_space<semaphore_mem>>) src(%arg17 : memref<104x128xf32, #tpu.memory_space<vmem>>) dst(%dma_wait3A_39 : memref<104x128xf32, #tpu.memory_space<vmem_shared>>)
      tpu.yield
    }) : () -> ()
    %add3A_14 = arith.constant 104 : i32
    %add3A_15 = arith.addi %mul3A_11, %add3A_14 : i32
    "tpu.region"() ({
      %run_scoped3A_33 = tpu.sem_alloc : memref<!tpu.dma_semaphore, #tpu.memory_space<semaphore_mem>>
      %dma_start3A = arith.constant 0 : i32
      %dma_start3A_34 = tpu.memref_slice %arg18[%add3A_15, %dma_start3A] : memref<10112x128xf32, #tpu.memory_space<vmem_shared>> -> memref<104x128xf32, #tpu.memory_space<vmem_shared>>
      %dma_start3A_35 = arith.constant 0 : i32
      %dma_start3A_36 = tpu.memref_slice %arg18[%add3A_15, %dma_start3A_35] : memref<10112x128xf32, #tpu.memory_space<vmem_shared>> -> memref<104x128xf32, #tpu.memory_space<vmem_shared>>
      tpu.enqueue_dma source(%arg17 : memref<104x128xf32, #tpu.memory_space<vmem>>) target(%dma_start3A_36 : memref<104x128xf32, #tpu.memory_space<vmem_shared>>) target_semaphore(%run_scoped3A_33 : memref<!tpu.dma_semaphore, #tpu.memory_space<semaphore_mem>>)
      %dma_wait3A = arith.constant 0 : i32
      %dma_wait3A_37 = tpu.memref_slice %arg18[%add3A_15, %dma_wait3A] : memref<10112x128xf32, #tpu.memory_space<vmem_shared>> -> memref<104x128xf32, #tpu.memory_space<vmem_shared>>
      %dma_wait3A_38 = arith.constant 0 : i32
      %dma_wait3A_39 = tpu.memref_slice %arg18[%add3A_15, %dma_wait3A_38] : memref<10112x128xf32, #tpu.memory_space<vmem_shared>> -> memref<104x128xf32, #tpu.memory_space<vmem_shared>>
      tpu.wait_dma2 semaphore(%run_scoped3A_33 : memref<!tpu.dma_semaphore, #tpu.memory_space<semaphore_mem>>) src(%arg17 : memref<104x128xf32, #tpu.memory_space<vmem>>) dst(%dma_wait3A_39 : memref<104x128xf32, #tpu.memory_space<vmem_shared>>)
      tpu.yield
    }) : () -> ()
    %add3A_16 = arith.constant 208 : i32
    %add3A_17 = arith.addi %mul3A_11, %add3A_16 : i32
    "tpu.region"() ({
      %run_scoped3A_33 = tpu.sem_alloc : memref<!tpu.dma_semaphore, #tpu.memory_space<semaphore_mem>>
      %dma_start3A = arith.constant 0 : i32
      %dma_start3A_34 = tpu.memref_slice %arg18[%add3A_17, %dma_start3A] : memref<10112x128xf32, #tpu.memory_space<vmem_shared>> -> memref<104x128xf32, #tpu.memory_space<vmem_shared>>
      %dma_start3A_35 = arith.constant 0 : i32
      %dma_start3A_36 = tpu.memref_slice %arg18[%add3A_17, %dma_start3A_35] : memref<10112x128xf32, #tpu.memory_space<vmem_shared>> -> memref<104x128xf32, #tpu.memory_space<vmem_shared>>
      tpu.enqueue_dma source(%arg17 : memref<104x128xf32, #tpu.memory_space<vmem>>) target(%dma_start3A_36 : memref<104x128xf32, #tpu.memory_space<vmem_shared>>) target_semaphore(%run_scoped3A_33 : memref<!tpu.dma_semaphore, #tpu.memory_space<semaphore_mem>>)
      %dma_wait3A = arith.constant 0 : i32
      %dma_wait3A_37 = tpu.memref_slice %arg18[%add3A_17, %dma_wait3A] : memref<10112x128xf32, #tpu.memory_space<vmem_shared>> -> memref<104x128xf32, #tpu.memory_space<vmem_shared>>
      %dma_wait3A_38 = arith.constant 0 : i32
      %dma_wait3A_39 = tpu.memref_slice %arg18[%add3A_17, %dma_wait3A_38] : memref<10112x128xf32, #tpu.memory_space<vmem_shared>> -> memref<104x128xf32, #tpu.memory_space<vmem_shared>>
      tpu.wait_dma2 semaphore(%run_scoped3A_33 : memref<!tpu.dma_semaphore, #tpu.memory_space<semaphore_mem>>) src(%arg17 : memref<104x128xf32, #tpu.memory_space<vmem>>) dst(%dma_wait3A_39 : memref<104x128xf32, #tpu.memory_space<vmem_shared>>)
      tpu.yield
    }) : () -> ()
    %add3A_18 = arith.constant 312 : i32
    %add3A_19 = arith.addi %mul3A_11, %add3A_18 : i32
    "tpu.region"() ({
      %run_scoped3A_33 = tpu.sem_alloc : memref<!tpu.dma_semaphore, #tpu.memory_space<semaphore_mem>>
      %dma_start3A = arith.constant 0 : i32
      %dma_start3A_34 = tpu.memref_slice %arg18[%add3A_19, %dma_start3A] : memref<10112x128xf32, #tpu.memory_space<vmem_shared>> -> memref<104x128xf32, #tpu.memory_space<vmem_shared>>
      %dma_start3A_35 = arith.constant 0 : i32
      %dma_start3A_36 = tpu.memref_slice %arg18[%add3A_19, %dma_start3A_35] : memref<10112x128xf32, #tpu.memory_space<vmem_shared>> -> memref<104x128xf32, #tpu.memory_space<vmem_shared>>
      tpu.enqueue_dma source(%arg17 : memref<104x128xf32, #tpu.memory_space<vmem>>) target(%dma_start3A_36 : memref<104x128xf32, #tpu.memory_space<vmem_shared>>) target_semaphore(%run_scoped3A_33 : memref<!tpu.dma_semaphore, #tpu.memory_space<semaphore_mem>>)
      %dma_wait3A = arith.constant 0 : i32
      %dma_wait3A_37 = tpu.memref_slice %arg18[%add3A_19, %dma_wait3A] : memref<10112x128xf32, #tpu.memory_space<vmem_shared>> -> memref<104x128xf32, #tpu.memory_space<vmem_shared>>
      %dma_wait3A_38 = arith.constant 0 : i32
      %dma_wait3A_39 = tpu.memref_slice %arg18[%add3A_19, %dma_wait3A_38] : memref<10112x128xf32, #tpu.memory_space<vmem_shared>> -> memref<104x128xf32, #tpu.memory_space<vmem_shared>>
      tpu.wait_dma2 semaphore(%run_scoped3A_33 : memref<!tpu.dma_semaphore, #tpu.memory_space<semaphore_mem>>) src(%arg17 : memref<104x128xf32, #tpu.memory_space<vmem>>) dst(%dma_wait3A_39 : memref<104x128xf32, #tpu.memory_space<vmem_shared>>)
      tpu.yield
    }) : () -> ()
    %add3A_20 = arith.constant 416 : i32
    %add3A_21 = arith.addi %mul3A_11, %add3A_20 : i32
    "tpu.region"() ({
      %run_scoped3A_33 = tpu.sem_alloc : memref<!tpu.dma_semaphore, #tpu.memory_space<semaphore_mem>>
      %dma_start3A = arith.constant 0 : i32
      %dma_start3A_34 = tpu.memref_slice %arg18[%add3A_21, %dma_start3A] : memref<10112x128xf32, #tpu.memory_space<vmem_shared>> -> memref<104x128xf32, #tpu.memory_space<vmem_shared>>
      %dma_start3A_35 = arith.constant 0 : i32
      %dma_start3A_36 = tpu.memref_slice %arg18[%add3A_21, %dma_start3A_35] : memref<10112x128xf32, #tpu.memory_space<vmem_shared>> -> memref<104x128xf32, #tpu.memory_space<vmem_shared>>
      tpu.enqueue_dma source(%arg17 : memref<104x128xf32, #tpu.memory_space<vmem>>) target(%dma_start3A_36 : memref<104x128xf32, #tpu.memory_space<vmem_shared>>) target_semaphore(%run_scoped3A_33 : memref<!tpu.dma_semaphore, #tpu.memory_space<semaphore_mem>>)
      %dma_wait3A = arith.constant 0 : i32
      %dma_wait3A_37 = tpu.memref_slice %arg18[%add3A_21, %dma_wait3A] : memref<10112x128xf32, #tpu.memory_space<vmem_shared>> -> memref<104x128xf32, #tpu.memory_space<vmem_shared>>
      %dma_wait3A_38 = arith.constant 0 : i32
      %dma_wait3A_39 = tpu.memref_slice %arg18[%add3A_21, %dma_wait3A_38] : memref<10112x128xf32, #tpu.memory_space<vmem_shared>> -> memref<104x128xf32, #tpu.memory_space<vmem_shared>>
      tpu.wait_dma2 semaphore(%run_scoped3A_33 : memref<!tpu.dma_semaphore, #tpu.memory_space<semaphore_mem>>) src(%arg17 : memref<104x128xf32, #tpu.memory_space<vmem>>) dst(%dma_wait3A_39 : memref<104x128xf32, #tpu.memory_space<vmem_shared>>)
      tpu.yield
    }) : () -> ()
    %add3A_22 = arith.constant 520 : i32
    %add3A_23 = arith.addi %mul3A_11, %add3A_22 : i32
    "tpu.region"() ({
      %run_scoped3A_33 = tpu.sem_alloc : memref<!tpu.dma_semaphore, #tpu.memory_space<semaphore_mem>>
      %dma_start3A = arith.constant 0 : i32
      %dma_start3A_34 = tpu.memref_slice %arg18[%add3A_23, %dma_start3A] : memref<10112x128xf32, #tpu.memory_space<vmem_shared>> -> memref<104x128xf32, #tpu.memory_space<vmem_shared>>
      %dma_start3A_35 = arith.constant 0 : i32
      %dma_start3A_36 = tpu.memref_slice %arg18[%add3A_23, %dma_start3A_35] : memref<10112x128xf32, #tpu.memory_space<vmem_shared>> -> memref<104x128xf32, #tpu.memory_space<vmem_shared>>
      tpu.enqueue_dma source(%arg17 : memref<104x128xf32, #tpu.memory_space<vmem>>) target(%dma_start3A_36 : memref<104x128xf32, #tpu.memory_space<vmem_shared>>) target_semaphore(%run_scoped3A_33 : memref<!tpu.dma_semaphore, #tpu.memory_space<semaphore_mem>>)
      %dma_wait3A = arith.constant 0 : i32
      %dma_wait3A_37 = tpu.memref_slice %arg18[%add3A_23, %dma_wait3A] : memref<10112x128xf32, #tpu.memory_space<vmem_shared>> -> memref<104x128xf32, #tpu.memory_space<vmem_shared>>
      %dma_wait3A_38 = arith.constant 0 : i32
      %dma_wait3A_39 = tpu.memref_slice %arg18[%add3A_23, %dma_wait3A_38] : memref<10112x128xf32, #tpu.memory_space<vmem_shared>> -> memref<104x128xf32, #tpu.memory_space<vmem_shared>>
      tpu.wait_dma2 semaphore(%run_scoped3A_33 : memref<!tpu.dma_semaphore, #tpu.memory_space<semaphore_mem>>) src(%arg17 : memref<104x128xf32, #tpu.memory_space<vmem>>) dst(%dma_wait3A_39 : memref<104x128xf32, #tpu.memory_space<vmem_shared>>)
      tpu.yield
    }) : () -> ()
    %add3A_24 = arith.constant 624 : i32
    %add3A_25 = arith.addi %mul3A_11, %add3A_24 : i32
    "tpu.region"() ({
      %run_scoped3A_33 = tpu.sem_alloc : memref<!tpu.dma_semaphore, #tpu.memory_space<semaphore_mem>>
      %dma_start3A = arith.constant 0 : i32
      %dma_start3A_34 = arith.constant 0 : i32
      %dma_start3A_35 = tpu.memref_slice %arg17[%dma_start3A, %dma_start3A_34] : memref<104x128xf32, #tpu.memory_space<vmem>> -> memref<8x128xf32, #tpu.memory_space<vmem>>
      %dma_start3A_36 = arith.constant 0 : i32
      %dma_start3A_37 = tpu.memref_slice %arg18[%add3A_25, %dma_start3A_36] : memref<10112x128xf32, #tpu.memory_space<vmem_shared>> -> memref<8x128xf32, #tpu.memory_space<vmem_shared>>
      %dma_start3A_38 = arith.constant 0 : i32
      %dma_start3A_39 = tpu.memref_slice %arg18[%add3A_25, %dma_start3A_38] : memref<10112x128xf32, #tpu.memory_space<vmem_shared>> -> memref<8x128xf32, #tpu.memory_space<vmem_shared>>
      %dma_start3A_40 = arith.constant 0 : i32
      %dma_start3A_41 = arith.constant 0 : i32
      %dma_start3A_42 = tpu.memref_slice %arg17[%dma_start3A_40, %dma_start3A_41] : memref<104x128xf32, #tpu.memory_space<vmem>> -> memref<8x128xf32, #tpu.memory_space<vmem>>
      tpu.enqueue_dma source(%dma_start3A_42 : memref<8x128xf32, #tpu.memory_space<vmem>>) target(%dma_start3A_39 : memref<8x128xf32, #tpu.memory_space<vmem_shared>>) target_semaphore(%run_scoped3A_33 : memref<!tpu.dma_semaphore, #tpu.memory_space<semaphore_mem>>)
      %dma_wait3A = arith.constant 0 : i32
      %dma_wait3A_43 = arith.constant 0 : i32
      %dma_wait3A_44 = tpu.memref_slice %arg17[%dma_wait3A, %dma_wait3A_43] : memref<104x128xf32, #tpu.memory_space<vmem>> -> memref<8x128xf32, #tpu.memory_space<vmem>>
      %dma_wait3A_45 = arith.constant 0 : i32
      %dma_wait3A_46 = tpu.memref_slice %arg18[%add3A_25, %dma_wait3A_45] : memref<10112x128xf32, #tpu.memory_space<vmem_shared>> -> memref<8x128xf32, #tpu.memory_space<vmem_shared>>
      %dma_wait3A_47 = arith.constant 0 : i32
      %dma_wait3A_48 = tpu.memref_slice %arg18[%add3A_25, %dma_wait3A_47] : memref<10112x128xf32, #tpu.memory_space<vmem_shared>> -> memref<8x128xf32, #tpu.memory_space<vmem_shared>>
      %dma_wait3A_49 = arith.constant 0 : i32
      %dma_wait3A_50 = arith.constant 0 : i32
      %dma_wait3A_51 = tpu.memref_slice %arg17[%dma_wait3A_49, %dma_wait3A_50] : memref<104x128xf32, #tpu.memory_space<vmem>> -> memref<8x128xf32, #tpu.memory_space<vmem>>
      tpu.wait_dma2 semaphore(%run_scoped3A_33 : memref<!tpu.dma_semaphore, #tpu.memory_space<semaphore_mem>>) src(%dma_wait3A_51 : memref<8x128xf32, #tpu.memory_space<vmem>>) dst(%dma_wait3A_48 : memref<8x128xf32, #tpu.memory_space<vmem_shared>>)
      tpu.yield
    }) : () -> ()
    %barrier3A = arith.constant 0 : index
    tpu.barrier barrier_id(%barrier3A)
    %scan3A_26 = arith.constant 0 : i32
    %scan3A_27 = arith.constant 0 : i32
    %scan3A_28 = arith.constant 125 : i32
    %scan3A_29 = arith.addi %scan3A_27, %scan3A_28 : i32
    %scan3A_30 = arith.constant 1 : i32
    scf.for %scan3A_33 = %scan3A_27 to %scan3A_29 step %scan3A_30  : i32 {
      %mul3A_34 = arith.constant 80 : i32
      %mul3A_35 = arith.muli %scan3A_33, %mul3A_34 : i32
      %add3A_36 = arith.addi %mul3A_2, %mul3A_35 : i32
      "tpu.region"() ({
        %run_scoped3A_49 = tpu.sem_alloc : memref<!tpu.dma_semaphore, #tpu.memory_space<semaphore_mem>>
        %dma_start3A = tpu.memref_slice %arg3[%add3A_36] : memref<320000xi32, #tpu.memory_space<hbm>> -> memref<80xi32, #tpu.memory_space<hbm>>
        %dma_start3A_50 = tpu.memref_slice %arg3[%add3A_36] : memref<320000xi32, #tpu.memory_space<hbm>> -> memref<80xi32, #tpu.memory_space<hbm>>
        tpu.enqueue_dma source(%dma_start3A_50 : memref<80xi32, #tpu.memory_space<hbm>>) target(%arg9 : memref<80xi32, #tpu.memory_space<vmem>>) target_semaphore(%run_scoped3A_49 : memref<!tpu.dma_semaphore, #tpu.memory_space<semaphore_mem>>)
        %dma_wait3A = tpu.memref_slice %arg3[%add3A_36] : memref<320000xi32, #tpu.memory_space<hbm>> -> memref<80xi32, #tpu.memory_space<hbm>>
        %dma_wait3A_51 = tpu.memref_slice %arg3[%add3A_36] : memref<320000xi32, #tpu.memory_space<hbm>> -> memref<80xi32, #tpu.memory_space<hbm>>
        tpu.wait_dma2 semaphore(%run_scoped3A_49 : memref<!tpu.dma_semaphore, #tpu.memory_space<semaphore_mem>>) src(%dma_wait3A_51 : memref<80xi32, #tpu.memory_space<hbm>>) dst(%arg9 : memref<80xi32, #tpu.memory_space<vmem>>)
        tpu.yield
      }) : () -> ()
      "tpu.region"() ({
        %run_scoped3A_49 = tpu.sem_alloc : memref<!tpu.dma_semaphore, #tpu.memory_space<semaphore_mem>>
        %dma_start3A = tpu.memref_slice %arg4[%add3A_36] : memref<320000xi32, #tpu.memory_space<hbm>> -> memref<80xi32, #tpu.memory_space<hbm>>
        %dma_start3A_50 = tpu.memref_slice %arg4[%add3A_36] : memref<320000xi32, #tpu.memory_space<hbm>> -> memref<80xi32, #tpu.memory_space<hbm>>
        tpu.enqueue_dma source(%dma_start3A_50 : memref<80xi32, #tpu.memory_space<hbm>>) target(%arg10 : memref<80xi32, #tpu.memory_space<vmem>>) target_semaphore(%run_scoped3A_49 : memref<!tpu.dma_semaphore, #tpu.memory_space<semaphore_mem>>)
        %dma_wait3A = tpu.memref_slice %arg4[%add3A_36] : memref<320000xi32, #tpu.memory_space<hbm>> -> memref<80xi32, #tpu.memory_space<hbm>>
        %dma_wait3A_51 = tpu.memref_slice %arg4[%add3A_36] : memref<320000xi32, #tpu.memory_space<hbm>> -> memref<80xi32, #tpu.memory_space<hbm>>
        tpu.wait_dma2 semaphore(%run_scoped3A_49 : memref<!tpu.dma_semaphore, #tpu.memory_space<semaphore_mem>>) src(%dma_wait3A_51 : memref<80xi32, #tpu.memory_space<hbm>>) dst(%arg10 : memref<80xi32, #tpu.memory_space<vmem>>)
        tpu.yield
      }) : () -> ()
      "tpu.region"() ({
        %run_scoped3A_49 = tpu.sem_alloc : memref<!tpu.dma_semaphore, #tpu.memory_space<semaphore_mem>>
        %dma_start3A = tpu.memref_slice %arg5[%add3A_36] : memref<320000xf32, #tpu.memory_space<hbm>> -> memref<80xf32, #tpu.memory_space<hbm>>
        %dma_start3A_50 = tpu.memref_slice %arg5[%add3A_36] : memref<320000xf32, #tpu.memory_space<hbm>> -> memref<80xf32, #tpu.memory_space<hbm>>
        tpu.enqueue_dma source(%dma_start3A_50 : memref<80xf32, #tpu.memory_space<hbm>>) target(%arg11 : memref<80xf32, #tpu.memory_space<vmem>>) target_semaphore(%run_scoped3A_49 : memref<!tpu.dma_semaphore, #tpu.memory_space<semaphore_mem>>)
        %dma_wait3A = tpu.memref_slice %arg5[%add3A_36] : memref<320000xf32, #tpu.memory_space<hbm>> -> memref<80xf32, #tpu.memory_space<hbm>>
        %dma_wait3A_51 = tpu.memref_slice %arg5[%add3A_36] : memref<320000xf32, #tpu.memory_space<hbm>> -> memref<80xf32, #tpu.memory_space<hbm>>
        tpu.wait_dma2 semaphore(%run_scoped3A_49 : memref<!tpu.dma_semaphore, #tpu.memory_space<semaphore_mem>>) src(%dma_wait3A_51 : memref<80xf32, #tpu.memory_space<hbm>>) dst(%arg11 : memref<80xf32, #tpu.memory_space<vmem>>)
        tpu.yield
      }) : () -> ()
      "tpu.region"() ({
        %run_scoped3A_49 = tpu.sem_alloc : memref<!tpu.dma_semaphore, #tpu.memory_space<semaphore_mem>>
        %dma_start3A = tpu.memref_slice %arg6[%add3A_36] : memref<320000xf32, #tpu.memory_space<hbm>> -> memref<80xf32, #tpu.memory_space<hbm>>
        %dma_start3A_50 = tpu.memref_slice %arg6[%add3A_36] : memref<320000xf32, #tpu.memory_space<hbm>> -> memref<80xf32, #tpu.memory_space<hbm>>
        tpu.enqueue_dma source(%dma_start3A_50 : memref<80xf32, #tpu.memory_space<hbm>>) target(%arg12 : memref<80xf32, #tpu.memory_space<vmem>>) target_semaphore(%run_scoped3A_49 : memref<!tpu.dma_semaphore, #tpu.memory_space<semaphore_mem>>)
        %dma_wait3A = tpu.memref_slice %arg6[%add3A_36] : memref<320000xf32, #tpu.memory_space<hbm>> -> memref<80xf32, #tpu.memory_space<hbm>>
        %dma_wait3A_51 = tpu.memref_slice %arg6[%add3A_36] : memref<320000xf32, #tpu.memory_space<hbm>> -> memref<80xf32, #tpu.memory_space<hbm>>
        tpu.wait_dma2 semaphore(%run_scoped3A_49 : memref<!tpu.dma_semaphore, #tpu.memory_space<semaphore_mem>>) src(%dma_wait3A_51 : memref<80xf32, #tpu.memory_space<hbm>>) dst(%arg12 : memref<80xf32, #tpu.memory_space<vmem>>)
        tpu.yield
      }) : () -> ()
      "tpu.region"() ({
        %run_scoped3A_49 = tpu.sem_alloc : memref<!tpu.dma_semaphore, #tpu.memory_space<semaphore_mem>>
        %dma_start3A = arith.constant 0 : i32
        %dma_start3A_50 = arith.constant 0 : i32
        %dma_start3A_51 = tpu.memref_slice %arg2[%dma_start3A, %dma_start3A_50] : memref<10000x128xf32, #tpu.memory_space<hbm>> -> memref<10000x128xf32, #tpu.memory_space<hbm>>
        tpu.enqueue_indirect_dma source(%dma_start3A_51 : memref<10000x128xf32, #tpu.memory_space<hbm>>) target(%arg14 : memref<80x128xf32, #tpu.memory_space<vmem>>) offsets(%arg9 : memref<80xi32, #tpu.memory_space<vmem>>) semaphore(%run_scoped3A_49 : memref<!tpu.dma_semaphore, #tpu.memory_space<semaphore_mem>>)
        %dma_wait3A = arith.constant 0 : i32
        %dma_wait3A_52 = arith.constant 0 : i32
        %dma_wait3A_53 = tpu.memref_slice %arg2[%dma_wait3A, %dma_wait3A_52] : memref<10000x128xf32, #tpu.memory_space<hbm>> -> memref<10000x128xf32, #tpu.memory_space<hbm>>
        tpu.wait_indirect_dma semaphore(%run_scoped3A_49 : memref<!tpu.dma_semaphore, #tpu.memory_space<semaphore_mem>>) src(%dma_wait3A_53 : memref<10000x128xf32, #tpu.memory_space<hbm>>) dst(%arg14 : memref<80x128xf32, #tpu.memory_space<vmem>>)
        tpu.yield
      }) : () -> ()
      %scan3A_37 = arith.constant 0 : i32
      %scan3A_38 = arith.constant 0 : i32
      %scan3A_39 = arith.constant 5 : i32
      %scan3A_40 = arith.addi %scan3A_38, %scan3A_39 : i32
      %scan3A_41 = arith.constant 1 : i32
      scf.for %scan3A_49 = %scan3A_38 to %scan3A_40 step %scan3A_41  : i32 {
        %mul3A_50 = arith.constant 16 : i32
        %mul3A_51 = arith.muli %scan3A_49, %mul3A_50 : i32
        %get3A = arith.index_cast %mul3A_51 : i32 to index
        %get3A_52 = tpu.vector_load %arg9[%get3A] {strides = array<i32>} : memref<80xi32, #tpu.memory_space<vmem>>, vector<16xi32>,
        %mul3A_53 = arith.constant 16 : i32
        %mul3A_54 = arith.muli %scan3A_49, %mul3A_53 : i32
        %get3A_55 = arith.index_cast %mul3A_54 : i32 to index
        %get3A_56 = tpu.vector_load %arg10[%get3A_55] {strides = array<i32>} : memref<80xi32, #tpu.memory_space<vmem>>, vector<16xi32>,
        %shift_right_logical3A = arith.constant 7 : i32
        %shift_right_logical3A_57 = vector.broadcast %shift_right_logical3A : i32 to vector<16xi32>
        %shift_right_logical3A_58 = arith.shrui %get3A_52, %shift_right_logical3A_57 : vector<16xi32>
        %and3A = arith.constant 127 : i32
        %and3A_59 = vector.broadcast %and3A : i32 to vector<16xi32>
        %and3A_60 = arith.andi %get3A_52, %and3A_59 : vector<16xi32>
        %shift_right_logical3A_61 = arith.constant 7 : i32
        %shift_right_logical3A_62 = vector.broadcast %shift_right_logical3A_61 : i32 to vector<16xi32>
        %shift_right_logical3A_63 = arith.shrui %get3A_56, %shift_right_logical3A_62 : vector<16xi32>
        %and3A_64 = arith.constant 127 : i32
        %and3A_65 = vector.broadcast %and3A_64 : i32 to vector<16xi32>
        %and3A_66 = arith.andi %get3A_56, %and3A_65 : vector<16xi32>
        %mul3A_67 = arith.constant 16 : i32
        %mul3A_68 = arith.muli %scan3A_49, %mul3A_67 : i32
        %get3A_69 = arith.index_cast %mul3A_68 : i32 to index
        %get3A_70 = tpu.vector_load %arg11[%get3A_69] {strides = array<i32>} : memref<80xf32, #tpu.memory_space<vmem>>, vector<16xf32>,
        %gather3A = tpu.vector_load_idx %arg15[%shift_right_logical3A_58, %and3A_60] : memref<79x128xf32, #tpu.memory_space<vmem>>[vector<16xi32>, vector<16xi32>], vector<16xf32>,
        %mul3A_71 = arith.mulf %get3A_70, %gather3A : vector<16xf32>
        %gather3A_72 = tpu.vector_load_idx %arg15[%shift_right_logical3A_63, %and3A_66] : memref<79x128xf32, #tpu.memory_space<vmem>>[vector<16xi32>, vector<16xi32>], vector<16xf32>,
        %mul3A_73 = arith.mulf %mul3A_71, %gather3A_72 : vector<16xf32>
        %mul3A_74 = arith.constant 16 : i32
        %mul3A_75 = arith.muli %scan3A_49, %mul3A_74 : i32
        %get3A_76 = arith.index_cast %mul3A_75 : i32 to index
        %get3A_77 = tpu.vector_load %arg12[%get3A_76] {strides = array<i32>} : memref<80xf32, #tpu.memory_space<vmem>>, vector<16xf32>,
        %gather3A_78 = tpu.vector_load_idx %arg16[%shift_right_logical3A_58, %and3A_60] : memref<79x128xf32, #tpu.memory_space<vmem>>[vector<16xi32>, vector<16xi32>], vector<16xf32>,
        %mul3A_79 = arith.mulf %get3A_77, %gather3A_78 : vector<16xf32>
        %gather3A_80 = tpu.vector_load_idx %arg16[%shift_right_logical3A_63, %and3A_66] : memref<79x128xf32, #tpu.memory_space<vmem>>[vector<16xi32>, vector<16xi32>], vector<16xf32>,
        %mul3A_81 = arith.mulf %mul3A_79, %gather3A_80 : vector<16xf32>
        %add3A_82 = arith.addf %mul3A_73, %mul3A_81 : vector<16xf32>
        %mul3A_83 = arith.constant 16 : i32
        %mul3A_84 = arith.muli %scan3A_49, %mul3A_83 : i32
        %swap3A = arith.index_cast %mul3A_84 : i32 to index
        %swap3A_85 = tpu.vector_load %arg13[%swap3A] {strides = array<i32>} : memref<96xf32, #tpu.memory_space<vmem>>, vector<16xf32>,
        tpu.vector_store %arg13[%swap3A], %add3A_82 {strides = array<i32>} : memref<96xf32, #tpu.memory_space<vmem>>, vector<16xf32>,
      }
      %scan3A_42 = arith.constant 5 : i32
      %scan3A_43 = arith.constant 0 : i32
      %scan3A_44 = arith.constant 0 : i32
      %scan3A_45 = arith.constant 80 : i32
      %scan3A_46 = arith.addi %scan3A_44, %scan3A_45 : i32
      %scan3A_47 = arith.constant 1 : i32
      scf.for %scan3A_49 = %scan3A_44 to %scan3A_46 step %scan3A_47  : i32 {
        %get3A = arith.index_cast %scan3A_49 : i32 to index
        %get3A_50 = tpu.vector_load %arg13[%get3A] {strides = array<i32>} : memref<96xf32, #tpu.memory_space<vmem>>, vector<16xf32>,
        %slice3A = vector.extract_strided_slice %get3A_50 {offsets = [0], sizes = [1], strides = [1]} : vector<16xf32> to vector<1xf32>
        %squeeze3A = vector.extract %slice3A[0] : f32 from vector<1xf32>
        %get3A_51 = arith.index_cast %scan3A_49 : i32 to index
        %get3A_52 = arith.constant 0 : index
        %get3A_53 = tpu.vector_load %arg14[%get3A_51, %get3A_52] {strides = array<i32>} : memref<80x128xf32, #tpu.memory_space<vmem>>, vector<16xf32>,
        %mul3A_54 = vector.broadcast %squeeze3A : f32 to vector<16xf32>
        %mul3A_55 = arith.mulf %get3A_53, %mul3A_54 : vector<16xf32>
        %swap3A = arith.index_cast %scan3A_49 : i32 to index
        %swap3A_56 = arith.constant 0 : index
        %swap3A_57 = tpu.vector_load %arg14[%swap3A, %swap3A_56] {strides = array<i32>} : memref<80x128xf32, #tpu.memory_space<vmem>>, vector<16xf32>,
        tpu.vector_store %arg14[%swap3A, %swap3A_56], %mul3A_55 {strides = array<i32>} : memref<80x128xf32, #tpu.memory_space<vmem>>, vector<16xf32>,
        %get3A_58 = arith.index_cast %scan3A_49 : i32 to index
        %get3A_59 = arith.constant 16 : index
        %get3A_60 = tpu.vector_load %arg14[%get3A_58, %get3A_59] {strides = array<i32>} : memref<80x128xf32, #tpu.memory_space<vmem>>, vector<16xf32>,
        %mul3A_61 = vector.broadcast %squeeze3A : f32 to vector<16xf32>
        %mul3A_62 = arith.mulf %get3A_60, %mul3A_61 : vector<16xf32>
        %swap3A_63 = arith.index_cast %scan3A_49 : i32 to index
        %swap3A_64 = arith.constant 16 : index
        %swap3A_65 = tpu.vector_load %arg14[%swap3A_63, %swap3A_64] {strides = array<i32>} : memref<80x128xf32, #tpu.memory_space<vmem>>, vector<16xf32>,
        tpu.vector_store %arg14[%swap3A_63, %swap3A_64], %mul3A_62 {strides = array<i32>} : memref<80x128xf32, #tpu.memory_space<vmem>>, vector<16xf32>,
        %get3A_66 = arith.index_cast %scan3A_49 : i32 to index
        %get3A_67 = arith.constant 32 : index
        %get3A_68 = tpu.vector_load %arg14[%get3A_66, %get3A_67] {strides = array<i32>} : memref<80x128xf32, #tpu.memory_space<vmem>>, vector<16xf32>,
        %mul3A_69 = vector.broadcast %squeeze3A : f32 to vector<16xf32>
        %mul3A_70 = arith.mulf %get3A_68, %mul3A_69 : vector<16xf32>
        %swap3A_71 = arith.index_cast %scan3A_49 : i32 to index
        %swap3A_72 = arith.constant 32 : index
        %swap3A_73 = tpu.vector_load %arg14[%swap3A_71, %swap3A_72] {strides = array<i32>} : memref<80x128xf32, #tpu.memory_space<vmem>>, vector<16xf32>,
        tpu.vector_store %arg14[%swap3A_71, %swap3A_72], %mul3A_70 {strides = array<i32>} : memref<80x128xf32, #tpu.memory_space<vmem>>, vector<16xf32>,
        %get3A_74 = arith.index_cast %scan3A_49 : i32 to index
        %get3A_75 = arith.constant 48 : index
        %get3A_76 = tpu.vector_load %arg14[%get3A_74, %get3A_75] {strides = array<i32>} : memref<80x128xf32, #tpu.memory_space<vmem>>, vector<16xf32>,
        %mul3A_77 = vector.broadcast %squeeze3A : f32 to vector<16xf32>
        %mul3A_78 = arith.mulf %get3A_76, %mul3A_77 : vector<16xf32>
        %swap3A_79 = arith.index_cast %scan3A_49 : i32 to index
        %swap3A_80 = arith.constant 48 : index
        %swap3A_81 = tpu.vector_load %arg14[%swap3A_79, %swap3A_80] {strides = array<i32>} : memref<80x128xf32, #tpu.memory_space<vmem>>, vector<16xf32>,
        tpu.vector_store %arg14[%swap3A_79, %swap3A_80], %mul3A_78 {strides = array<i32>} : memref<80x128xf32, #tpu.memory_space<vmem>>, vector<16xf32>,
        %get3A_82 = arith.index_cast %scan3A_49 : i32 to index
        %get3A_83 = arith.constant 64 : index
        %get3A_84 = tpu.vector_load %arg14[%get3A_82, %get3A_83] {strides = array<i32>} : memref<80x128xf32, #tpu.memory_space<vmem>>, vector<16xf32>,
        %mul3A_85 = vector.broadcast %squeeze3A : f32 to vector<16xf32>
        %mul3A_86 = arith.mulf %get3A_84, %mul3A_85 : vector<16xf32>
        %swap3A_87 = arith.index_cast %scan3A_49 : i32 to index
        %swap3A_88 = arith.constant 64 : index
        %swap3A_89 = tpu.vector_load %arg14[%swap3A_87, %swap3A_88] {strides = array<i32>} : memref<80x128xf32, #tpu.memory_space<vmem>>, vector<16xf32>,
        tpu.vector_store %arg14[%swap3A_87, %swap3A_88], %mul3A_86 {strides = array<i32>} : memref<80x128xf32, #tpu.memory_space<vmem>>, vector<16xf32>,
        %get3A_90 = arith.index_cast %scan3A_49 : i32 to index
        %get3A_91 = arith.constant 80 : index
        %get3A_92 = tpu.vector_load %arg14[%get3A_90, %get3A_91] {strides = array<i32>} : memref<80x128xf32, #tpu.memory_space<vmem>>, vector<16xf32>,
        %mul3A_93 = vector.broadcast %squeeze3A : f32 to vector<16xf32>
        %mul3A_94 = arith.mulf %get3A_92, %mul3A_93 : vector<16xf32>
        %swap3A_95 = arith.index_cast %scan3A_49 : i32 to index
        %swap3A_96 = arith.constant 80 : index
        %swap3A_97 = tpu.vector_load %arg14[%swap3A_95, %swap3A_96] {strides = array<i32>} : memref<80x128xf32, #tpu.memory_space<vmem>>, vector<16xf32>,
        tpu.vector_store %arg14[%swap3A_95, %swap3A_96], %mul3A_94 {strides = array<i32>} : memref<80x128xf32, #tpu.memory_space<vmem>>, vector<16xf32>,
        %get3A_98 = arith.index_cast %scan3A_49 : i32 to index
        %get3A_99 = arith.constant 96 : index
        %get3A_100 = tpu.vector_load %arg14[%get3A_98, %get3A_99] {strides = array<i32>} : memref<80x128xf32, #tpu.memory_space<vmem>>, vector<16xf32>,
        %mul3A_101 = vector.broadcast %squeeze3A : f32 to vector<16xf32>
        %mul3A_102 = arith.mulf %get3A_100, %mul3A_101 : vector<16xf32>
        %swap3A_103 = arith.index_cast %scan3A_49 : i32 to index
        %swap3A_104 = arith.constant 96 : index
        %swap3A_105 = tpu.vector_load %arg14[%swap3A_103, %swap3A_104] {strides = array<i32>} : memref<80x128xf32, #tpu.memory_space<vmem>>, vector<16xf32>,
        tpu.vector_store %arg14[%swap3A_103, %swap3A_104], %mul3A_102 {strides = array<i32>} : memref<80x128xf32, #tpu.memory_space<vmem>>, vector<16xf32>,
        %get3A_106 = arith.index_cast %scan3A_49 : i32 to index
        %get3A_107 = arith.constant 112 : index
        %get3A_108 = tpu.vector_load %arg14[%get3A_106, %get3A_107] {strides = array<i32>} : memref<80x128xf32, #tpu.memory_space<vmem>>, vector<16xf32>,
        %mul3A_109 = vector.broadcast %squeeze3A : f32 to vector<16xf32>
        %mul3A_110 = arith.mulf %get3A_108, %mul3A_109 : vector<16xf32>
        %swap3A_111 = arith.index_cast %scan3A_49 : i32 to index
        %swap3A_112 = arith.constant 112 : index
        %swap3A_113 = tpu.vector_load %arg14[%swap3A_111, %swap3A_112] {strides = array<i32>} : memref<80x128xf32, #tpu.memory_space<vmem>>, vector<16xf32>,
        tpu.vector_store %arg14[%swap3A_111, %swap3A_112], %mul3A_110 {strides = array<i32>} : memref<80x128xf32, #tpu.memory_space<vmem>>, vector<16xf32>,
      }
      %scan3A_48 = arith.constant 80 : i32
      "tpu.region"() ({
        %run_scoped3A_49 = tpu.sem_alloc : memref<!tpu.dma_semaphore, #tpu.memory_space<semaphore_mem>>
        %dma_start3A = arith.constant 0 : i32
        %dma_start3A_50 = arith.constant 0 : i32
        %dma_start3A_51 = tpu.memref_slice %arg18[%dma_start3A, %dma_start3A_50] : memref<10112x128xf32, #tpu.memory_space<vmem_shared>> -> memref<10112x128xf32, #tpu.memory_space<vmem_shared>>
        tpu.enqueue_indirect_dma source(%arg14 : memref<80x128xf32, #tpu.memory_space<vmem>>) target(%dma_start3A_51 : memref<10112x128xf32, #tpu.memory_space<vmem_shared>>) offsets(%arg10 : memref<80xi32, #tpu.memory_space<vmem>>) semaphore(%run_scoped3A_49 : memref<!tpu.dma_semaphore, #tpu.memory_space<semaphore_mem>>) {add = true}
        %dma_wait3A = arith.constant 0 : i32
        %dma_wait3A_52 = arith.constant 0 : i32
        %dma_wait3A_53 = tpu.memref_slice %arg18[%dma_wait3A, %dma_wait3A_52] : memref<10112x128xf32, #tpu.memory_space<vmem_shared>> -> memref<10112x128xf32, #tpu.memory_space<vmem_shared>>
        tpu.wait_indirect_dma semaphore(%run_scoped3A_49 : memref<!tpu.dma_semaphore, #tpu.memory_space<semaphore_mem>>) src(%arg14 : memref<80x128xf32, #tpu.memory_space<vmem>>) dst(%dma_wait3A_53 : memref<10112x128xf32, #tpu.memory_space<vmem_shared>>)
        tpu.yield
      }) : () -> ()
    }
    %scan3A_31 = arith.constant 125 : i32
    %barrier3A_32 = arith.constant 0 : index
    tpu.barrier barrier_id(%barrier3A_32)
    "tpu.region"() ({
      %run_scoped3A_33 = tpu.sem_alloc : memref<!tpu.dma_semaphore, #tpu.memory_space<semaphore_mem>>
      %dma_start3A = arith.constant 0 : i32
      %dma_start3A_34 = tpu.memref_slice %arg8[%arg0, %mul3A_11, %dma_start3A] : memref<2x10112x128xf32, #tpu.memory_space<hbm>> -> memref<1x632x128xf32, #tpu.memory_space<hbm>>
      %dma_start3A_35 = tpu.memref_squeeze %dma_start3A_34 : memref<1x632x128xf32, #tpu.memory_space<hbm>> -> memref<632x128xf32, #tpu.memory_space<hbm>>
      %dma_start3A_36 = arith.constant 0 : i32
      %dma_start3A_37 = tpu.memref_slice %arg18[%mul3A_11, %dma_start3A_36] : memref<10112x128xf32, #tpu.memory_space<vmem_shared>> -> memref<632x128xf32, #tpu.memory_space<vmem_shared>>
      tpu.enqueue_dma source(%dma_start3A_37 : memref<632x128xf32, #tpu.memory_space<vmem_shared>>) target(%dma_start3A_35 : memref<632x128xf32, #tpu.memory_space<hbm>>) target_semaphore(%run_scoped3A_33 : memref<!tpu.dma_semaphore, #tpu.memory_space<semaphore_mem>>)
      %dma_wait3A = arith.constant 0 : i32
      %dma_wait3A_38 = tpu.memref_slice %arg8[%arg0, %mul3A_11, %dma_wait3A] : memref<2x10112x128xf32, #tpu.memory_space<hbm>> -> memref<1x632x128xf32, #tpu.memory_space<hbm>>
      %dma_wait3A_39 = tpu.memref_squeeze %dma_wait3A_38 : memref<1x632x128xf32, #tpu.memory_space<hbm>> -> memref<632x128xf32, #tpu.memory_space<hbm>>
      %dma_wait3A_40 = arith.constant 0 : i32
      %dma_wait3A_41 = tpu.memref_slice %arg18[%mul3A_11, %dma_wait3A_40] : memref<10112x128xf32, #tpu.memory_space<vmem_shared>> -> memref<632x128xf32, #tpu.memory_space<vmem_shared>>
      tpu.wait_dma2 semaphore(%run_scoped3A_33 : memref<!tpu.dma_semaphore, #tpu.memory_space<semaphore_mem>>) src(%dma_wait3A_41 : memref<632x128xf32, #tpu.memory_space<vmem_shared>>) dst(%dma_wait3A_39 : memref<632x128xf32, #tpu.memory_space<hbm>>)
      tpu.yield
    }) : () -> ()
    return
  }
}

module attributes {stable_mosaic.version = 14 : i64} {
  func.func @_tca_body(%arg0: memref<10000x128xf32, #tpu.memory_space<vmem>>, %arg1: memref<128x128xf32, #tpu.memory_space<vmem>>, %arg2: memref<1x128xf32, #tpu.memory_space<vmem>>, %arg3: memref<10000x128xf32, #tpu.memory_space<vmem>>, %arg4: memref<1x128xf32, #tpu.memory_space<vmem>>, %arg5: memref<10000x128xf32, #tpu.memory_space<vmem>>, %arg6: memref<10000x2xf32, #tpu.memory_space<vmem>>) attributes {dimension_semantics = [], scalar_prefetch = 0 : i64, scratch_operands = 0 : i64, tpu.core_type = #tpu.core_type<tc>} {
    %get3A = arith.constant 0 : index
    %get3A_0 = arith.constant 0 : index
    %get3A_1 = vector.load %arg0[%get3A, %get3A_0] : memref<10000x128xf32, #tpu.memory_space<vmem>>, vector<10000x128xf32>
    %get3A_2 = arith.constant 0 : index
    %get3A_3 = arith.constant 0 : index
    %get3A_4 = vector.load %arg4[%get3A_2, %get3A_3] : memref<1x128xf32, #tpu.memory_space<vmem>>, vector<1x128xf32>
    %mul3A = vector.broadcast %get3A_4 : vector<1x128xf32> to vector<10000x128xf32>
    %mul3A_5 = arith.mulf %get3A_1, %mul3A : vector<10000x128xf32>
    %get3A_6 = arith.constant 0 : index
    %get3A_7 = arith.constant 0 : index
    %get3A_8 = vector.load %arg1[%get3A_6, %get3A_7] : memref<128x128xf32, #tpu.memory_space<vmem>>, vector<128x128xf32>
    %dot_general3A = arith.constant dense<0.000000e+00> : vector<10000x128xf32>
    %dot_general3A_9 = tpu.matmul %mul3A_5, %get3A_8, %dot_general3A {dimension_numbers = #tpu.dot_dimension_numbers<[1], [0], [0], [1], [0, 0, 1, 1], [], []>, transpose_lhs_hint = false} : vector<10000x128xf32>, vector<128x128xf32>, vector<10000x128xf32> -> vector<10000x128xf32>
    %get3A_10 = arith.constant 0 : index
    %get3A_11 = arith.constant 0 : index
    %get3A_12 = vector.load %arg2[%get3A_10, %get3A_11] : memref<1x128xf32, #tpu.memory_space<vmem>>, vector<1x128xf32>
    %add3A = vector.broadcast %get3A_12 : vector<1x128xf32> to vector<10000x128xf32>
    %add3A_13 = arith.addf %dot_general3A_9, %add3A : vector<10000x128xf32>
    %get3A_14 = arith.constant 0 : index
    %get3A_15 = arith.constant 0 : index
    %get3A_16 = vector.load %arg3[%get3A_14, %get3A_15] : memref<10000x128xf32, #tpu.memory_space<vmem>>, vector<10000x128xf32>
    %add3A_17 = arith.addf %add3A_13, %get3A_16 : vector<10000x128xf32>
    %swap3A = arith.constant 0 : index
    %swap3A_18 = arith.constant 0 : index
    %swap3A_19 = vector.load %arg5[%swap3A, %swap3A_18] : memref<10000x128xf32, #tpu.memory_space<vmem>>, vector<10000x128xf32>
    tpu.vector_store %arg5[%swap3A, %swap3A_18], %add3A_17 {strides = array<i32>} : memref<10000x128xf32, #tpu.memory_space<vmem>>, vector<10000x128xf32>,
    %get3A_20 = arith.constant 0 : index
    %get3A_21 = arith.constant 0 : index
    %get3A_22 = vector.load %arg0[%get3A_20, %get3A_21] : memref<10000x128xf32, #tpu.memory_space<vmem>>, vector<10000x128xf32>
    %get3A_23 = arith.constant 0 : index
    %get3A_24 = arith.constant 0 : index
    %get3A_25 = vector.load %arg0[%get3A_23, %get3A_24] : memref<10000x128xf32, #tpu.memory_space<vmem>>, vector<10000x128xf32>
    %mul3A_26 = arith.mulf %get3A_22, %get3A_25 : vector<10000x128xf32>
    %slice3A = vector.extract_strided_slice %mul3A_26 {offsets = [0, 0], sizes = [10000, 64], strides = [1, 1]} : vector<10000x128xf32> to vector<10000x64xf32>
    %reduce_sum3A = arith.constant dense<0.000000e+00> : vector<10000xf32>
    %reduce_sum3A_27 = vector.multi_reduction <add>, %slice3A, %reduce_sum3A [1] : vector<10000x64xf32> to vector<10000xf32>
    %broadcast_in_dim3A = vector.shape_cast %reduce_sum3A_27 : vector<10000xf32> to vector<10000x1xf32>
    %sqrt3A = math.sqrt %broadcast_in_dim3A : vector<10000x1xf32>
    %slice3A_28 = vector.extract_strided_slice %mul3A_26 {offsets = [0, 64], sizes = [10000, 64], strides = [1, 1]} : vector<10000x128xf32> to vector<10000x64xf32>
    %reduce_sum3A_29 = arith.constant dense<0.000000e+00> : vector<10000xf32>
    %reduce_sum3A_30 = vector.multi_reduction <add>, %slice3A_28, %reduce_sum3A_29 [1] : vector<10000x64xf32> to vector<10000xf32>
    %broadcast_in_dim3A_31 = vector.shape_cast %reduce_sum3A_30 : vector<10000xf32> to vector<10000x1xf32>
    %sqrt3A_32 = math.sqrt %broadcast_in_dim3A_31 : vector<10000x1xf32>
    %concatenate3A = tpu.concatenate %sqrt3A, %sqrt3A_32 in 1 : vector<10000x1xf32>, vector<10000x1xf32> -> vector<10000x2xf32>
    %swap3A_33 = arith.constant 0 : index
    %swap3A_34 = arith.constant 0 : index
    %swap3A_35 = vector.load %arg6[%swap3A_33, %swap3A_34] : memref<10000x2xf32, #tpu.memory_space<vmem>>, vector<10000x2xf32>
    tpu.vector_store %arg6[%swap3A_33, %swap3A_34], %concatenate3A {strides = array<i32>} : memref<10000x2xf32, #tpu.memory_space<vmem>>, vector<10000x2xf32>,
    return
  }
}

module attributes {stable_mosaic.version = 14 : i64} {
  func.func @_tcb_body(%arg0: memref<2x2x10112xf32, #tpu.memory_space<vmem>>, %arg1: memref<2x128xf32, #tpu.memory_space<vmem>>, %arg2: memref<2x10112xf32, #tpu.memory_space<vmem>>) attributes {dimension_semantics = [], scalar_prefetch = 0 : i64, scratch_operands = 0 : i64, tpu.core_type = #tpu.core_type<tc>} {
    %get3A = arith.constant 0 : index
    %get3A_0 = arith.constant 0 : index
    %get3A_1 = arith.constant 0 : index
    %get3A_2 = vector.load %arg0[%get3A, %get3A_0, %get3A_1] : memref<2x2x10112xf32, #tpu.memory_space<vmem>>, vector<1x2x10112xf32>
    %get3A_3 = vector.shape_cast %get3A_2 : vector<1x2x10112xf32> to vector<2x10112xf32>
    %get3A_4 = arith.constant 1 : index
    %get3A_5 = arith.constant 0 : index
    %get3A_6 = arith.constant 0 : index
    %get3A_7 = vector.load %arg0[%get3A_4, %get3A_5, %get3A_6] : memref<2x2x10112xf32, #tpu.memory_space<vmem>>, vector<1x2x10112xf32>
    %get3A_8 = vector.shape_cast %get3A_7 : vector<1x2x10112xf32> to vector<2x10112xf32>
    %add3A = arith.addf %get3A_3, %get3A_8 : vector<2x10112xf32>
    %add3A_9 = arith.constant 9.99999993E-9 : f32
    %add3A_10 = vector.broadcast %add3A_9 : f32 to vector<2x10112xf32>
    %add3A_11 = arith.addf %add3A, %add3A_10 : vector<2x10112xf32>
    %rsqrt3A = math.rsqrt %add3A_11 : vector<2x10112xf32>
    %get3A_12 = arith.constant 0 : index
    %get3A_13 = arith.constant 0 : index
    %get3A_14 = vector.load %arg1[%get3A_12, %get3A_13] : memref<2x128xf32, #tpu.memory_space<vmem>>, vector<2x1xf32>
    %mul3A = vector.broadcast %get3A_14 : vector<2x1xf32> to vector<2x10112xf32>
    %mul3A_15 = arith.mulf %rsqrt3A, %mul3A : vector<2x10112xf32>
    %swap3A = arith.constant 0 : index
    %swap3A_16 = arith.constant 0 : index
    %swap3A_17 = vector.load %arg2[%swap3A, %swap3A_16] : memref<2x10112xf32, #tpu.memory_space<vmem>>, vector<2x10112xf32>
    tpu.vector_store %arg2[%swap3A, %swap3A_16], %mul3A_15 {strides = array<i32>} : memref<2x10112xf32, #tpu.memory_space<vmem>>, vector<2x10112xf32>,
    return
  }
}

module attributes {stable_mosaic.version = 14 : i64} {
  func.func @_tcc_body(%arg0: memref<2x10112x128xf32, #tpu.memory_space<vmem>>, %arg1: memref<10000x128xf32, #tpu.memory_space<vmem>>) attributes {dimension_semantics = [], scalar_prefetch = 0 : i64, scratch_operands = 0 : i64, tpu.core_type = #tpu.core_type<tc>} {
    %get3A = arith.constant 0 : index
    %get3A_0 = arith.constant 0 : index
    %get3A_1 = arith.constant 0 : index
    %get3A_2 = vector.load %arg0[%get3A, %get3A_0, %get3A_1] : memref<2x10112x128xf32, #tpu.memory_space<vmem>>, vector<1x10000x128xf32>
    %get3A_3 = vector.shape_cast %get3A_2 : vector<1x10000x128xf32> to vector<10000x128xf32>
    %get3A_4 = arith.constant 1 : index
    %get3A_5 = arith.constant 0 : index
    %get3A_6 = arith.constant 0 : index
    %get3A_7 = vector.load %arg0[%get3A_4, %get3A_5, %get3A_6] : memref<2x10112x128xf32, #tpu.memory_space<vmem>>, vector<1x10000x128xf32>
    %get3A_8 = vector.shape_cast %get3A_7 : vector<1x10000x128xf32> to vector<10000x128xf32>
    %add3A = arith.addf %get3A_3, %get3A_8 : vector<10000x128xf32>
    %swap3A = arith.constant 0 : index
    %swap3A_9 = arith.constant 0 : index
    %swap3A_10 = vector.load %arg1[%swap3A, %swap3A_9] : memref<10000x128xf32, #tpu.memory_space<vmem>>, vector<10000x128xf32>
    tpu.vector_store %arg1[%swap3A, %swap3A_9], %add3A {strides = array<i32>} : memref<10000x128xf32, #tpu.memory_space<vmem>>, vector<10000x128xf32>,
    return
  }
}

</mosaic_0001>

<sc_bundles>
// kernel: kernel.10.cloned.1.call-start
scs
__scs_entry_jumppad:
0x0: {  	(pc) =	sbr.rel $0x88, $3  }
0x1: {  	(tag) =	ssettag $0x0;
	lr =	simm.s32 $0x1  }
0x2: {  	[smem:$0x3F99] =	sst lr;
	_ =	strace $0xD0000000  }
0x3: {  	_ = 	snop  }
0x4: {  	_ = 	snop  }
0x5: {  	_ = 	snop  }
0x6: {  	_ = 	snop  }
0x7: {  	_ = 	snop  }
__scs_overlays_trampoline_lowered:
0x8: {  	[smem:$0x3FA8] =	sst s0  }
0x9: {  	[smem:$0x3FA9] =	sst s1  }
0xa: {  	[smem:$0x3FAA] =	sst s2  }
0xb: {  	[smem:$0x3FAB] =	sst s3  }
0xc: {  	[smem:$0x3FAC] =	sst s4  }
0xd: {  	[smem:$0x3FAD] =	sst s5  }
0xe: {  	[smem:$0x3FAE] =	sst s6  }
0xf: {  	[smem:$0x3FAF] =	sst s7  }
0x10: {  	[smem:$0x3FB0] =	sst s8  }
0x11: {  	[smem:$0x3FB1] =	sst s9;
	s0 =	simm.s32 @!p0 $0x0  }
0x12: {  	s1 =	sld [smem:$0x3F97];
	s0 =	simm.s32 @p0 $0x1  }
0x13: {  	[smem:$0x3FB2] =	sst s0;
	s0 =	simm.s32 @!p1 $0x0  }
0x14: {  	s2 =	sld [smem:$0x3F96];
	s0 =	simm.s32 @p1 $0x1  }
0x15: {  	[smem:$0x3FB3] =	sst s0;
	s0 =	simm.s32 @!p2 $0x0  }
0x16: {  	s3 =	sld [smem:$0x3FDB];
	s0 =	simm.s32 @p2 $0x1  }
0x17: {  	s4 =	simm.s32 $0x1BF5;
	[smem:$0x3FB5] =	sst s0  }
0x18: {  	s0 =	sld [smem:$0x3F98];
	_ =	swait.ge [sflag:s4], $0x0  }
0x19: {  	s7 =	sld [smem:$0x3F99]  }
0x1a: {  	s8 =	sadd.s32 $0xFFFFE003, lr  }
0x1b: {  	s9 =	sadd.s32 $0xFFFFFEF7, lr;
	s5 =	simm.s32 $0xFFFFFFFF;
	p2 =	slt.u32 s8, $0xFFFFF086  }
0x1c: {  	p1 =	slt.u32 s9, $0xF7A;
	s5 =	simm.s32 @!p2 $0x0  }
0x1d: {  	s5 =	simm.s32 @p1 $0x1;
	p0 =	seq.s32 s7, s2  }
0x1e: {  	s7 =	smul.u32 @!p0 $0xF7A, s2;
	p2 =	seq.s32 @!p0 s5, $0x0  }
0x1f: {  	s9 =	smul.u32 $0xF7A, s1;
	s8 =	simm.s32 @!p0 $0x1BF5;
	p2 =	por !p2, p0  }
0x20: {  	[sflag:s8] =	ssyncset.s32 @!p0 $0xFFFFF086;
	s6 =	sadd.s32 @!p0 s3, s7;
	s7 =	simm.s32 @!p0 $0x108  }
0x21: {  	s3 =	sadd.s32 s3, s9;
	s6 =	sadd.s32 @!p0 $0x88, s6;
	s7 =	simm.s32 @p2 $0x1082  }
0x22: {  	[simem:s7], [sflag:s8] =	dma.local @!p0 [hbm:s6], $0xF7A  }
0x23: {  	s9 =	sor.u32 $0xD0000000, s2;
	s6 =	simm.s32 $0x108;
	_ =	swait.ge @!p0 [sflag:s8], $0x0  }
0x24: {  	s3 =	sadd.s32 $0x88, s3;
	s6 =	simm.s32 @!p1 $0x1082;
	[sflag:s4] =	ssyncset.s32 $0xFFFFF086  }
0x25: {  	[simem:s6], [sflag:s4] =	dma.local [hbm:s3], $0xF7A  }
0x26: {  	[smem:$0x3F99] =	sst s1;
	(tag) =	ssettag s2;
	_ =	strace s9  }
0x27: {  	s1 =	sld [smem:$0x3FA9]  }
0x28: {  	s2 =	sld [smem:$0x3FAA]  }
0x29: {  	s4 =	sld [smem:$0x3FAC]  }
0x2a: {  	p0 =	seq.s32 s5, $0x0;
	s5 =	sld [smem:$0x3FAD]  }
0x2b: {  	s6 =	sld [smem:$0x3FAE]  }
0x2c: {  	s7 =	sld [smem:$0x3FAF]  }
0x2d: {  	s3 =	simm.s32 $0x108;
	s8 =	sld [smem:$0x3FB0]  }
0x2e: {  	s3 =	simm.s32 @!p0 $0x1082;
	s9 =	sld [smem:$0x3FB1]  }
0x2f: {  	lr =	sadd.s32 s0, s3;
	s0 =	sld [smem:$0x3FA8]  }
0x30: {  	s3 =	sld [smem:$0x3FAB]  }
0x31: {  	[smem:$0x3FB4] =	sst s10  }
0x32: {  	s10 =	sld [smem:$0x3FB2];
	_ =	sdelay $0x3  }
0x33: {  	p0 =	seq.s32 s10, $0x1;
	s10 =	sld [smem:$0x3FB4];
	_ =	sdelay $0x3  }
0x34: {  	[smem:$0x3FB4] =	sst s10  }
0x35: {  	s10 =	sld [smem:$0x3FB3];
	_ =	sdelay $0x3  }
0x36: {  	p1 =	seq.s32 s10, $0x1;
	s10 =	sld [smem:$0x3FB4];
	_ =	sdelay $0x3  }
0x37: {  	[smem:$0x3FB4] =	sst s10  }
0x38: {  	s10 =	sld [smem:$0x3FB5]  }
0x39: {  	_ = 	snop;
	(pc) =	sbr.ind lr, $3  }
0x3a: {  	_ = 	snop  }
0x3b: {  	_ = 	snop  }
0x3c: {  	p2 =	seq.s32 s10, $0x1;
	s10 =	sld [smem:$0x3FB4]  }
0x3d: {  	_ =	shalt  }
0x3e: {  	_ =	shalt  }
0x3f: {  	_ =	shalt  }
0x40: {  	_ =	shalt  }
0x41: {  	_ =	shalt  }
0x42: {  	_ =	shalt  }
0x43: {  	_ =	shalt  }
0x44: {  	_ =	shalt  }
0x45: {  	_ =	shalt  }
0x46: {  	_ =	shalt  }
0x47: {  	_ =	shalt  }
0x48: {  	_ =	shalt  }
0x49: {  	_ =	shalt  }
0x4a: {  	_ =	shalt  }
0x4b: {  	_ =	shalt  }
0x4c: {  	_ =	shalt  }
0x4d: {  	_ =	shalt  }
0x4e: {  	_ =	shalt  }
0x4f: {  	_ =	shalt  }
0x50: {  	_ =	shalt  }
0x51: {  	_ =	shalt  }
0x52: {  	_ =	shalt  }
0x53: {  	_ =	shalt  }
0x54: {  	_ =	shalt  }
0x55: {  	_ =	shalt  }
0x56: {  	_ =	shalt  }
0x57: {  	_ =	shalt  }
0x58: {  	_ =	shalt  }
0x59: {  	_ =	shalt  }
0x5a: {  	_ =	shalt  }
0x5b: {  	_ =	shalt  }
0x5c: {  	_ =	shalt  }
0x5d: {  	_ =	shalt  }
0x5e: {  	_ =	shalt  }
0x5f: {  	_ =	shalt  }
0x60: {  	_ =	shalt  }
0x61: {  	_ =	shalt  }
0x62: {  	_ =	shalt  }
0x63: {  	_ =	shalt  }
0x64: {  	_ =	shalt  }
0x65: {  	_ =	shalt  }
0x66: {  	_ =	shalt  }
0x67: {  	_ =	shalt  }
0x68: {  	_ =	shalt  }
0x69: {  	_ =	shalt  }
0x6a: {  	_ =	shalt  }
0x6b: {  	_ =	shalt  }
0x6c: {  	_ =	shalt  }
0x6d: {  	_ =	shalt  }
0x6e: {  	_ =	shalt  }
0x6f: {  	_ =	shalt  }
0x70: {  	_ =	shalt  }
0x71: {  	_ =	shalt  }
0x72: {  	_ =	shalt  }
0x73: {  	_ =	shalt  }
0x74: {  	_ =	shalt  }
0x75: {  	_ =	shalt  }
0x76: {  	_ =	shalt  }
0x77: {  	_ =	shalt  }
0x78: {  	_ =	shalt  }
0x79: {  	_ =	shalt  }
0x7a: {  	_ =	shalt  }
0x7b: {  	_ =	shalt  }
0x7c: {  	_ =	shalt  }
0x7d: {  	_ =	shalt  }
0x7e: {  	_ =	shalt  }
0x7f: {  	_ =	shalt  }
0x80: {  	_ =	shalt  }
0x81: {  	_ =	shalt  }
0x82: {  	_ =	shalt  }
0x83: {  	_ =	shalt  }
0x84: {  	_ =	shalt  }
0x85: {  	_ =	shalt  }
0x86: {  	_ =	shalt  }
0x87: {  	_ =	shalt  }
.Lfunc_end0:
.L_simem_size_0:
called_computation.1_lowered:
.L_overlay_start_0:
0x88: {  	s2 =	sld [smem:$0x3FD9]  }
0x89: {  	s3 =	sld [smem:$0x3FFE];
	_ =	sdelay $0x1  }
0x8a: {  	s1 =	srdreg.scid  }
0x8b: {  	s0 =	sand.u32 $0x1, s1  }
0x8c: {  	s17 =	sshll.u32 s0, $0xA;
	s2 =	sadd.s32 s3, s2  }
0x8d: {  	s2 =	sadd.s32 s2, s17  }
0x8e: {  	[smem:$0x3FC0] =	sst s2  }
0x8f: {  	_ = 	snop  }
0x90: {  	s2 =	sld [smem:$0x3FD0];
	(tm) =	ssettm $0x1  }
0x91: {  	s18 =	sld [smem:$0x3FFB];
	_ =	sdelay $0x3  }
0x92: {  	_ =	strace s18  }
0x93: {  	s3 =	sld [smem:$0x3FFC];
	_ =	sdelay $0x3  }
0x94: {  	_ =	strace s3  }
0x95: {  	s3 =	sld [smem:$0x3FFD];
	_ =	sdelay $0x3  }
0x96: {  	_ =	strace s3  }
0x97: {  	_ =	strace $0x8FFFFFFF  }
0x98: {  	s19 =	sld [smem:$0x3FDB];
	_ =	sdelay $0x1  }
0x99: {  	s4 =	simm.s32 $_scs_section_size  }
0x9a: {  	s5 =	simm.s32 $_size__tile_overlayer_lowered;
	s6 =	simm.s32 $_tile_overlayer_lowered  }
0x9b: {  	s22 =	simm.s32 $0x1BFF;
	s21 =	sshll.u32 s6, $0x1;
	s3 =	sadd.s32 s4, s19  }
0x9c: {  	s7 =	simm.s32 $0x0;
	s20 =	sshll.u32 s5, $0x1;
	s5 =	sadd.s32 s21, s3  }
0x9d: {  	[timem:s7], [sflag:s22] =	dma.local [hbm:s5], s20  }
0x9e: {  	_ =	swait.ge [sflag:s22], s20  }
0x9f: {  	s4 =	ssub.s32 $0x0, s20;
	[sflag:s22] =	ssyncset.done $0x0  }
0xa0: {  	[sflag:s22] =	ssyncadd.s32 s4;
	_ =	sdelay $0x1  }
0xa1: {  	s23 =	simm.s32 $0x1B8B  }
0xa2: {  	_ =	swait.ge [sflag:s23], $0x1  }
0xa3: {  	[sflag:s23] =	ssyncset.done $0x0  }
0xa4: {  	s25 =	simm.s32 $0x1B8E;
	s24 =	sld [smem:$0x3FFE];
	[sflag:s23] =	ssyncadd.s32 $0xFFFFFFFF  }
0xa5: {  	s26 =	simm.s32 $execute0_lowered;
	[smem:$0x3FD2] =	sst s25  }
0xa6: {  	s5 =	sshll.u32 s26, $0x1;
	_ =	strace $0x80000049;
	[dreg:$0x1] =	wrdreg $0xFFFFFFFF  }
0xa7: {  	s28 =	simm.s32 $_size_execute0_lowered;
	s3 =	sadd.s32 s3, s5;
	[dreg:$0x0] =	wrdreg $0x0  }
0xa8: {  	s5 =	sshll.u32 s28, $0x1;
	[dreg:$0x2] =	wrdreg s3  }
0xa9: {  	[dreg:$0x3] =	wrdreg s5  }
0xaa: {  	[dreg:$0x4] =	wrdreg $0xC0  }
0xab: {  	_ =	task [dreg:s7], $0x5FFFF  }
0xac: {  	[dreg:$0x1] =	wrdreg $0xFFFFFFFF  }
0xad: {  	[dreg:$0x0] =	wrdreg $0x60  }
0xae: {  	[dreg:$0x2] =	wrdreg s2  }
0xaf: {  	[dreg:$0x3] =	wrdreg s24  }
0xb0: {  	[dreg:$0x4] =	wrdreg $0xAE800  }
0xb1: {  	[dreg:$0x5] =	wrdreg $0x9  }
0xb2: {  	_ =	task.clear_ibuf [dreg:s7], $0x6FFFF;
	_ =	strace $0x90000049  }
0xb3: {  	s29 =	simm.s32 $0x9;
	_ =	strace $0x8000004B  }
0xb4: {  	_ =	swait.ge [sflag:s29], $0x1  }
0xb5: {  	[sflag:s29] =	ssyncadd.s32 $0xFFFFFFFF  }
0xb6: {  	_ =	strace $0x9000004B  }
0xb7: {  	_ =	sfence  }
0xb8: {  	s30 =	sld [smem:$0x0];
	_ =	sdelay $0x2  }
0xb9: {  	s31 =	sshll.u32 s1, $0xD;
	s1 =	sshrl.u32 s1, $0x2  }
0xba: {  	s3 =	sand.u32 $0x4000, s31;
	s1 =	sadd.s32 s1, s30  }
0xbb: {  	s0 =	sor.u32 s3, s0;
	s1 =	sshll.u32 s1, $0x11  }
0xbc: {  	s0 =	sor.u32 s1, s0  }
0xbd: {  	s0 =	sadd.s32 $0x8F2B, s0  }
0xbe: {  	[sflag:s0] =	ssyncadd.remote.s32 $0x1  }
0xbf: {  	_ =	sfence.sel $0xFFFF  }
0xc0: {  	[dreg:$0x0] =	wrdreg $0xFFFFFFFF;
	(pc) =	sbr.abs _section_cstart, $3  }
0xc1: {  	[dreg:$0x1] =	wrdreg $0xFFFFFFFF  }
0xc2: {  	_ =	task.clear_ibuf [dreg:s7], $0x2FFFF;
	_ =	strace $0x9FFFFFFF  }
0xc3: {  	(tm) =	ssettm $0x7FFFFFFF  }
tec
execute0_lowered:
.L_overlay_start_1:
0x0: {  	(tag) =	ssettag $0x1  }
0x1: {  	s1 =	rddreg [dreg:$0x0]  }
0x2: {  	s0 =	rddreg [dreg:$0x1]  }
0x3: {  	s2 =	rddreg [dreg:$0x2];
	s4 =	simm.s32 $0x0;
	s3 =	srdreg.scid  }
0x4: {  	s12 =	stileid.u32;
	s21 =	simm.s32 $0x2A80;
	s28 =	simm.s32 $0x180  }
0x5: {  	s29 =	simm.s32 $0x50;
	s30 =	simm.s32 $0x280;
	s31 =	simm.s32 $0x0  }
0x6: {  	[smem:$0x7FF] =	sst s4;
	s3 =	sand.u32 $0x1, s3;
	s9 =	smul.u32 $0x13C00, s12  }
0x7: {  	s5 =	sadd.s32 $0x33000, s0;
	s6 =	sadd.s32 $0x29200, s0;
	s7 =	sadd.s32 $0x3E400, s0  }
0x8: {  	s8 =	sadd.s32 $0x48200, s0;
	s10 =	sadd.s32 $0x3CE00, s0;
	s24 =	smul.u32 $0x4F000, s12  }
0x9: {  	s12 =	sshll.u32 s12, $0x1;
	s22 =	smul.u32 $0x13C000, s3;
	_ =	strace $0x8000004A  }
0xa: {  	[dreg:$0x4] =	wrdreg s10;
	s23 =	ssub.s32 $0x2, s3;
	s3 =	sor.u32 s3, s12  }
0xb: {  	s11 =	sshrl.u32 s23, $0x1;
	s25 =	sshrl.u32 s24, $0x2;
	s10 =	smul.u32 $0x2710, s3  }
0xc: {  	s24 =	simm.s32 $0x7A80;
	s4 =	sadd.s32 s9, s22;
	s9 =	ssub.s32 s23, s11  }
0xd: {  	s12 =	sadd.s32 s25, s2;
	s22 =	simm.s32 $0x1;
	s23 =	simm.s32 $0x5280  }
0xe: {  	s25 =	simm.s32 $0x80;
	s4 =	sshrl.u32 s4, $0x3;
	s26 =	sadd.s32 $0x3400, s12  }
0xf: {  	s14 =	sadd.s32 $0x6800, s12;
	s15 =	sadd.s32 $0x9C00, s12;
	s16 =	sadd.s32 $0xD000, s12  }
0x10: {  	s17 =	sadd.s32 $0x10400, s12;
	s18 =	sadd.s32 $0x13800, s12;
	s20 =	smax.u32 s9, $0x1  }
0x11: {  	s4 =	sadd.s32 s4, s0;
	s0 =	sadd.s32 $0x3D300, s0;
	[dreg:$0x6] =	wrdreg s26  }
0x12: {  	v0 =	vimm.f32 $0.0e+00;
	s26 =	simm.s32 $0x100;
	[dreg:$0x5] =	wrdreg s0;
	s19 =	sadd.s32 $0x52000, s4  }
.LBB2_1:
0x13: {  	s0 =	simm.s32 $0x0;
	s3 =	rddreg [dreg:$0x4]  }
0x14: {  	[tilespmem:s21], [sflag:$0x1] =	stream.linear.gather [hbm4b:s3+s0], $0x2780, $0x38;
	[tilespmem:$0x1EA80] =	vst v63  }
0x15: {  	_ =	swait.ge [sflag:s22], $0x2780  }
0x16: {  	[sflag:s22] =	ssyncset.done $0x0  }
0x17: {  	s13 =	rddreg [dreg:$0x5];
	[sflag:s22] =	ssyncadd.s32 $0xFFFFD880  }
0x18: {  	[tilespmem:s23], [sflag:$0x1] =	stream.linear.gather [hbm4b:s13+s0], $0x2780, $0x38;
	[tilespmem:$0x1EA80] =	vst v63  }
0x19: {  	_ =	swait.ge [sflag:s22], $0x2780  }
0x1a: {  	[sflag:s22] =	ssyncset.done $0x0  }
0x1b: {  	s3 =	simm.s32 $0x200;
	s0 =	simm.s32 $0x0;
	[sflag:s22] =	ssyncadd.s32 $0xFFFFD880  }
.LBB2_2:
0x1c: {  	p0 =	sne.s32 s3, $0xCE00;
	[tilespmem:s0+$0x7AF0] =	vst v0  }
0x1d: {  	[tilespmem:s0+$0x7A80] =	vst v0  }
0x1e: {  	[tilespmem:s0+$0x7A90] =	vst v0  }
.Ltmp0:
0x1f: {  	[tilespmem:s0+$0x7AA0] =	vst v0;
	(pc) =	sbr.rel @p0 .LBB2_2-.Ltmp0, $4  }
0x20: {  	[tilespmem:s0+$0x7AB0] =	vst v0  }
0x21: {  	[tilespmem:s0+$0x7AC0] =	vst v0  }
0x22: {  	[tilespmem:s0+$0x7AD0] =	vst v0  }
0x23: {  	[tilespmem:s0+$0x7AE0] =	vst v0;
	s0 =	sshra.s32 s3, $0x2;
	s3 =	sadd.s32 $0x200, s3  }
0x24: {  	[tilespmem:s0+$0x7AF0] =	vst v0  }
0x25: {  	[tilespmem:s0+$0x7A80] =	vst v0  }
0x26: {  	[tilespmem:s0+$0x7A90] =	vst v0  }
0x27: {  	[tilespmem:s0+$0x7AA0] =	vst v0  }
0x28: {  	[tilespmem:s0+$0x7AB0] =	vst v0  }
0x29: {  	[tilespmem:s0+$0x7AC0] =	vst v0  }
0x2a: {  	[tilespmem:s0+$0x7AD0] =	vst v0  }
0x2b: {  	[tilespmem:s0+$0x7AE0] =	vst v0  }
0x2c: {  	[spmem:s12] =	stream.linear.scatter [tilespmem:s24], [sflag:$0x1], $0x3400, $0x38;
	[tilespmem:$0x1EA80] =	vst v63  }
0x2d: {  	_ =	swait.ge [sflag:s22], $0x3400  }
0x2e: {  	[sflag:s22] =	ssyncset.done $0x0  }
0x2f: {  	s13 =	rddreg [dreg:$0x6];
	[sflag:s22] =	ssyncadd.s32 $0xFFFFCC00  }
0x30: {  	[spmem:s13] =	stream.linear.scatter [tilespmem:s24], [sflag:$0x1], $0x3400, $0x38;
	[tilespmem:$0x1EA80] =	vst v63  }
0x31: {  	_ =	swait.ge [sflag:s22], $0x3400  }
0x32: {  	[sflag:s22] =	ssyncset.done $0x0  }
0x33: {  	[sflag:s22] =	ssyncadd.s32 $0xFFFFCC00  }
0x34: {  	[spmem:s14] =	stream.linear.scatter [tilespmem:s24], [sflag:$0x1], $0x3400, $0x38;
	[tilespmem:$0x1EA80] =	vst v63  }
0x35: {  	_ =	swait.ge [sflag:s22], $0x3400  }
0x36: {  	[sflag:s22] =	ssyncset.done $0x0  }
0x37: {  	[sflag:s22] =	ssyncadd.s32 $0xFFFFCC00  }
0x38: {  	[spmem:s15] =	stream.linear.scatter [tilespmem:s24], [sflag:$0x1], $0x3400, $0x38;
	[tilespmem:$0x1EA80] =	vst v63  }
0x39: {  	_ =	swait.ge [sflag:s22], $0x3400  }
0x3a: {  	[sflag:s22] =	ssyncset.done $0x0  }
0x3b: {  	[sflag:s22] =	ssyncadd.s32 $0xFFFFCC00  }
0x3c: {  	[spmem:s16] =	stream.linear.scatter [tilespmem:s24], [sflag:$0x1], $0x3400, $0x38;
	[tilespmem:$0x1EA80] =	vst v63  }
0x3d: {  	_ =	swait.ge [sflag:s22], $0x3400  }
0x3e: {  	[sflag:s22] =	ssyncset.done $0x0  }
0x3f: {  	[sflag:s22] =	ssyncadd.s32 $0xFFFFCC00  }
0x40: {  	[spmem:s17] =	stream.linear.scatter [tilespmem:s24], [sflag:$0x1], $0x3400, $0x38;
	[tilespmem:$0x1EA80] =	vst v63  }
0x41: {  	_ =	swait.ge [sflag:s22], $0x3400  }
0x42: {  	[sflag:s22] =	ssyncset.done $0x0  }
0x43: {  	[sflag:s22] =	ssyncadd.s32 $0xFFFFCC00  }
0x44: {  	[spmem:s18] =	stream.linear.scatter [tilespmem:s24], [sflag:$0x1], $0x400, $0x38;
	[tilespmem:$0x1EA80] =	vst v63  }
0x45: {  	_ =	swait.ge [sflag:s22], $0x400  }
0x46: {  	[sflag:s22] =	ssyncset.done $0x0  }
0x47: {  	[sflag:s22] =	ssyncadd.s32 $0xFFFFFC00  }
0x48: {  	s0 =	simm.s32 $0x0;
	s3 =	simm.s32 $0x0;
	[bflag:$0x0] =	sbarrier.arrive $0xFFFF  }
.LBB2_4:
0x49: {  	s4 =	smul.u32 $0x50, s3;
	_ =	sdelay $0x1  }
0x4a: {  	s4 =	sadd.s32 s10, s4  }
0x4b: {  	s4 =	sshrl.u32 s4, $0x3  }
0x4c: {  	s9 =	sadd.s32 s5, s4  }
0x4d: {  	[tilespmem:s0], [sflag:$0x1] =	stream.linear.gather [hbm4b:s9+s0], $0x50, $0x38;
	[tilespmem:$0x1EA80] =	vst v63  }
0x4e: {  	_ =	swait.ge [sflag:s22], $0x50  }
0x4f: {  	[sflag:s22] =	ssyncset.done $0x0  }
0x50: {  	s13 =	sadd.s32 s6, s4;
	[sflag:s22] =	ssyncadd.s32 $0xFFFFFFB0  }
0x51: {  	[tilespmem:s25], [sflag:$0x1] =	stream.linear.gather [hbm4b:s13+s0], $0x50, $0x38;
	[tilespmem:$0x1EA80] =	vst v63  }
0x52: {  	_ =	swait.ge [sflag:s22], $0x50  }
0x53: {  	[sflag:s22] =	ssyncset.done $0x0  }
0x54: {  	s11 =	sadd.s32 s7, s4;
	[sflag:s22] =	ssyncadd.s32 $0xFFFFFFB0  }
0x55: {  	[tilespmem:s26], [sflag:$0x1] =	stream.linear.gather [hbm4b:s11+s0], $0x50, $0x38;
	[tilespmem:$0x1EA80] =	vst v63  }
0x56: {  	_ =	swait.ge [sflag:s22], $0x50  }
0x57: {  	[sflag:s22] =	ssyncset.done $0x0  }
0x58: {  	s4 =	sadd.s32 s8, s4;
	[sflag:s22] =	ssyncadd.s32 $0xFFFFFFB0  }
0x59: {  	[tilespmem:s28], [sflag:$0x1] =	stream.linear.gather [hbm4b:s4+s0], $0x50, $0x38;
	[tilespmem:$0x1EA80] =	vst v63  }
0x5a: {  	_ =	swait.ge [sflag:s22], $0x50  }
0x5b: {  	[sflag:s22] =	ssyncset.done $0x0  }
0x5c: {  	[sflag:s22] =	ssyncadd.s32 $0xFFFFFFB0  }
0x5d: {  	[tilespmem:s30], [sflag:$0x1] =	stream.indirect.gather [hbm4b:s1+s29], $0x80, s0, s29, $0xb8;
	[tilespmem:$0x1EA80] =	vst v63  }
0x5e: {  	_ =	swait.ge [sflag:s22], $0x2800  }
0x5f: {  	[sflag:s22] =	ssyncset.done $0x0  }
0x60: {  	[sflag:s22] =	ssyncadd.s32 $0xFFFFD800  }
0x61: {  	v1 =	vld [tilespmem:$0x0];
	_ =	sdelay $0x1  }
0x62: {  	v2 =	vld [tilespmem:$0x80];
	_ =	sdelay $0x3  }
0x63: {  	v3 =	vld [tilespmem:$0x100]  }
0x64: {  	v5 =	vld [tilespmem:$0x180]  }
0x65: {  	v4 =	vld.idx.msk [tilespmem:v1+s21+$0x0], $0xffff  }
0x66: {  	v1 =	vld.idx.msk [tilespmem:v1+s23+$0x0], $0xffff  }
0x67: {  	v6 =	vld.idx.msk [tilespmem:v2+s21+$0x0], $0xffff  }
0x68: {  	v2 =	vld.idx.msk [tilespmem:v2+s23+$0x0], $0xffff;
	_ =	sdelay $0x2  }
0x69: {  	v7 =	vld [tilespmem:$0x10];
	v1 =	vmul.f32 v1, v5  }
0x6a: {  	v3 =	vmul.f32 v4, v3  }
0x6b: {  	v1 =	vmul.f32 v2, v1;
	v2 =	vld [tilespmem:$0x90]  }
0x6c: {  	v3 =	vmul.f32 v6, v3;
	_ =	sdelay $0x1  }
0x6d: {  	v1 =	vadd.f32 v1, v3  }
0x6e: {  	v4 =	vld [tilespmem:$0x190]  }
0x6f: {  	[tilespmem:$0x200] =	vst v1;
	v1 =	vld [tilespmem:$0x110]  }
0x70: {  	v3 =	vld.idx.msk [tilespmem:v7+s21+$0x0], $0xffff  }
0x71: {  	v5 =	vld.idx.msk [tilespmem:v7+s23+$0x0], $0xffff  }
0x72: {  	v6 =	vld.idx.msk [tilespmem:v2+s21+$0x0], $0xffff  }
0x73: {  	v2 =	vld.idx.msk [tilespmem:v2+s23+$0x0], $0xffff;
	_ =	sdelay $0x2  }
0x74: {  	v7 =	vld [tilespmem:$0x20];
	v1 =	vmul.f32 v3, v1;
	v3 =	vmul.f32 v5, v4;
	_ =	sdelay $0x1  }
0x75: {  	v2 =	vmul.f32 v2, v3;
	v3 =	vld [tilespmem:$0xA0]  }
0x76: {  	v1 =	vmul.f32 v6, v1;
	_ =	sdelay $0x1  }
0x77: {  	v1 =	vadd.f32 v2, v1  }
0x78: {  	v4 =	vld [tilespmem:$0x1A0]  }
0x79: {  	[tilespmem:$0x210] =	vst v1;
	v1 =	vld [tilespmem:$0x120]  }
0x7a: {  	v2 =	vld.idx.msk [tilespmem:v7+s21+$0x0], $0xffff  }
0x7b: {  	v5 =	vld.idx.msk [tilespmem:v7+s23+$0x0], $0xffff  }
0x7c: {  	v6 =	vld.idx.msk [tilespmem:v3+s21+$0x0], $0xffff  }
0x7d: {  	v3 =	vld.idx.msk [tilespmem:v3+s23+$0x0], $0xffff;
	_ =	sdelay $0x2  }
0x7e: {  	v7 =	vld [tilespmem:$0x30];
	v1 =	vmul.f32 v2, v1;
	v2 =	vmul.f32 v5, v4;
	_ =	sdelay $0x1  }
0x7f: {  	v2 =	vmul.f32 v3, v2;
	v3 =	vld [tilespmem:$0xB0]  }
0x80: {  	v1 =	vmul.f32 v6, v1;
	_ =	sdelay $0x1  }
0x81: {  	v1 =	vadd.f32 v2, v1  }
0x82: {  	v4 =	vld [tilespmem:$0x1B0]  }
0x83: {  	[tilespmem:$0x220] =	vst v1;
	v1 =	vld [tilespmem:$0x130]  }
0x84: {  	v2 =	vld.idx.msk [tilespmem:v7+s21+$0x0], $0xffff  }
0x85: {  	v5 =	vld.idx.msk [tilespmem:v7+s23+$0x0], $0xffff  }
0x86: {  	v6 =	vld.idx.msk [tilespmem:v3+s21+$0x0], $0xffff  }
0x87: {  	v3 =	vld.idx.msk [tilespmem:v3+s23+$0x0], $0xffff;
	_ =	sdelay $0x2  }
0x88: {  	v7 =	vld [tilespmem:$0x40];
	v1 =	vmul.f32 v2, v1;
	v2 =	vmul.f32 v5, v4;
	_ =	sdelay $0x1  }
0x89: {  	v2 =	vmul.f32 v3, v2;
	v3 =	vld [tilespmem:$0xC0]  }
0x8a: {  	v1 =	vmul.f32 v6, v1;
	_ =	sdelay $0x1  }
0x8b: {  	v1 =	vadd.f32 v2, v1  }
0x8c: {  	v4 =	vld [tilespmem:$0x1C0]  }
0x8d: {  	[tilespmem:$0x230] =	vst v1;
	v1 =	vld [tilespmem:$0x140]  }
0x8e: {  	v2 =	vld.idx.msk [tilespmem:v7+s21+$0x0], $0xffff  }
0x8f: {  	v5 =	vld.idx.msk [tilespmem:v7+s23+$0x0], $0xffff  }
0x90: {  	v6 =	vld.idx.msk [tilespmem:v3+s21+$0x0], $0xffff  }
0x91: {  	v3 =	vld.idx.msk [tilespmem:v3+s23+$0x0], $0xffff;
	_ =	sdelay $0x2  }
0x92: {  	v1 =	vmul.f32 v2, v1;
	v2 =	vmul.f32 v5, v4;
	_ =	sdelay $0x1  }
0x93: {  	v1 =	vmul.f32 v6, v1;
	v2 =	vmul.f32 v3, v2;
	_ =	sdelay $0x1  }
0x94: {  	v1 =	vadd.f32 v2, v1;
	_ =	sdelay $0x1  }
0x95: {  	s4 =	simm.s32 $0x2C0;
	[tilespmem:$0x240] =	vst v1  }
0x96: {  	v5 =	vld [tilespmem:s4+$0x30]  }
0x97: {  	v8 =	vld [tilespmem:s4+$0x10]  }
0x98: {  	s13 =	simm.s32 $0x0;
	v6 =	vld [tilespmem:s4+$0xFFFFFFC0]  }
0x99: {  	v2 =	vld.msk [tilespmem:s13+$0x200 ss:$0x0], $0xffff  }
0x9a: {  	v10 =	vld [tilespmem:s4+$0xFFFFFFE0]  }
0x9b: {  	v1 =	vld [tilespmem:s4+$0xFFFFFFF0]  }
0x9c: {  	v3 =	vld [tilespmem:s4+$0x20]  }
0x9d: {  	v4 =	vld [tilespmem:s4+$0xFFFFFFD0]  }
0x9e: {  	v9 =	vmul.f32 v5, v2;
	v5 =	vld [tilespmem:s4+$0x0]  }
0x9f: {  	v7 =	vmul.f32 v2, v6  }
0xa0: {  	s9 =	simm.s32 $0x4;
	s11 =	simm.s32 $0x2C0;
	v6 =	vmul.f32 v10, v2;
	v8 =	vmul.f32 v8, v2  }
.LBB2_5:
0xa1: {  	p0 =	sne.s32 s9, $0x13C  }
0xa2: {  	v4 =	vmul.f32 v4, v2;
	v3 =	vmul.f32 v3, v2;
	[tilespmem:s4+$0x30] =	vst v9;
	s11 =	sadd.s32 $0x80, s11;
	s13 =	smov.u32 s9;
	s9 =	sadd.s32 $0x4, s9  }
0xa3: {  	[tilespmem:s4+$0xFFFFFFC0] =	vst v7;
	v7 =	vmul.f32 v1, v2;
	v2 =	vmul.f32 v5, v2  }
0xa4: {  	[tilespmem:s4+$0x10] =	vst v8  }
0xa5: {  	[tilespmem:s4+$0xFFFFFFE0] =	vst v6  }
0xa6: {  	v1 =	vld [tilespmem:s11+$0xFFFFFFF0];
	[tilespmem:s4+$0xFFFFFFF0] =	vst v7  }
0xa7: {  	v6 =	vld [tilespmem:s11+$0x30];
	[tilespmem:s4+$0x0] =	vst v2  }
0xa8: {  	v8 =	vld [tilespmem:s11+$0x10];
	[tilespmem:s4+$0x20] =	vst v3  }
0xa9: {  	s13 =	sshra.s32 s13, $0x2;
	v7 =	vld [tilespmem:s11+$0xFFFFFFC0];
	[tilespmem:s4+$0xFFFFFFD0] =	vst v4;
	s4 =	smov.u32 s11  }
0xaa: {  	v2 =	vld.msk [tilespmem:s13+$0x200 ss:$0x0], $0xffff  }
0xab: {  	v10 =	vld [tilespmem:s11+$0xFFFFFFE0]  }
0xac: {  	v3 =	vld [tilespmem:s11+$0x20]  }
.Ltmp1:
0xad: {  	v4 =	vld [tilespmem:s11+$0xFFFFFFD0];
	(pc) =	sbr.rel @p0 .LBB2_5-.Ltmp1, $3  }
0xae: {  	v5 =	vld [tilespmem:s11+$0x0];
	_ =	sdelay $0x1  }
0xaf: {  	v7 =	vmul.f32 v2, v7;
	v9 =	vmul.f32 v6, v2  }
0xb0: {  	v8 =	vmul.f32 v8, v2;
	v6 =	vmul.f32 v10, v2  }
0xb1: {  	[tilespmem:s4+$0x30] =	vst v9  }
0xb2: {  	[tilespmem:s4+$0xFFFFFFC0] =	vst v7  }
0xb3: {  	v1 =	vmul.f32 v1, v2;
	[tilespmem:s4+$0x10] =	vst v8  }
0xb4: {  	v3 =	vmul.f32 v3, v2;
	[tilespmem:s4+$0xFFFFFFE0] =	vst v6  }
0xb5: {  	v5 =	vmul.f32 v5, v2;
	[tilespmem:s4+$0xFFFFFFF0] =	vst v1  }
0xb6: {  	s3 =	sadd.s32 $0x1, s3;
	v1 =	vmul.f32 v4, v2;
	[tilespmem:s4+$0x20] =	vst v3  }
0xb7: {  	p0 =	sne.s32 s3, $0x7D;
	[tilespmem:s4+$0x0] =	vst v5  }
.Ltmp2:
0xb8: {  	[tilespmem:s4+$0xFFFFFFD0] =	vst v1;
	(pc) =	sbr.rel @p0 .LBB2_4-.Ltmp2, $4  }
0xb9: {  	[spmem:s2] =	stream.indirect.scatter.add.f32 [tilespmem:s30], [sflag:$0x1], $0x80, s25, s29, $0xb8;
	[tilespmem:$0x1EA80] =	vst v63  }
0xba: {  	_ =	swait.ge [sflag:s22], $0x2800  }
0xbb: {  	[sflag:s22] =	ssyncset.done $0x0  }
0xbc: {  	[sflag:s22] =	ssyncadd.s32 $0xFFFFD800  }
0xbd: {  	s0 =	stileid.u32;
	s31 =	sadd.s32 $0x1, s31  }
0xbe: {  	[bflag:$0x0] =	sbarrier.arrive $0xFFFF;
	s0 =	sshll.u32 s0, $0x6;
	p0 =	sne.s32 s31, s20  }
.Ltmp3:
0xbf: {  	s3 =	sshrl.u32 s12, $0x3;
	s0 =	sor.u32 $0x1C01, s0;
	(pc) =	sbr.rel @p0 .LBB2_1-.Ltmp3, $4  }
0xc0: {  	[hbm:s19], [sflag:s0] =	dma.local [spmem:s3], $0x2780  }
0xc1: {  	_ =	swait.ge [sflag:s22], $0x2780  }
0xc2: {  	[sflag:s22] =	ssyncset.done $0x0  }
0xc3: {  	[sflag:s22] =	ssyncadd.s32 $0xFFFFD880  }
0xc4: {  	_ =	sfence.sel $0x180000  }
0xc5: {  	[bflag:$0x0] =	sbarrier.arrive $0xFFFF  }
0xc6: {  	_ =	strace $0x9000004A  }
0xc7: {  	s0 =	stileid.u32;
	[bflag:$0x2] =	sbarrier.arrive $0xFFFF  }
0xc8: {  	p0 =	sne.s32 s0, $0x0;
	s0 =	rddreg [dreg:$0x3]  }
0xc9: {  	s0 =	sadd.s32 @!p0 $0x100000, s0  }
0xca: {  	[sflag:s0] =	ssyncadd.tile.s32 @!p0 $0x1;
	_ =	shalt  }
.Lfunc_end2:
_tile_overlayer_lowered:
.L_overlay_start_2:
0xcb: {  	(tag) =	ssettag $0x2  }
0xcc: {  	s0 =	rddreg [dreg:$0x0];
	s2 =	stileid.u32  }
0xcd: {  	s1 =	rddreg [dreg:$0x1];
	p0 =	sne.s32 s2, $0x0  }
0xce: {  	s3 =	rddreg [dreg:$0x2];
	[bflag:$0x3] =	sbarrier.arrive $0xFFFF;
	s2 =	simm.s32 @!p0 $0x1C01  }
0xcf: {  	[timem:s3], [sflag:s2] =	dma.local @!p0 [hbm:s0], s1  }
0xd0: {  	s0 =	simm.s32 @!p0 $0x1  }
0xd1: {  	_ =	swait.ge @!p0 [sflag:s0], s1  }
0xd2: {  	s1 =	ssub.s32 @!p0 $0x0, s1;
	[sflag:s0] =	ssyncset.done @!p0 $0x0  }
0xd3: {  	[sflag:s0] =	ssyncadd.s32 @!p0 s1  }
0xd4: {  	[bflag:$0x3] =	sbarrier.arrive $0xFFFF  }
0xd5: {  	_ =	shalt  }

// kernel: kernel.7.cloned.1.call-start
scs
__scs_entry_jumppad:
0x0: {  	(pc) =	sbr.rel $0x88, $3  }
0x1: {  	(tag) =	ssettag $0x0;
	lr =	simm.s32 $0x1  }
0x2: {  	[smem:$0x3F99] =	sst lr;
	_ =	strace $0xD0000000  }
0x3: {  	_ = 	snop  }
0x4: {  	_ = 	snop  }
0x5: {  	_ = 	snop  }
0x6: {  	_ = 	snop  }
0x7: {  	_ = 	snop  }
__scs_overlays_trampoline_lowered:
0x8: {  	[smem:$0x3FA8] =	sst s0  }
0x9: {  	[smem:$0x3FA9] =	sst s1  }
0xa: {  	[smem:$0x3FAA] =	sst s2  }
0xb: {  	[smem:$0x3FAB] =	sst s3  }
0xc: {  	[smem:$0x3FAC] =	sst s4  }
0xd: {  	[smem:$0x3FAD] =	sst s5  }
0xe: {  	[smem:$0x3FAE] =	sst s6  }
0xf: {  	[smem:$0x3FAF] =	sst s7  }
0x10: {  	[smem:$0x3FB0] =	sst s8  }
0x11: {  	[smem:$0x3FB1] =	sst s9;
	s0 =	simm.s32 @!p0 $0x0  }
0x12: {  	s1 =	sld [smem:$0x3F97];
	s0 =	simm.s32 @p0 $0x1  }
0x13: {  	[smem:$0x3FB2] =	sst s0;
	s0 =	simm.s32 @!p1 $0x0  }
0x14: {  	s2 =	sld [smem:$0x3F96];
	s0 =	simm.s32 @p1 $0x1  }
0x15: {  	[smem:$0x3FB3] =	sst s0;
	s0 =	simm.s32 @!p2 $0x0  }
0x16: {  	s3 =	sld [smem:$0x3FDB];
	s0 =	simm.s32 @p2 $0x1  }
0x17: {  	s4 =	simm.s32 $0x1BF5;
	[smem:$0x3FB5] =	sst s0  }
0x18: {  	s0 =	sld [smem:$0x3F98];
	_ =	swait.ge [sflag:s4], $0x0  }
0x19: {  	s7 =	sld [smem:$0x3F99]  }
0x1a: {  	s8 =	sadd.s32 $0xFFFFE003, lr  }
0x1b: {  	s9 =	sadd.s32 $0xFFFFFEF7, lr;
	s5 =	simm.s32 $0xFFFFFFFF;
	p2 =	slt.u32 s8, $0xFFFFF086  }
0x1c: {  	p1 =	slt.u32 s9, $0xF7A;
	s5 =	simm.s32 @!p2 $0x0  }
0x1d: {  	s5 =	simm.s32 @p1 $0x1;
	p0 =	seq.s32 s7, s2  }
0x1e: {  	s7 =	smul.u32 @!p0 $0xF7A, s2;
	p2 =	seq.s32 @!p0 s5, $0x0  }
0x1f: {  	s9 =	smul.u32 $0xF7A, s1;
	s8 =	simm.s32 @!p0 $0x1BF5;
	p2 =	por !p2, p0  }
0x20: {  	[sflag:s8] =	ssyncset.s32 @!p0 $0xFFFFF086;
	s6 =	sadd.s32 @!p0 s3, s7;
	s7 =	simm.s32 @!p0 $0x108  }
0x21: {  	s3 =	sadd.s32 s3, s9;
	s6 =	sadd.s32 @!p0 $0x88, s6;
	s7 =	simm.s32 @p2 $0x1082  }
0x22: {  	[simem:s7], [sflag:s8] =	dma.local @!p0 [hbm:s6], $0xF7A  }
0x23: {  	s9 =	sor.u32 $0xD0000000, s2;
	s6 =	simm.s32 $0x108;
	_ =	swait.ge @!p0 [sflag:s8], $0x0  }
0x24: {  	s3 =	sadd.s32 $0x88, s3;
	s6 =	simm.s32 @!p1 $0x1082;
	[sflag:s4] =	ssyncset.s32 $0xFFFFF086  }
0x25: {  	[simem:s6], [sflag:s4] =	dma.local [hbm:s3], $0xF7A  }
0x26: {  	[smem:$0x3F99] =	sst s1;
	(tag) =	ssettag s2;
	_ =	strace s9  }
0x27: {  	s1 =	sld [smem:$0x3FA9]  }
0x28: {  	s2 =	sld [smem:$0x3FAA]  }
0x29: {  	s4 =	sld [smem:$0x3FAC]  }
0x2a: {  	p0 =	seq.s32 s5, $0x0;
	s5 =	sld [smem:$0x3FAD]  }
0x2b: {  	s6 =	sld [smem:$0x3FAE]  }
0x2c: {  	s7 =	sld [smem:$0x3FAF]  }
0x2d: {  	s3 =	simm.s32 $0x108;
	s8 =	sld [smem:$0x3FB0]  }
0x2e: {  	s3 =	simm.s32 @!p0 $0x1082;
	s9 =	sld [smem:$0x3FB1]  }
0x2f: {  	lr =	sadd.s32 s0, s3;
	s0 =	sld [smem:$0x3FA8]  }
0x30: {  	s3 =	sld [smem:$0x3FAB]  }
0x31: {  	[smem:$0x3FB4] =	sst s10  }
0x32: {  	s10 =	sld [smem:$0x3FB2];
	_ =	sdelay $0x3  }
0x33: {  	p0 =	seq.s32 s10, $0x1;
	s10 =	sld [smem:$0x3FB4];
	_ =	sdelay $0x3  }
0x34: {  	[smem:$0x3FB4] =	sst s10  }
0x35: {  	s10 =	sld [smem:$0x3FB3];
	_ =	sdelay $0x3  }
0x36: {  	p1 =	seq.s32 s10, $0x1;
	s10 =	sld [smem:$0x3FB4];
	_ =	sdelay $0x3  }
0x37: {  	[smem:$0x3FB4] =	sst s10  }
0x38: {  	s10 =	sld [smem:$0x3FB5]  }
0x39: {  	_ = 	snop;
	(pc) =	sbr.ind lr, $3  }
0x3a: {  	_ = 	snop  }
0x3b: {  	_ = 	snop  }
0x3c: {  	p2 =	seq.s32 s10, $0x1;
	s10 =	sld [smem:$0x3FB4]  }
0x3d: {  	_ =	shalt  }
0x3e: {  	_ =	shalt  }
0x3f: {  	_ =	shalt  }
0x40: {  	_ =	shalt  }
0x41: {  	_ =	shalt  }
0x42: {  	_ =	shalt  }
0x43: {  	_ =	shalt  }
0x44: {  	_ =	shalt  }
0x45: {  	_ =	shalt  }
0x46: {  	_ =	shalt  }
0x47: {  	_ =	shalt  }
0x48: {  	_ =	shalt  }
0x49: {  	_ =	shalt  }
0x4a: {  	_ =	shalt  }
0x4b: {  	_ =	shalt  }
0x4c: {  	_ =	shalt  }
0x4d: {  	_ =	shalt  }
0x4e: {  	_ =	shalt  }
0x4f: {  	_ =	shalt  }
0x50: {  	_ =	shalt  }
0x51: {  	_ =	shalt  }
0x52: {  	_ =	shalt  }
0x53: {  	_ =	shalt  }
0x54: {  	_ =	shalt  }
0x55: {  	_ =	shalt  }
0x56: {  	_ =	shalt  }
0x57: {  	_ =	shalt  }
0x58: {  	_ =	shalt  }
0x59: {  	_ =	shalt  }
0x5a: {  	_ =	shalt  }
0x5b: {  	_ =	shalt  }
0x5c: {  	_ =	shalt  }
0x5d: {  	_ =	shalt  }
0x5e: {  	_ =	shalt  }
0x5f: {  	_ =	shalt  }
0x60: {  	_ =	shalt  }
0x61: {  	_ =	shalt  }
0x62: {  	_ =	shalt  }
0x63: {  	_ =	shalt  }
0x64: {  	_ =	shalt  }
0x65: {  	_ =	shalt  }
0x66: {  	_ =	shalt  }
0x67: {  	_ =	shalt  }
0x68: {  	_ =	shalt  }
0x69: {  	_ =	shalt  }
0x6a: {  	_ =	shalt  }
0x6b: {  	_ =	shalt  }
0x6c: {  	_ =	shalt  }
0x6d: {  	_ =	shalt  }
0x6e: {  	_ =	shalt  }
0x6f: {  	_ =	shalt  }
0x70: {  	_ =	shalt  }
0x71: {  	_ =	shalt  }
0x72: {  	_ =	shalt  }
0x73: {  	_ =	shalt  }
0x74: {  	_ =	shalt  }
0x75: {  	_ =	shalt  }
0x76: {  	_ =	shalt  }
0x77: {  	_ =	shalt  }
0x78: {  	_ =	shalt  }
0x79: {  	_ =	shalt  }
0x7a: {  	_ =	shalt  }
0x7b: {  	_ =	shalt  }
0x7c: {  	_ =	shalt  }
0x7d: {  	_ =	shalt  }
0x7e: {  	_ =	shalt  }
0x7f: {  	_ =	shalt  }
0x80: {  	_ =	shalt  }
0x81: {  	_ =	shalt  }
0x82: {  	_ =	shalt  }
0x83: {  	_ =	shalt  }
0x84: {  	_ =	shalt  }
0x85: {  	_ =	shalt  }
0x86: {  	_ =	shalt  }
0x87: {  	_ =	shalt  }
.Lfunc_end0:
.L_simem_size_0:
called_computation_lowered:
.L_overlay_start_0:
0x88: {  	s2 =	sld [smem:$0x3FD9]  }
0x89: {  	s3 =	sld [smem:$0x3FFE];
	_ =	sdelay $0x1  }
0x8a: {  	s1 =	srdreg.scid  }
0x8b: {  	s0 =	sand.u32 $0x1, s1  }
0x8c: {  	s16 =	sshll.u32 s0, $0xA;
	s2 =	sadd.s32 s3, s2  }
0x8d: {  	s2 =	sadd.s32 s2, s16  }
0x8e: {  	[smem:$0x3FC0] =	sst s2  }
0x8f: {  	_ = 	snop  }
0x90: {  	(tm) =	ssettm $0x1  }
0x91: {  	s17 =	sld [smem:$0x3FFB];
	_ =	sdelay $0x3  }
0x92: {  	_ =	strace s17  }
0x93: {  	s2 =	sld [smem:$0x3FFC];
	_ =	sdelay $0x3  }
0x94: {  	_ =	strace s2  }
0x95: {  	s2 =	sld [smem:$0x3FFD];
	_ =	sdelay $0x3  }
0x96: {  	_ =	strace s2  }
0x97: {  	_ =	strace $0x8FFFFFFF  }
0x98: {  	s18 =	sld [smem:$0x3FDB];
	_ =	sdelay $0x1  }
0x99: {  	s19 =	simm.s32 $_scs_section_size  }
0x9a: {  	s4 =	simm.s32 $_size__tile_overlayer_lowered;
	s5 =	simm.s32 $_tile_overlayer_lowered  }
0x9b: {  	s22 =	simm.s32 $0x1BFF;
	s21 =	sshll.u32 s5, $0x1;
	s2 =	sadd.s32 s19, s18  }
0x9c: {  	s6 =	simm.s32 $0x0;
	s20 =	sshll.u32 s4, $0x1;
	s4 =	sadd.s32 s21, s2  }
0x9d: {  	[timem:s6], [sflag:s22] =	dma.local [hbm:s4], s20  }
0x9e: {  	_ =	swait.ge [sflag:s22], s20  }
0x9f: {  	s3 =	ssub.s32 $0x0, s20;
	[sflag:s22] =	ssyncset.done $0x0  }
0xa0: {  	[sflag:s22] =	ssyncadd.s32 s3;
	_ =	sdelay $0x1  }
0xa1: {  	s23 =	simm.s32 $0x1B8B  }
0xa2: {  	_ =	swait.ge [sflag:s23], $0x1  }
0xa3: {  	[sflag:s23] =	ssyncset.done $0x0  }
0xa4: {  	s25 =	simm.s32 $0x1B8E;
	s24 =	sld [smem:$0x3FFE];
	[sflag:s23] =	ssyncadd.s32 $0xFFFFFFFF  }
0xa5: {  	s26 =	simm.s32 $execute0_lowered;
	[smem:$0x3FD2] =	sst s25  }
0xa6: {  	s4 =	sshll.u32 s26, $0x1;
	_ =	strace $0x80000046;
	[dreg:$0x1] =	wrdreg $0xFFFFFFFF  }
0xa7: {  	s28 =	simm.s32 $_size_execute0_lowered;
	s2 =	sadd.s32 s2, s4;
	[dreg:$0x0] =	wrdreg $0x0  }
0xa8: {  	s4 =	sshll.u32 s28, $0x1;
	[dreg:$0x2] =	wrdreg s2  }
0xa9: {  	[dreg:$0x3] =	wrdreg s4  }
0xaa: {  	[dreg:$0x4] =	wrdreg $0xC0  }
0xab: {  	_ =	task [dreg:s6], $0x5FFFF  }
0xac: {  	[dreg:$0x1] =	wrdreg $0xFFFFFFFF  }
0xad: {  	[dreg:$0x0] =	wrdreg $0x60  }
0xae: {  	[dreg:$0x2] =	wrdreg s24  }
0xaf: {  	[dreg:$0x3] =	wrdreg $0x1A5800  }
0xb0: {  	[dreg:$0x4] =	wrdreg $0x1A7F80  }
0xb1: {  	[dreg:$0x5] =	wrdreg $0x9  }
0xb2: {  	_ =	task.clear_ibuf [dreg:s6], $0x6FFFF;
	_ =	strace $0x90000046  }
0xb3: {  	s29 =	simm.s32 $0x9;
	_ =	strace $0x80000048  }
0xb4: {  	_ =	swait.ge [sflag:s29], $0x1  }
0xb5: {  	[sflag:s29] =	ssyncadd.s32 $0xFFFFFFFF  }
0xb6: {  	_ =	strace $0x90000048  }
0xb7: {  	_ =	sfence  }
0xb8: {  	s30 =	sld [smem:$0x0];
	_ =	sdelay $0x2  }
0xb9: {  	s31 =	sshll.u32 s1, $0xD;
	s1 =	sshrl.u32 s1, $0x2  }
0xba: {  	s3 =	sand.u32 $0x4000, s31;
	s1 =	sadd.s32 s1, s30  }
0xbb: {  	s0 =	sor.u32 s3, s0;
	s1 =	sshll.u32 s1, $0x11  }
0xbc: {  	s0 =	sor.u32 s1, s0  }
0xbd: {  	s0 =	sadd.s32 $0x8F2B, s0  }
0xbe: {  	[sflag:s0] =	ssyncadd.remote.s32 $0x1  }
0xbf: {  	_ =	sfence.sel $0xFFFF  }
0xc0: {  	[dreg:$0x0] =	wrdreg $0xFFFFFFFF;
	(pc) =	sbr.abs _section_cstart, $3  }
0xc1: {  	[dreg:$0x1] =	wrdreg $0xFFFFFFFF  }
0xc2: {  	_ =	task.clear_ibuf [dreg:s6], $0x2FFFF;
	_ =	strace $0x9FFFFFFF  }
0xc3: {  	(tm) =	ssettm $0x7FFFFFFF  }
tec
execute0_lowered:
.L_overlay_start_1:
0x0: {  	(tag) =	ssettag $0x1  }
0x1: {  	s0 =	rddreg [dreg:$0x0]  }
0x2: {  	s17 =	rddreg [dreg:$0x1]  }
0x3: {  	s21 =	rddreg [dreg:$0x2]  }
0x4: {  	s3 =	simm.s32 $0x0;
	s1 =	srdreg.scid;
	s2 =	stileid.u32  }
0x5: {  	s28 =	simm.s32 $0x10200;
	s30 =	simm.s32 $0x12A00;
	[smem:$0x7FF] =	sst s3  }
0x6: {  	s4 =	sadd.s32 $0x1600, s0;
	s5 =	sadd.s32 $0x33000, s0;
	s6 =	sadd.s32 $0x29200, s0  }
0x7: {  	s7 =	sadd.s32 $0x28800, s0;
	s1 =	sand.u32 $0x1, s1;
	s12 =	sshll.u32 s2, $0x1  }
0x8: {  	s8 =	sadd.s32 $0x3CE00, s0;
	s9 =	sadd.s32 $0x3E400, s0;
	s11 =	sadd.s32 $0x48200, s0  }
0x9: {  	p0 =	sne.s32 s2, $0x0;
	_ =	strace $0x80000047;
	[dreg:$0x4] =	wrdreg s7  }
0xa: {  	s13 =	smul.u32 $0x5000, s1;
	s7 =	sor.u32 s1, s12;
	s1 =	ssub.s32 $0x2, s1  }
0xb: {  	[dreg:$0x5] =	wrdreg s8;
	s10 =	smul.u32 $0x2710, s7;
	s15 =	sshrl.u32 s1, $0x1  }
0xc: {  	s14 =	sshrl.u32 s13, $0x3;
	s1 =	ssub.s32 s1, s15;
	s15 =	simm.s32 $0x180  }
0xd: {  	s7 =	sadd.s32 s14, s0;
	s12 =	sadd.s32 $0x80, s10;
	s0 =	sadd.s32 $0x28D00, s0  }
0xe: {  	s16 =	sshrl.u32 s10, $0x3;
	s31 =	smax.u32 s1, $0x1;
	[dreg:$0x6] =	wrdreg s0  }
0xf: {  	s18 =	sadd.s32 $0x100, s10;
	s13 =	sadd.s32 s5, s16;
	[dreg:$0x11] =	wrdreg s31  }
0x10: {  	s14 =	simm.s32 $0x100;
	s20 =	sadd.s32 s6, s16;
	[dreg:$0x7] =	wrdreg s13  }
0x11: {  	s19 =	sshrl.u32 s12, $0x3;
	s26 =	sadd.s32 $0x3D000, s7;
	[dreg:$0x8] =	wrdreg s20  }
0x12: {  	s0 =	sadd.s32 $0x4E0, s16;
	s29 =	sadd.s32 $0x3D500, s7;
	[dreg:$0xf] =	wrdreg s26  }
0x13: {  	s16 =	simm.s32 $0x4;
	s22 =	sadd.s32 s5, s19;
	[dreg:$0x10] =	wrdreg s29  }
0x14: {  	s7 =	simm.s32 $0x0;
	s8 =	sadd.s32 s6, s19;
	[dreg:$0x9] =	wrdreg s22  }
0x15: {  	s23 =	sadd.s32 s5, s0;
	s24 =	sadd.s32 s6, s0;
	[dreg:$0xa] =	wrdreg s8  }
0x16: {  	s25 =	sadd.s32 s9, s0;
	s0 =	sadd.s32 s11, s0;
	[dreg:$0xb] =	wrdreg s23  }
0x17: {  	s26 =	sadd.s32 $0x180, s10;
	s13 =	simm.s32 $0x1;
	[dreg:$0xc] =	wrdreg s24  }
0x18: {  	s19 =	simm.s32 $0x15200;
	s20 =	simm.s32 $0x17A00;
	[dreg:$0xd] =	wrdreg s25  }
0x19: {  	[dreg:$0xe] =	wrdreg s0;
	s22 =	simm.s32 $0x6;
	s24 =	simm.s32 $0x1A400  }
0x1a: {  	v0 =	vimm.f32 $0.0e+00;
	v1 =	vlaneseq.u32;
	s0 =	simm.s32 $0x80;
	s25 =	simm.s32 $0x200;
	s23 =	simm.s32 $0x2  }
.LBB2_1:
0x1b: {  	[dreg:$0x12] =	wrdreg s7  }
0x1c: {  	s1 =	rddreg [dreg:$0x4]  }
0x1d: {  	[tilespmem:s28], [sflag:$0x6] =	stream.linear.gather [hbm4b:s1+s3], $0x2780, $0x38;
	[tilespmem:$0x1AA70] =	vst v63  }
0x1e: {  	_ =	swait.ge [sflag:s22], $0x2780  }
0x1f: {  	[sflag:s22] =	ssyncset.done $0x0  }
0x20: {  	s29 =	rddreg [dreg:$0x6];
	[sflag:s22] =	ssyncadd.s32 $0xFFFFD880  }
0x21: {  	[tilespmem:s30], [sflag:$0x6] =	stream.linear.gather [hbm4b:s29+s3], $0x2780, $0x38;
	[tilespmem:$0x1AA70] =	vst v63  }
0x22: {  	_ =	swait.ge [sflag:s22], $0x2780  }
0x23: {  	[sflag:s22] =	ssyncset.done $0x0  }
0x24: {  	s31 =	rddreg [dreg:$0x5];
	[sflag:s22] =	ssyncadd.s32 $0xFFFFD880  }
0x25: {  	[tilespmem:s24], [sflag:$0x6] =	stream.linear.gather [hbm4b:s31+s3], $0x80, $0x38;
	[tilespmem:$0x1AA70] =	vst v63  }
0x26: {  	_ =	swait.ge [sflag:s22], $0x80  }
0x27: {  	[sflag:s22] =	ssyncset.done $0x0  }
0x28: {  	s2 =	simm.s32 $0x200;
	s1 =	simm.s32 $0x0;
	[sflag:s22] =	ssyncadd.s32 $0xFFFFFF80  }
.LBB2_2:
0x29: {  	p1 =	sne.s32 s2, $0x9C00;
	[tilespmem:s1+$0x17A70] =	vst v0  }
0x2a: {  	[tilespmem:s1+$0x15200] =	vst v0  }
0x2b: {  	[tilespmem:s1+$0x17A00] =	vst v0  }
0x2c: {  	[tilespmem:s1+$0x15210] =	vst v0  }
0x2d: {  	[tilespmem:s1+$0x17A10] =	vst v0  }
0x2e: {  	[tilespmem:s1+$0x15220] =	vst v0  }
0x2f: {  	[tilespmem:s1+$0x17A20] =	vst v0  }
0x30: {  	[tilespmem:s1+$0x15230] =	vst v0  }
0x31: {  	[tilespmem:s1+$0x17A30] =	vst v0  }
0x32: {  	[tilespmem:s1+$0x15240] =	vst v0  }
0x33: {  	[tilespmem:s1+$0x17A40] =	vst v0  }
.Ltmp0:
0x34: {  	[tilespmem:s1+$0x15250] =	vst v0;
	(pc) =	sbr.rel @p1 .LBB2_2-.Ltmp0, $4  }
0x35: {  	[tilespmem:s1+$0x17A50] =	vst v0  }
0x36: {  	[tilespmem:s1+$0x15260] =	vst v0  }
0x37: {  	[tilespmem:s1+$0x17A60] =	vst v0  }
0x38: {  	[tilespmem:s1+$0x15270] =	vst v0;
	s1 =	sshra.s32 s2, $0x2;
	s2 =	sadd.s32 $0x200, s2  }
0x39: {  	[tilespmem:s1+$0x17A70] =	vst v0  }
0x3a: {  	[tilespmem:s1+$0x15200] =	vst v0  }
0x3b: {  	[tilespmem:s1+$0x17A00] =	vst v0  }
0x3c: {  	[tilespmem:s1+$0x15210] =	vst v0  }
0x3d: {  	[tilespmem:s1+$0x17A10] =	vst v0  }
0x3e: {  	[tilespmem:s1+$0x15220] =	vst v0  }
0x3f: {  	[tilespmem:s1+$0x17A20] =	vst v0  }
0x40: {  	[tilespmem:s1+$0x15230] =	vst v0  }
0x41: {  	[tilespmem:s1+$0x17A30] =	vst v0  }
0x42: {  	[tilespmem:s1+$0x15240] =	vst v0  }
0x43: {  	[tilespmem:s1+$0x17A40] =	vst v0  }
0x44: {  	[tilespmem:s1+$0x15250] =	vst v0  }
0x45: {  	[tilespmem:s1+$0x17A50] =	vst v0  }
0x46: {  	[tilespmem:s1+$0x15260] =	vst v0  }
0x47: {  	[tilespmem:s1+$0x17A60] =	vst v0  }
0x48: {  	[tilespmem:s1+$0x15270] =	vst v0;
	s1 =	simm.s32 @!p0 $0x15200  }
0x49: {  	[spmem:s17] =	stream.linear.scatter @!p0 [tilespmem:s1], [sflag:$0x6], $0x2780, $0x38;
	[tilespmem:$0x1AA70] =	vst v63  }
0x4a: {  	s1 =	simm.s32 @!p0 $0x6  }
0x4b: {  	_ =	swait.ge @!p0 [sflag:s1], $0x2780  }
0x4c: {  	[sflag:s1] =	ssyncset.done @!p0 $0x0  }
0x4d: {  	s2 =	simm.s32 @!p0 $0x17A00;
	[sflag:s1] =	ssyncadd.s32 @!p0 $0xFFFFD880  }
0x4e: {  	[spmem:s21] =	stream.linear.scatter @!p0 [tilespmem:s2], [sflag:$0x6], $0x2780, $0x38;
	[tilespmem:$0x1AA70] =	vst v63  }
0x4f: {  	_ =	swait.ge @!p0 [sflag:s1], $0x2780  }
0x50: {  	[sflag:s1] =	ssyncset.done @!p0 $0x0  }
0x51: {  	s31 =	simm.s32 $0x0;
	s7 =	rddreg [dreg:$0x7];
	[sflag:s1] =	ssyncadd.s32 @!p0 $0xFFFFD880  }
0x52: {  	[tilespmem:s31], [sflag:$0x3] =	stream.linear.gather [hbm4b:s7+s31], $0x80, $0x38;
	[tilespmem:$0x1AA70] =	vst v63  }
0x53: {  	s17 =	simm.s32 $0x3;
	s8 =	rddreg [dreg:$0x8]  }
0x54: {  	[tilespmem:s0], [sflag:$0x3] =	stream.linear.gather [hbm4b:s8+s31], $0x80, $0x38;
	[tilespmem:$0x1AA70] =	vst v63  }
0x55: {  	_ =	swait.ge [sflag:s17], $0x80  }
0x56: {  	[sflag:s17] =	ssyncset.done $0x0  }
0x57: {  	[sflag:s17] =	ssyncadd.s32 $0xFFFFFF80  }
0x58: {  	_ =	swait.ge [sflag:s17], $0x80  }
0x59: {  	[sflag:s17] =	ssyncset.done $0x0  }
0x5a: {  	[sflag:s17] =	ssyncadd.s32 $0xFFFFFF80  }
0x5b: {  	[tilespmem:s25], [sflag:$0x1] =	stream.indirect.gather [hbm4b:s4+s0], $0x80, s31, s0, $0xb8;
	[tilespmem:$0x1AA70] =	vst v63  }
0x5c: {  	s21 =	simm.s32 $0x4200  }
0x5d: {  	[tilespmem:s21], [sflag:$0x1] =	stream.indirect.gather [hbm4b:s4+s0], $0x80, s0, s0, $0xb8;
	[tilespmem:$0x1AA70] =	vst v63  }
0x5e: {  	s22 =	rddreg [dreg:$0x9]  }
0x5f: {  	[tilespmem:s14], [sflag:$0x4] =	stream.linear.gather [hbm4b:s22+s31], $0x80, $0x38;
	[tilespmem:$0x1AA70] =	vst v63  }
0x60: {  	s24 =	rddreg [dreg:$0xa]  }
0x61: {  	[tilespmem:s15], [sflag:$0x4] =	stream.linear.gather [hbm4b:s24+s31], $0x80, $0x38;
	[tilespmem:$0x1AA70] =	vst v63  }
0x62: {  	_ =	swait.ge [sflag:s16], $0x80  }
0x63: {  	[sflag:s16] =	ssyncset.done $0x0  }
0x64: {  	[sflag:s16] =	ssyncadd.s32 $0xFFFFFF80  }
0x65: {  	_ =	swait.ge [sflag:s16], $0x80  }
0x66: {  	[sflag:s16] =	ssyncset.done $0x0  }
0x67: {  	s25 =	simm.s32 $0x8200;
	[sflag:s16] =	ssyncadd.s32 $0xFFFFFF80  }
0x68: {  	[tilespmem:s25], [sflag:$0x2] =	stream.indirect.gather [hbm4b:s4+s0], $0x80, s14, s0, $0xb8;
	[tilespmem:$0x1AA70] =	vst v63  }
0x69: {  	s29 =	simm.s32 $0xC200  }
0x6a: {  	[tilespmem:s29], [sflag:$0x2] =	stream.indirect.gather [hbm4b:s4+s0], $0x80, s15, s0, $0xb8;
	[tilespmem:$0x1AA70] =	vst v63  }
.LBB2_4:
0x6b: {  	_ =	swait.ge [sflag:s13], $0x4000  }
0x6c: {  	[sflag:s13] =	ssyncset.done $0x0  }
0x6d: {  	[sflag:s13] =	ssyncadd.s32 $0xFFFFC000  }
0x6e: {  	_ =	swait.ge [sflag:s13], $0x4000  }
0x6f: {  	p1 =	seq.s32 s31, $0x0;
	[sflag:s13] =	ssyncset.done $0x0  }
0x70: {  	s1 =	simm.s32 @!p1 $0x5;
	[sflag:s13] =	ssyncadd.s32 $0xFFFFC000  }
0x71: {  	_ =	swait.ge @!p1 [sflag:s1], $0x80  }
0x72: {  	[sflag:s1] =	ssyncset.done @!p1 $0x0  }
0x73: {  	[sflag:s1] =	ssyncadd.s32 @!p1 $0xFFFFFF80  }
0x74: {  	_ =	swait.ge @!p1 [sflag:s1], $0x80  }
0x75: {  	s7 =	simm.s32 $0x4240;
	[sflag:s1] =	ssyncset.done @!p1 $0x0  }
0x76: {  	s2 =	simm.s32 $0x0;
	[sflag:s1] =	ssyncadd.s32 @!p1 $0xFFFFFF80;
	s1 =	simm.s32 $0x240  }
.LBB2_5:
0x77: {  	v2 =	vld [tilespmem:s1+$0x0]  }
0x78: {  	v3 =	vld [tilespmem:s7+$0x0]  }
0x79: {  	v4 =	vld [tilespmem:s1+$0x10]  }
0x7a: {  	v5 =	vld [tilespmem:s7+$0x10]  }
0x7b: {  	v6 =	vld [tilespmem:s1+$0x20]  }
0x7c: {  	v7 =	vld [tilespmem:s7+$0x20]  }
0x7d: {  	v8 =	vld [tilespmem:s1+$0x30]  }
0x7e: {  	v9 =	vld [tilespmem:s7+$0x30]  }
0x7f: {  	v10 =	vld [tilespmem:s7+$0xFFFFFFC0]  }
0x80: {  	v11 =	vld [tilespmem:s1+$0xFFFFFFD0]  }
0x81: {  	v12 =	vld [tilespmem:s7+$0xFFFFFFD0]  }
0x82: {  	v13 =	vld [tilespmem:s1+$0xFFFFFFC0]  }
0x83: {  	v14 =	vld [tilespmem:s1+$0xFFFFFFE0]  }
0x84: {  	v2 =	vmul.f32 v3, v2;
	v3 =	vmul.f32 v5, v4;
	v4 =	vld [tilespmem:s7+$0xFFFFFFE0]  }
0x85: {  	s8 =	sadd.s32 $0x80, s1;
	v5 =	vld [tilespmem:s1+$0xFFFFFFF0]  }
0x86: {  	s17 =	sadd.s32 $0x80, s7;
	v8 =	vmul.f32 v9, v8;
	v9 =	vld [tilespmem:s8+$0x10]  }
0x87: {  	v10 =	vmul.f32 v10, v13;
	v13 =	vld [tilespmem:s17+$0xFFFFFFD0]  }
0x88: {  	v2 =	vadd.f32 v3, v2;
	v3 =	vmul.f32 v7, v6;
	v6 =	vld [tilespmem:s7+$0xFFFFFFF0]  }
0x89: {  	v7 =	vmul.f32 v12, v11;
	v11 =	vld [tilespmem:s8+$0x0]  }
0x8a: {  	v12 =	vld [tilespmem:s8+$0xFFFFFFD0]  }
0x8b: {  	v2 =	vadd.f32 v3, v2;
	v3 =	vld [tilespmem:s17+$0x0];
	v7 =	vadd.f32 v7, v10;
	v4 =	vmul.f32 v4, v14  }
0x8c: {  	v10 =	vld [tilespmem:s17+$0x10]  }
0x8d: {  	v2 =	vadd.f32 v8, v2;
	v8 =	vld [tilespmem:s8+$0x20];
	v4 =	vadd.f32 v4, v7;
	v5 =	vmul.f32 v6, v5  }
0x8e: {  	v6 =	vld [tilespmem:s17+$0x20]  }
0x8f: {  	(xrf2) =	vadd.scan.msk.f32 $0xffff, v2;
	v2 =	vld [tilespmem:s8+$0x30];
	v4 =	vadd.f32 v5, v4  }
0x90: {  	v5 =	vld [tilespmem:s17+$0x30]  }
0x91: {  	v7 =	vld [tilespmem:s17+$0xFFFFFFC0];
	v3 =	vmul.f32 v3, v11;
	(xrf2) =	vadd.scan.msk.f32 $0xffff, v4;
	v4 =	vmul.f32 v10, v9  }
0x92: {  	v9 =	vld [tilespmem:s8+$0xFFFFFFC0]  }
0x93: {  	v14 =	vld [tilespmem:s17+$0xFFFFFFE0];
	v6 =	vmul.f32 v6, v8;
	v3 =	vadd.f32 v4, v3  }
0x94: {  	v11 =	vld [tilespmem:s8+$0xFFFFFFE0]  }
0x95: {  	v2 =	vmul.f32 v5, v2;
	v3 =	vadd.f32 v6, v3;
	_ =	sdelay $0x1  }
0x96: {  	s29 =	simm.s32 $0x0;
	v4 =	vld [tilespmem:s8+$0xFFFFFFF0];
	v9 =	vmul.f32 v7, v9;
	v2 =	vadd.f32 v2, v3  }
0x97: {  	s25 =	sadd.s32 $0x80, s17;
	v10 =	vmul.f32 v13, v12;
	v12 =	vmov s29;
	v5 =	vld [tilespmem:s17+$0xFFFFFFF0]  }
0x98: {  	s24 =	sadd.s32 $0x80, s8;
	vm0 =	veq.s32 v12, v1;
	v12 =	vmul.f32 v14, v11;
	v11 =	vld [tilespmem:s25+$0x10];
	v8, _, _ =	vpop (xrf2);
	(xrf2) =	vadd.scan.msk.f32 $0xffff, v2  }
0x99: {  	v6 =	vld [tilespmem:s24+$0x0];
	v13 =	vbroadcast v8, $0xF  }
0x9a: {  	v7 =	vld [tilespmem:s25+$0x0];
	v3 =	vimm.f32 $0.0e+00;
	v10 =	vadd.f32 v10, v9;
	v9, _, _ =	vpop (xrf2)  }
0x9b: {  	s21 =	simm.s32 $0x3;
	s8 =	simm.s32 $0x2;
	s17 =	simm.s32 $0x1;
	v8 =	vld [tilespmem:s24+$0x10];
	v2 =	vsel vm0, v13, v3;
	v9 =	vbroadcast v9, $0xF  }
.LBB2_6:
0x9c: {  	p2 =	sne.s32 s21, $0xF;
	v13 =	vld [tilespmem:s24+$0x20];
	v10 =	vadd.f32 v12, v10;
	v4 =	vmul.f32 v5, v4  }
0x9d: {  	v5 =	vld [tilespmem:s25+$0x20];
	v3 =	vsel vm0, v9, v3  }
0x9e: {  	v9 =	vld [tilespmem:s24+$0x30];
	v4 =	vadd.f32 v4, v10  }
0x9f: {  	v10 =	vld [tilespmem:s25+$0x30]  }
0xa0: {  	v14 =	vmul.f32 v7, v6;
	v12 =	vld [tilespmem:s25+$0xFFFFFFC0];
	v7 =	vmul.f32 v11, v8;
	(xrf2) =	vadd.scan.msk.f32 $0xffff, v4  }
0xa1: {  	v8 =	vld [tilespmem:s24+$0xFFFFFFD0]  }
0xa2: {  	v11 =	vld [tilespmem:s25+$0xFFFFFFD0];
	v4 =	vadd.f32 v7, v14;
	v5 =	vmul.f32 v5, v13;
	v6, _, _ =	vpop (xrf2)  }
0xa3: {  	v13 =	vmov s17;
	s17 =	smov.u32 s8;
	s8 =	smov.u32 s21;
	v7 =	vld [tilespmem:s24+$0xFFFFFFC0];
	v6 =	vbroadcast v6, $0xF  }
0xa4: {  	vm0 =	veq.s32 v13, v1;
	v14 =	vld [tilespmem:s24+$0xFFFFFFE0];
	v5 =	vadd.f32 v5, v4;
	v9 =	vmul.f32 v10, v9  }
0xa5: {  	v13 =	vld [tilespmem:s25+$0xFFFFFFE0];
	v2 =	vsel vm0, v6, v2  }
0xa6: {  	v4 =	vld [tilespmem:s24+$0xFFFFFFF0];
	v9 =	vadd.f32 v9, v5  }
.Ltmp1:
0xa7: {  	s24 =	sadd.s32 $0x80, s24;
	v10 =	vmul.f32 v11, v8;
	v5 =	vld [tilespmem:s25+$0xFFFFFFF0];
	(pc) =	sbr.rel @p2 .LBB2_6-.Ltmp1, $4  }
0xa8: {  	s25 =	sadd.s32 $0x80, s25;
	v6 =	vld [tilespmem:s24+$0x0];
	v11 =	vmul.f32 v12, v7;
	(xrf2) =	vadd.scan.msk.f32 $0xffff, v9  }
0xa9: {  	v7 =	vld [tilespmem:s25+$0x0]  }
0xaa: {  	v8 =	vld [tilespmem:s24+$0x10];
	v10 =	vadd.f32 v10, v11;
	v12 =	vmul.f32 v13, v14;
	v9, _, _ =	vpop (xrf2)  }
0xab: {  	s21 =	sadd.s32 $0x1, s21;
	v11 =	vld [tilespmem:s25+$0x10];
	v9 =	vbroadcast v9, $0xF  }
0xac: {  	v13 =	vld [tilespmem:s24+$0x20]  }
0xad: {  	v14 =	vld [tilespmem:s25+$0x20]  }
0xae: {  	v15 =	vld [tilespmem:s24+$0x30]  }
0xaf: {  	v16 =	vld [tilespmem:s25+$0x30]  }
0xb0: {  	v17 =	vld [tilespmem:s25+$0xFFFFFFC0]  }
0xb1: {  	v18 =	vld [tilespmem:s24+$0xFFFFFFD0]  }
0xb2: {  	v19 =	vld [tilespmem:s25+$0xFFFFFFD0]  }
0xb3: {  	v20 =	vld [tilespmem:s24+$0xFFFFFFC0]  }
0xb4: {  	v21 =	vld [tilespmem:s24+$0xFFFFFFE0]  }
0xb5: {  	v22 =	vld [tilespmem:s25+$0xFFFFFFE0]  }
0xb6: {  	v23 =	vld [tilespmem:s24+$0xFFFFFFF0]  }
0xb7: {  	v43 =	vld [tilespmem:s25+$0xFFFFFFF0];
	v6 =	vmul.f32 v7, v6;
	v42 =	vmul.f32 v11, v8  }
0xb8: {  	v44 =	vmul.f32 v19, v18;
	v17 =	vmul.f32 v17, v20  }
0xb9: {  	v10 =	vadd.f32 v12, v10;
	v45 =	vmul.f32 v14, v13;
	v6 =	vadd.f32 v42, v6  }
0xba: {  	v4 =	vmul.f32 v5, v4;
	v47 =	vmul.f32 v22, v21;
	v46 =	vadd.f32 v44, v17  }
0xbb: {  	v48 =	vmul.f32 v16, v15;
	v6 =	vadd.f32 v45, v6  }
0xbc: {  	v4 =	vadd.f32 v4, v10;
	v8 =	vmul.f32 v43, v23;
	v5 =	vadd.f32 v47, v46  }
0xbd: {  	v6 =	vadd.f32 v48, v6  }
0xbe: {  	(xrf2) =	vadd.scan.msk.f32 $0xffff, v4;
	v49 =	vadd.f32 v8, v5  }
0xbf: {  	(xrf2) =	vadd.scan.msk.f32 $0xffff, v6  }
0xc0: {  	(xrf2) =	vadd.scan.msk.f32 $0xffff, v49;
	_ =	sdelay $0x6  }
0xc1: {  	v50, _, _ =	vpop (xrf2)  }
0xc2: {  	v51, _, _ =	vpop (xrf2)  }
0xc3: {  	v6, _, _ =	vpop (xrf2)  }
0xc4: {  	v52 =	vmov s17;
	v54 =	vmov s8;
	v5 =	vbroadcast v51, $0xF;
	v53, _, _ =	vpop (xrf2)  }
0xc5: {  	v3 =	vsel vm0, v9, v3;
	vm15 =	veq.s32 v52, v1;
	v8 =	vbroadcast v53, $0xF  }
0xc6: {  	s29 =	sshll.u32 s2, $0x4;
	vm1 =	veq.s32 v54, v1;
	v3 =	vsel vm15, v5, v3  }
0xc7: {  	v56 =	vld [tilespmem:s29+$0x80];
	v3 =	vsel vm1, v8, v3  }
0xc8: {  	v55 =	vld [tilespmem:s29+$0x0];
	v3 =	vsub.f32 $0.0e+00, v3;
	_ =	sdelay $0x1  }
0xc9: {  	v3 =	vmul.f32 $1.442695020e+00, v3;
	_ =	sdelay $0x1  }
0xca: {  	(erf) = vpow2.f32 v3;
	_ =	sdelay $0x2  }
0xcb: {  	v57 =	vld.idx.msk [tilespmem:v56+s28+$0x0], $0xffff  }
0xcc: {  	v3 =	vld.idx.msk [tilespmem:v55+s28+$0x0], $0xffff;
	_ =	sdelay $0x4  }
0xcd: {  	v3 =	vmul.f32 v57, v3;
	v58 =	vpop (erf)  }
0xce: {  	v59 =	vadd.f32 $1.000000000e+00, v58  }
0xcf: {  	v3 =	vadd.f32 $9.999999930e-09, v3  }
0xd0: {  	(erf) = vrcp.f32 v59  }
0xd1: {  	(erf) = vrcp.f32 v3;
	_ =	sdelay $0x7  }
0xd2: {  	v3 =	vpop (erf)  }
0xd3: {  	v60 =	vpop (erf)  }
0xd4: {  	v3 =	vmul.f32 v60, v3;
	_ =	sdelay $0x1  }
0xd5: {  	v3 =	vsub.f32 $0.0e+00, v3;
	_ =	sdelay $0x1  }
0xd6: {  	v3 =	vmul.f32 $1.442695020e+00, v3;
	_ =	sdelay $0x1  }
0xd7: {  	(erf) = vpow2.f32 v3;
	_ =	sdelay $0x4  }
0xd8: {  	v3 =	vbroadcast v50, $0xF  }
0xd9: {  	v61 =	vbroadcast v6, $0xF  }
0xda: {  	v2 =	vsel vm15, v3, v2  }
0xdb: {  	v2 =	vsel vm1, v61, v2  }
0xdc: {  	v2 =	vsub.f32 $0.0e+00, v2;
	v3 =	vpop (erf)  }
0xdd: {  	v3 =	vadd.f32 $1.000000000e+00, v3  }
0xde: {  	v2 =	vmul.f32 $1.442695020e+00, v2  }
0xdf: {  	(erf) = vrcp.f32 v3  }
0xe0: {  	(erf) = vpow2.f32 v2;
	_ =	sdelay $0x2  }
0xe1: {  	v3 =	vld.idx.msk [tilespmem:v56+s30+$0x0], $0xffff  }
0xe2: {  	v2 =	vld.idx.msk [tilespmem:v55+s30+$0x0], $0xffff;
	_ =	sdelay $0x3  }
0xe3: {  	v62 =	vpop (erf)  }
0xe4: {  	v2 =	vmul.f32 v3, v2;
	v63 =	vpop (erf)  }
0xe5: {  	v3 =	vadd.f32 $1.000000000e+00, v63  }
0xe6: {  	v2 =	vadd.f32 $9.999999930e-09, v2  }
0xe7: {  	(erf) = vrcp.f32 v3  }
0xe8: {  	(erf) = vrcp.f32 v2;
	_ =	sdelay $0x7  }
0xe9: {  	v2 =	vpop (erf)  }
0xea: {  	v3 =	vpop (erf)  }
0xeb: {  	v2 =	vmul.f32 v3, v2;
	_ =	sdelay $0x1  }
0xec: {  	v2 =	vsub.f32 $0.0e+00, v2;
	_ =	sdelay $0x1  }
0xed: {  	v2 =	vmul.f32 $1.442695020e+00, v2;
	_ =	sdelay $0x1  }
0xee: {  	(erf) = vpow2.f32 v2;
	_ =	sdelay $0x8  }
0xef: {  	v2 =	vpop (erf)  }
0xf0: {  	v2 =	vadd.f32 $1.000000000e+00, v2;
	_ =	sdelay $0x1  }
0xf1: {  	(erf) = vrcp.f32 v2;
	_ =	sdelay $0x5  }
0xf2: {  	s2 =	sadd.s32 $0x1, s2  }
0xf3: {  	p2 =	sne.s32 s2, $0x8  }
.Ltmp2:
0xf4: {  	_ = 	snop;
	(pc) =	sbr.rel @p2 .LBB2_5-.Ltmp2, $4  }
0xf5: {  	[tilespmem:s29+$0x1A200] =	vst v62;
	v2 =	vpop (erf)  }
0xf6: {  	[tilespmem:s29+$0x1A280] =	vst v2  }
0xf7: {  	[tilespmem:v56+s19+$0x0] =	vst.idx.add.f32.msk $0xffff, v62  }
0xf8: {  	s1 =	sadd.s32 $0x800, s1;
	s7 =	sadd.s32 $0x800, s7;
	[tilespmem:v56+s20+$0x0] =	vst.idx.add.f32.msk $0xffff, v2  }
0xf9: {  	s7 =	sshll.u32 s31, $0x8  }
0xfa: {  	s1 =	sadd.s32 s10, s7  }
0xfb: {  	s1 =	sshrl.u32 s1, $0x3  }
0xfc: {  	s8 =	simm.s32 $0x1A200;
	s2 =	sadd.s32 s9, s1  }
0xfd: {  	[hbm4b:s2+s3] =	stream.linear.scatter [tilespmem:s8], [sflag:$0x5], $0x80, $0x38;
	[tilespmem:$0x1AA70] =	vst v63  }
0xfe: {  	s29 =	simm.s32 $0x1A280;
	p2 =	seq.s32 s31, $0x26;
	s1 =	sadd.s32 s11, s1  }
0xff: {  	[hbm4b:s1+s3] =	stream.linear.scatter [tilespmem:s29], [sflag:$0x5], $0x80, $0x38;
	[tilespmem:$0x1AA70] =	vst v63  }
0x100: {  	s1 =	sadd.s32 @!p2 s7, s18  }
0x101: {  	s1 =	sshrl.u32 @!p2 s1, $0x3  }
0x102: {  	s8 =	simm.s32 @!p2 $0x0;
	s2 =	sadd.s32 @!p2 s5, s1  }
0x103: {  	[tilespmem:s8], [sflag:$0x3] =	stream.linear.gather @!p2 [hbm4b:s2+s8], $0x80, $0x38;
	[tilespmem:$0x1AA70] =	vst v63  }
0x104: {  	s1 =	sadd.s32 @!p2 s6, s1;
	s2 =	simm.s32 @!p2 $0x80  }
0x105: {  	[tilespmem:s2], [sflag:$0x3] =	stream.linear.gather @!p2 [hbm4b:s1+s8], $0x80, $0x38;
	[tilespmem:$0x1AA70] =	vst v63  }
0x106: {  	s1 =	simm.s32 @!p2 $0x3  }
0x107: {  	_ =	swait.ge @!p2 [sflag:s1], $0x80  }
0x108: {  	[sflag:s1] =	ssyncset.done @!p2 $0x0  }
0x109: {  	[sflag:s1] =	ssyncadd.s32 @!p2 $0xFFFFFF80  }
0x10a: {  	_ =	swait.ge @!p2 [sflag:s1], $0x80  }
0x10b: {  	[sflag:s1] =	ssyncset.done @!p2 $0x0  }
0x10c: {  	[sflag:s1] =	ssyncadd.s32 @!p2 $0xFFFFFF80;
	s1 =	simm.s32 @!p2 $0x200  }
0x10d: {  	[tilespmem:s1], [sflag:$0x1] =	stream.indirect.gather @!p2 [hbm4b:s4+s2], $0x80, s8, s2, $0xb8;
	[tilespmem:$0x1AA70] =	vst v63  }
0x10e: {  	s1 =	simm.s32 @!p2 $0x4200  }
0x10f: {  	[tilespmem:s1], [sflag:$0x1] =	stream.indirect.gather @!p2 [hbm4b:s4+s2], $0x80, s2, s2, $0xb8;
	[tilespmem:$0x1AA70] =	vst v63  }
0x110: {  	_ =	swait.ge [sflag:s23], $0x4000  }
0x111: {  	[sflag:s23] =	ssyncset.done $0x0  }
0x112: {  	[sflag:s23] =	ssyncadd.s32 $0xFFFFC000  }
0x113: {  	_ =	swait.ge [sflag:s23], $0x4000  }
0x114: {  	[sflag:s23] =	ssyncset.done $0x0  }
0x115: {  	s1 =	simm.s32 @!p1 $0x5;
	[sflag:s23] =	ssyncadd.s32 $0xFFFFC000  }
0x116: {  	_ =	swait.ge @!p1 [sflag:s1], $0x80  }
0x117: {  	[sflag:s1] =	ssyncset.done @!p1 $0x0  }
0x118: {  	[sflag:s1] =	ssyncadd.s32 @!p1 $0xFFFFFF80  }
0x119: {  	_ =	swait.ge @!p1 [sflag:s1], $0x80  }
0x11a: {  	s17 =	simm.s32 $0xC240;
	s8 =	simm.s32 $0x0;
	[sflag:s1] =	ssyncset.done @!p1 $0x0  }
0x11b: {  	s2 =	simm.s32 $0x8240;
	[sflag:s1] =	ssyncadd.s32 @!p1 $0xFFFFFF80;
	s1 =	simm.s32 $0x0  }
.LBB2_9:
0x11c: {  	v2 =	vld [tilespmem:s2+$0x0]  }
0x11d: {  	v3 =	vld [tilespmem:s17+$0x0]  }
0x11e: {  	v4 =	vld [tilespmem:s2+$0x10]  }
0x11f: {  	v5 =	vld [tilespmem:s17+$0x10]  }
0x120: {  	v6 =	vld [tilespmem:s2+$0x20]  }
0x121: {  	v7 =	vld [tilespmem:s17+$0x20]  }
0x122: {  	v8 =	vld [tilespmem:s2+$0x30]  }
0x123: {  	v9 =	vld [tilespmem:s17+$0x30]  }
0x124: {  	v10 =	vld [tilespmem:s17+$0xFFFFFFC0]  }
0x125: {  	v11 =	vld [tilespmem:s2+$0xFFFFFFD0]  }
0x126: {  	v12 =	vld [tilespmem:s17+$0xFFFFFFD0]  }
0x127: {  	v13 =	vld [tilespmem:s2+$0xFFFFFFC0]  }
0x128: {  	v14 =	vld [tilespmem:s2+$0xFFFFFFE0]  }
0x129: {  	v2 =	vmul.f32 v3, v2;
	v3 =	vmul.f32 v5, v4;
	v4 =	vld [tilespmem:s17+$0xFFFFFFE0]  }
0x12a: {  	s21 =	sadd.s32 $0x80, s2;
	v5 =	vld [tilespmem:s2+$0xFFFFFFF0]  }
0x12b: {  	s22 =	sadd.s32 $0x80, s17;
	v8 =	vmul.f32 v9, v8;
	v9 =	vld [tilespmem:s21+$0x10]  }
0x12c: {  	v10 =	vmul.f32 v10, v13;
	v13 =	vld [tilespmem:s22+$0xFFFFFFD0]  }
0x12d: {  	v2 =	vadd.f32 v3, v2;
	v3 =	vmul.f32 v7, v6;
	v6 =	vld [tilespmem:s17+$0xFFFFFFF0]  }
0x12e: {  	v7 =	vmul.f32 v12, v11;
	v11 =	vld [tilespmem:s21+$0x0]  }
0x12f: {  	v12 =	vld [tilespmem:s21+$0xFFFFFFD0]  }
0x130: {  	v2 =	vadd.f32 v3, v2;
	v3 =	vld [tilespmem:s22+$0x0];
	v7 =	vadd.f32 v7, v10;
	v4 =	vmul.f32 v4, v14  }
0x131: {  	v10 =	vld [tilespmem:s22+$0x10]  }
0x132: {  	v2 =	vadd.f32 v8, v2;
	v8 =	vld [tilespmem:s21+$0x20];
	v4 =	vadd.f32 v4, v7;
	v5 =	vmul.f32 v6, v5  }
0x133: {  	v6 =	vld [tilespmem:s22+$0x20]  }
0x134: {  	(xrf2) =	vadd.scan.msk.f32 $0xffff, v2;
	v2 =	vld [tilespmem:s21+$0x30];
	v4 =	vadd.f32 v5, v4  }
0x135: {  	v5 =	vld [tilespmem:s22+$0x30]  }
0x136: {  	v7 =	vld [tilespmem:s22+$0xFFFFFFC0];
	v3 =	vmul.f32 v3, v11;
	(xrf2) =	vadd.scan.msk.f32 $0xffff, v4;
	v4 =	vmul.f32 v10, v9  }
0x137: {  	v9 =	vld [tilespmem:s21+$0xFFFFFFC0]  }
0x138: {  	v14 =	vld [tilespmem:s22+$0xFFFFFFE0];
	v6 =	vmul.f32 v6, v8;
	v3 =	vadd.f32 v4, v3  }
0x139: {  	v11 =	vld [tilespmem:s21+$0xFFFFFFE0]  }
0x13a: {  	v2 =	vmul.f32 v5, v2;
	v3 =	vadd.f32 v6, v3;
	_ =	sdelay $0x1  }
0x13b: {  	v4 =	vld [tilespmem:s21+$0xFFFFFFF0];
	v9 =	vmul.f32 v7, v9;
	v2 =	vadd.f32 v2, v3  }
0x13c: {  	s29 =	sadd.s32 $0x80, s21;
	v10 =	vmul.f32 v13, v12;
	v12 =	vmov s1;
	s21 =	sadd.s32 $0x80, s22;
	v5 =	vld [tilespmem:s22+$0xFFFFFFF0]  }
0x13d: {  	vm0 =	veq.s32 v12, v1;
	v12 =	vmul.f32 v14, v11;
	v11 =	vld [tilespmem:s21+$0x10];
	v8, _, _ =	vpop (xrf2);
	(xrf2) =	vadd.scan.msk.f32 $0xffff, v2  }
0x13e: {  	v6 =	vld [tilespmem:s29+$0x0];
	v13 =	vbroadcast v8, $0xF  }
0x13f: {  	v7 =	vld [tilespmem:s21+$0x0];
	v3 =	vimm.f32 $0.0e+00;
	v10 =	vadd.f32 v10, v9;
	v9, _, _ =	vpop (xrf2)  }
0x140: {  	s25 =	simm.s32 $0x1;
	s24 =	simm.s32 $0x2;
	s22 =	simm.s32 $0x3;
	v8 =	vld [tilespmem:s29+$0x10];
	v2 =	vsel vm0, v13, v3;
	v9 =	vbroadcast v9, $0xF  }
.LBB2_10:
0x141: {  	p1 =	sne.s32 s22, $0xF;
	v13 =	vld [tilespmem:s29+$0x20];
	v10 =	vadd.f32 v12, v10;
	v4 =	vmul.f32 v5, v4  }
0x142: {  	v5 =	vld [tilespmem:s21+$0x20];
	v3 =	vsel vm0, v9, v3  }
0x143: {  	v9 =	vld [tilespmem:s29+$0x30];
	v4 =	vadd.f32 v4, v10  }
0x144: {  	v10 =	vld [tilespmem:s21+$0x30]  }
0x145: {  	v14 =	vmul.f32 v7, v6;
	v12 =	vld [tilespmem:s21+$0xFFFFFFC0];
	v7 =	vmul.f32 v11, v8;
	(xrf2) =	vadd.scan.msk.f32 $0xffff, v4  }
0x146: {  	v8 =	vld [tilespmem:s29+$0xFFFFFFD0]  }
0x147: {  	v11 =	vld [tilespmem:s21+$0xFFFFFFD0];
	v4 =	vadd.f32 v7, v14;
	v5 =	vmul.f32 v5, v13;
	v6, _, _ =	vpop (xrf2)  }
0x148: {  	v13 =	vmov s25;
	s25 =	smov.u32 s24;
	s24 =	smov.u32 s22;
	v7 =	vld [tilespmem:s29+$0xFFFFFFC0];
	v6 =	vbroadcast v6, $0xF  }
0x149: {  	vm0 =	veq.s32 v13, v1;
	v14 =	vld [tilespmem:s29+$0xFFFFFFE0];
	v5 =	vadd.f32 v5, v4;
	v9 =	vmul.f32 v10, v9  }
0x14a: {  	v13 =	vld [tilespmem:s21+$0xFFFFFFE0];
	v2 =	vsel vm0, v6, v2  }
0x14b: {  	v4 =	vld [tilespmem:s29+$0xFFFFFFF0];
	v9 =	vadd.f32 v9, v5  }
.Ltmp3:
0x14c: {  	s29 =	sadd.s32 $0x80, s29;
	v10 =	vmul.f32 v11, v8;
	v5 =	vld [tilespmem:s21+$0xFFFFFFF0];
	(pc) =	sbr.rel @p1 .LBB2_10-.Ltmp3, $4  }
0x14d: {  	s21 =	sadd.s32 $0x80, s21;
	v6 =	vld [tilespmem:s29+$0x0];
	v11 =	vmul.f32 v12, v7;
	(xrf2) =	vadd.scan.msk.f32 $0xffff, v9  }
0x14e: {  	v7 =	vld [tilespmem:s21+$0x0]  }
0x14f: {  	v8 =	vld [tilespmem:s29+$0x10];
	v10 =	vadd.f32 v10, v11;
	v12 =	vmul.f32 v13, v14;
	v9, _, _ =	vpop (xrf2)  }
0x150: {  	s22 =	sadd.s32 $0x1, s22;
	v11 =	vld [tilespmem:s21+$0x10];
	v9 =	vbroadcast v9, $0xF  }
0x151: {  	v13 =	vld [tilespmem:s29+$0x20]  }
0x152: {  	v14 =	vld [tilespmem:s21+$0x20]  }
0x153: {  	v15 =	vld [tilespmem:s29+$0x30]  }
0x154: {  	v16 =	vld [tilespmem:s21+$0x30]  }
0x155: {  	v17 =	vld [tilespmem:s21+$0xFFFFFFC0]  }
0x156: {  	v18 =	vld [tilespmem:s29+$0xFFFFFFD0]  }
0x157: {  	v19 =	vld [tilespmem:s21+$0xFFFFFFD0]  }
0x158: {  	v20 =	vld [tilespmem:s29+$0xFFFFFFC0]  }
0x159: {  	v21 =	vld [tilespmem:s29+$0xFFFFFFE0]  }
0x15a: {  	v22 =	vld [tilespmem:s21+$0xFFFFFFE0]  }
0x15b: {  	v23 =	vld [tilespmem:s29+$0xFFFFFFF0]  }
0x15c: {  	v43 =	vld [tilespmem:s21+$0xFFFFFFF0];
	v6 =	vmul.f32 v7, v6;
	v42 =	vmul.f32 v11, v8  }
0x15d: {  	v44 =	vmul.f32 v19, v18;
	v17 =	vmul.f32 v17, v20  }
0x15e: {  	v10 =	vadd.f32 v12, v10;
	v45 =	vmul.f32 v14, v13;
	v6 =	vadd.f32 v42, v6  }
0x15f: {  	v4 =	vmul.f32 v5, v4;
	v47 =	vmul.f32 v22, v21;
	v46 =	vadd.f32 v44, v17  }
0x160: {  	v48 =	vmul.f32 v16, v15;
	v6 =	vadd.f32 v45, v6  }
0x161: {  	v4 =	vadd.f32 v4, v10;
	v8 =	vmul.f32 v43, v23;
	v5 =	vadd.f32 v47, v46  }
0x162: {  	v6 =	vadd.f32 v48, v6  }
0x163: {  	(xrf2) =	vadd.scan.msk.f32 $0xffff, v4;
	v49 =	vadd.f32 v8, v5  }
0x164: {  	(xrf2) =	vadd.scan.msk.f32 $0xffff, v6  }
0x165: {  	(xrf2) =	vadd.scan.msk.f32 $0xffff, v49;
	_ =	sdelay $0x6  }
0x166: {  	v50, _, _ =	vpop (xrf2)  }
0x167: {  	v51, _, _ =	vpop (xrf2)  }
0x168: {  	v6, _, _ =	vpop (xrf2)  }
0x169: {  	v52 =	vmov s25;
	v54 =	vmov s24;
	v5 =	vbroadcast v51, $0xF;
	v53, _, _ =	vpop (xrf2)  }
0x16a: {  	v3 =	vsel vm0, v9, v3;
	vm15 =	veq.s32 v52, v1;
	v8 =	vbroadcast v53, $0xF  }
0x16b: {  	s29 =	sshll.u32 s8, $0x4;
	vm1 =	veq.s32 v54, v1;
	v3 =	vsel vm15, v5, v3  }
0x16c: {  	v56 =	vld [tilespmem:s29+$0x180];
	v3 =	vsel vm1, v8, v3  }
0x16d: {  	v55 =	vld [tilespmem:s29+$0x100];
	v3 =	vsub.f32 $0.0e+00, v3;
	_ =	sdelay $0x1  }
0x16e: {  	v3 =	vmul.f32 $1.442695020e+00, v3;
	_ =	sdelay $0x1  }
0x16f: {  	(erf) = vpow2.f32 v3;
	_ =	sdelay $0x2  }
0x170: {  	v57 =	vld.idx.msk [tilespmem:v56+s28+$0x0], $0xffff  }
0x171: {  	v3 =	vld.idx.msk [tilespmem:v55+s28+$0x0], $0xffff;
	_ =	sdelay $0x4  }
0x172: {  	v3 =	vmul.f32 v57, v3;
	v58 =	vpop (erf)  }
0x173: {  	v59 =	vadd.f32 $1.000000000e+00, v58  }
0x174: {  	v3 =	vadd.f32 $9.999999930e-09, v3  }
0x175: {  	(erf) = vrcp.f32 v59  }
0x176: {  	(erf) = vrcp.f32 v3;
	_ =	sdelay $0x7  }
0x177: {  	v3 =	vpop (erf)  }
0x178: {  	v60 =	vpop (erf)  }
0x179: {  	v3 =	vmul.f32 v60, v3;
	_ =	sdelay $0x1  }
0x17a: {  	v3 =	vsub.f32 $0.0e+00, v3;
	_ =	sdelay $0x1  }
0x17b: {  	v3 =	vmul.f32 $1.442695020e+00, v3;
	_ =	sdelay $0x1  }
0x17c: {  	(erf) = vpow2.f32 v3;
	_ =	sdelay $0x4  }
0x17d: {  	v3 =	vbroadcast v50, $0xF  }
0x17e: {  	v61 =	vbroadcast v6, $0xF  }
0x17f: {  	v2 =	vsel vm15, v3, v2  }
0x180: {  	v2 =	vsel vm1, v61, v2  }
0x181: {  	v2 =	vsub.f32 $0.0e+00, v2;
	v3 =	vpop (erf)  }
0x182: {  	v3 =	vadd.f32 $1.000000000e+00, v3  }
0x183: {  	v2 =	vmul.f32 $1.442695020e+00, v2  }
0x184: {  	(erf) = vrcp.f32 v3  }
0x185: {  	(erf) = vpow2.f32 v2;
	_ =	sdelay $0x2  }
0x186: {  	v3 =	vld.idx.msk [tilespmem:v56+s30+$0x0], $0xffff  }
0x187: {  	v2 =	vld.idx.msk [tilespmem:v55+s30+$0x0], $0xffff;
	_ =	sdelay $0x3  }
0x188: {  	v62 =	vpop (erf)  }
0x189: {  	v2 =	vmul.f32 v3, v2;
	v63 =	vpop (erf)  }
0x18a: {  	v3 =	vadd.f32 $1.000000000e+00, v63  }
0x18b: {  	v2 =	vadd.f32 $9.999999930e-09, v2  }
0x18c: {  	(erf) = vrcp.f32 v3  }
0x18d: {  	(erf) = vrcp.f32 v2;
	_ =	sdelay $0x7  }
0x18e: {  	v2 =	vpop (erf)  }
0x18f: {  	v3 =	vpop (erf)  }
0x190: {  	v2 =	vmul.f32 v3, v2;
	_ =	sdelay $0x1  }
0x191: {  	v2 =	vsub.f32 $0.0e+00, v2;
	_ =	sdelay $0x1  }
0x192: {  	v2 =	vmul.f32 $1.442695020e+00, v2;
	_ =	sdelay $0x1  }
0x193: {  	(erf) = vpow2.f32 v2;
	_ =	sdelay $0x8  }
0x194: {  	v2 =	vpop (erf)  }
0x195: {  	v2 =	vadd.f32 $1.000000000e+00, v2;
	_ =	sdelay $0x1  }
0x196: {  	(erf) = vrcp.f32 v2;
	_ =	sdelay $0x5  }
0x197: {  	s8 =	sadd.s32 $0x1, s8  }
0x198: {  	p1 =	sne.s32 s8, $0x8  }
.Ltmp4:
0x199: {  	_ = 	snop;
	(pc) =	sbr.rel @p1 .LBB2_9-.Ltmp4, $4  }
0x19a: {  	[tilespmem:s29+$0x1A300] =	vst v62;
	v2 =	vpop (erf)  }
0x19b: {  	[tilespmem:s29+$0x1A380] =	vst v2  }
0x19c: {  	[tilespmem:v56+s19+$0x0] =	vst.idx.add.f32.msk $0xffff, v62  }
0x19d: {  	s2 =	sadd.s32 $0x800, s2;
	s17 =	sadd.s32 $0x800, s17;
	[tilespmem:v56+s20+$0x0] =	vst.idx.add.f32.msk $0xffff, v2  }
0x19e: {  	s1 =	sadd.s32 s7, s12  }
.Ltmp5:
0x19f: {  	s1 =	sshrl.u32 s1, $0x3;
	(pc) =	sbr.rel @p2 .LBB2_14-.Ltmp5, $4  }
0x1a0: {  	s8 =	simm.s32 $0x1A300;
	s2 =	sadd.s32 s9, s1  }
0x1a1: {  	[hbm4b:s2+s3] =	stream.linear.scatter [tilespmem:s8], [sflag:$0x5], $0x80, $0x38;
	[tilespmem:$0x1AA70] =	vst v63  }
0x1a2: {  	s29 =	simm.s32 $0x1A380;
	s1 =	sadd.s32 s11, s1  }
0x1a3: {  	[hbm4b:s1+s3] =	stream.linear.scatter [tilespmem:s29], [sflag:$0x5], $0x80, $0x38;
	[tilespmem:$0x1AA70] =	vst v63  }
0x1a4: {  	s1 =	sadd.s32 s7, s26  }
0x1a5: {  	s1 =	sshrl.u32 s1, $0x3  }
0x1a6: {  	s2 =	sadd.s32 s5, s1  }
0x1a7: {  	[tilespmem:s14], [sflag:$0x4] =	stream.linear.gather [hbm4b:s2+s3], $0x80, $0x38;
	[tilespmem:$0x1AA70] =	vst v63  }
0x1a8: {  	s1 =	sadd.s32 s6, s1  }
0x1a9: {  	[tilespmem:s15], [sflag:$0x4] =	stream.linear.gather [hbm4b:s1+s3], $0x80, $0x38;
	[tilespmem:$0x1AA70] =	vst v63  }
0x1aa: {  	_ =	swait.ge [sflag:s16], $0x80  }
0x1ab: {  	[sflag:s16] =	ssyncset.done $0x0  }
0x1ac: {  	[sflag:s16] =	ssyncadd.s32 $0xFFFFFF80  }
0x1ad: {  	_ =	swait.ge [sflag:s16], $0x80  }
.Ltmp6:
0x1ae: {  	[sflag:s16] =	ssyncset.done $0x0;
	(pc) =	sbr.rel .LBB2_4-.Ltmp6, $4  }
0x1af: {  	s25 =	simm.s32 $0x8200;
	[sflag:s16] =	ssyncadd.s32 $0xFFFFFF80  }
0x1b0: {  	[tilespmem:s25], [sflag:$0x2] =	stream.indirect.gather [hbm4b:s4+s0], $0x80, s14, s0, $0xb8;
	[tilespmem:$0x1AA70] =	vst v63  }
0x1b1: {  	s29 =	simm.s32 $0xC200;
	s31 =	sadd.s32 $0x1, s31  }
0x1b2: {  	[tilespmem:s29], [sflag:$0x2] =	stream.indirect.gather [hbm4b:s4+s0], $0x80, s15, s0, $0xb8;
	[tilespmem:$0x1AA70] =	vst v63  }
.LBB2_14:
0x1b3: {  	s1 =	simm.s32 $0x5  }
0x1b4: {  	_ =	swait.ge [sflag:s1], $0x80  }
0x1b5: {  	[sflag:s1] =	ssyncset.done $0x0  }
0x1b6: {  	[sflag:s1] =	ssyncadd.s32 $0xFFFFFF80  }
0x1b7: {  	_ =	swait.ge [sflag:s1], $0x80  }
0x1b8: {  	[sflag:s1] =	ssyncset.done $0x0  }
0x1b9: {  	[sflag:s1] =	ssyncadd.s32 $0xFFFFFF80  }
0x1ba: {  	_ =	swait.ge [sflag:s1], $0x80  }
0x1bb: {  	[sflag:s1] =	ssyncset.done $0x0  }
0x1bc: {  	[sflag:s1] =	ssyncadd.s32 $0xFFFFFF80  }
0x1bd: {  	_ =	swait.ge [sflag:s1], $0x80  }
0x1be: {  	s7 =	simm.s32 $0x1A480;
	s22 =	simm.s32 $0x6;
	[sflag:s1] =	ssyncset.done $0x0  }
0x1bf: {  	s2 =	rddreg [dreg:$0xb];
	[sflag:s1] =	ssyncadd.s32 $0xFFFFFF80;
	s1 =	simm.s32 $0x0  }
0x1c0: {  	[tilespmem:s7], [sflag:$0x6] =	stream.linear.gather [hbm4b:s2+s1], $0x10, $0x38;
	[tilespmem:$0x1AA70] =	vst v63  }
0x1c1: {  	_ =	swait.ge [sflag:s22], $0x10  }
0x1c2: {  	[sflag:s22] =	ssyncset.done $0x0  }
0x1c3: {  	s8 =	simm.s32 $0x1A500;
	s31 =	rddreg [dreg:$0xc];
	[sflag:s22] =	ssyncadd.s32 $0xFFFFFFF0  }
0x1c4: {  	[tilespmem:s8], [sflag:$0x6] =	stream.linear.gather [hbm4b:s31+s1], $0x10, $0x38;
	[tilespmem:$0x1AA70] =	vst v63  }
0x1c5: {  	_ =	swait.ge [sflag:s22], $0x10  }
0x1c6: {  	[sflag:s22] =	ssyncset.done $0x0  }
0x1c7: {  	s25 =	simm.s32 $0x200;
	s17 =	simm.s32 $0x10;
	[sflag:s22] =	ssyncadd.s32 $0xFFFFFFF0  }
0x1c8: {  	[tilespmem:s25], [sflag:$0x6] =	stream.indirect.gather [hbm4b:s4+s17], $0x80, s7, s17, $0xb8;
	[tilespmem:$0x1AA70] =	vst v63  }
0x1c9: {  	_ =	swait.ge [sflag:s22], $0x800  }
0x1ca: {  	[sflag:s22] =	ssyncset.done $0x0  }
0x1cb: {  	s7 =	simm.s32 $0x4200;
	[sflag:s22] =	ssyncadd.s32 $0xFFFFF800  }
0x1cc: {  	[tilespmem:s7], [sflag:$0x6] =	stream.indirect.gather [hbm4b:s4+s17], $0x80, s8, s17, $0xb8;
	[tilespmem:$0x1AA70] =	vst v63  }
0x1cd: {  	_ =	swait.ge [sflag:s22], $0x800  }
0x1ce: {  	[sflag:s22] =	ssyncset.done $0x0  }
0x1cf: {  	s21 =	simm.s32 $0x240;
	[sflag:s22] =	ssyncadd.s32 $0xFFFFF800  }
0x1d0: {  	s24 =	simm.s32 $0x4240;
	v2 =	vld [tilespmem:s21+$0x0]  }
0x1d1: {  	v3 =	vld [tilespmem:s24+$0x0]  }
0x1d2: {  	v4 =	vld [tilespmem:s21+$0x10]  }
0x1d3: {  	v5 =	vld [tilespmem:s24+$0x10]  }
0x1d4: {  	v6 =	vld [tilespmem:s21+$0x20]  }
0x1d5: {  	v7 =	vld [tilespmem:s24+$0x20]  }
0x1d6: {  	v8 =	vld [tilespmem:s21+$0x30]  }
0x1d7: {  	v9 =	vld [tilespmem:s24+$0x30]  }
0x1d8: {  	v10 =	vld [tilespmem:s24+$0xFFFFFFC0]  }
0x1d9: {  	v11 =	vld [tilespmem:s21+$0xFFFFFFD0]  }
0x1da: {  	v12 =	vld [tilespmem:s24+$0xFFFFFFD0]  }
0x1db: {  	v13 =	vld [tilespmem:s21+$0xFFFFFFC0]  }
0x1dc: {  	v14 =	vld [tilespmem:s21+$0xFFFFFFE0]  }
0x1dd: {  	v2 =	vmul.f32 v3, v2;
	v3 =	vmul.f32 v5, v4;
	v4 =	vld [tilespmem:s24+$0xFFFFFFE0]  }
0x1de: {  	s29 =	simm.s32 $0x2C0;
	v5 =	vld [tilespmem:s21+$0xFFFFFFF0]  }
0x1df: {  	s31 =	simm.s32 $0x42C0;
	v8 =	vmul.f32 v9, v8;
	v9 =	vld [tilespmem:s29+$0x10]  }
0x1e0: {  	v10 =	vmul.f32 v10, v13;
	v13 =	vld [tilespmem:s31+$0xFFFFFFD0]  }
0x1e1: {  	v2 =	vadd.f32 v3, v2;
	v3 =	vmul.f32 v7, v6;
	v6 =	vld [tilespmem:s24+$0xFFFFFFF0]  }
0x1e2: {  	v7 =	vmul.f32 v12, v11;
	v11 =	vld [tilespmem:s29+$0x0]  }
0x1e3: {  	v12 =	vld [tilespmem:s29+$0xFFFFFFD0]  }
0x1e4: {  	v2 =	vadd.f32 v3, v2;
	v3 =	vld [tilespmem:s31+$0x0];
	v7 =	vadd.f32 v7, v10;
	v4 =	vmul.f32 v4, v14  }
0x1e5: {  	v10 =	vld [tilespmem:s31+$0x10]  }
0x1e6: {  	v2 =	vadd.f32 v8, v2;
	v8 =	vld [tilespmem:s29+$0x20];
	v4 =	vadd.f32 v4, v7;
	v5 =	vmul.f32 v6, v5  }
0x1e7: {  	v6 =	vld [tilespmem:s31+$0x20]  }
0x1e8: {  	(xrf2) =	vadd.scan.msk.f32 $0xffff, v2;
	v2 =	vld [tilespmem:s29+$0x30];
	v4 =	vadd.f32 v5, v4  }
0x1e9: {  	v5 =	vld [tilespmem:s31+$0x30]  }
0x1ea: {  	v7 =	vld [tilespmem:s31+$0xFFFFFFC0];
	v3 =	vmul.f32 v3, v11;
	(xrf2) =	vadd.scan.msk.f32 $0xffff, v4;
	v4 =	vmul.f32 v10, v9  }
0x1eb: {  	v9 =	vld [tilespmem:s29+$0xFFFFFFC0]  }
0x1ec: {  	v14 =	vld [tilespmem:s31+$0xFFFFFFE0];
	v6 =	vmul.f32 v6, v8;
	v3 =	vadd.f32 v4, v3  }
0x1ed: {  	v11 =	vld [tilespmem:s29+$0xFFFFFFE0]  }
0x1ee: {  	v2 =	vmul.f32 v5, v2;
	v3 =	vadd.f32 v6, v3;
	_ =	sdelay $0x1  }
0x1ef: {  	v4 =	vld [tilespmem:s29+$0xFFFFFFF0];
	v9 =	vmul.f32 v7, v9;
	v2 =	vadd.f32 v2, v3  }
0x1f0: {  	s8 =	simm.s32 $0x4340;
	v10 =	vmul.f32 v13, v12;
	v12 =	vmov s1;
	v5 =	vld [tilespmem:s31+$0xFFFFFFF0]  }
0x1f1: {  	s7 =	simm.s32 $0x340;
	vm0 =	veq.s32 v12, v1;
	v12 =	vmul.f32 v14, v11;
	v11 =	vld [tilespmem:s8+$0x10];
	v8, _, _ =	vpop (xrf2);
	(xrf2) =	vadd.scan.msk.f32 $0xffff, v2  }
0x1f2: {  	v6 =	vld [tilespmem:s7+$0x0];
	v13 =	vbroadcast v8, $0xF  }
0x1f3: {  	s2 =	simm.s32 $0x1;
	v7 =	vld [tilespmem:s8+$0x0];
	v3 =	vimm.f32 $0.0e+00;
	v10 =	vadd.f32 v10, v9;
	v9, _, _ =	vpop (xrf2)  }
0x1f4: {  	s17 =	simm.s32 $0x3;
	s24 =	simm.s32 $0x1A400;
	s1 =	simm.s32 $0x2;
	v8 =	vld [tilespmem:s7+$0x10];
	v2 =	vsel vm0, v13, v3;
	v9 =	vbroadcast v9, $0xF  }
.LBB2_15:
0x1f5: {  	p1 =	sne.s32 s17, $0xF;
	v13 =	vld [tilespmem:s7+$0x20];
	v10 =	vadd.f32 v12, v10;
	v4 =	vmul.f32 v5, v4  }
0x1f6: {  	v5 =	vld [tilespmem:s8+$0x20];
	v3 =	vsel vm0, v9, v3  }
0x1f7: {  	v9 =	vld [tilespmem:s7+$0x30];
	v4 =	vadd.f32 v4, v10  }
0x1f8: {  	v10 =	vld [tilespmem:s8+$0x30]  }
0x1f9: {  	v14 =	vmul.f32 v7, v6;
	v12 =	vld [tilespmem:s8+$0xFFFFFFC0];
	v7 =	vmul.f32 v11, v8;
	(xrf2) =	vadd.scan.msk.f32 $0xffff, v4  }
0x1fa: {  	v8 =	vld [tilespmem:s7+$0xFFFFFFD0]  }
0x1fb: {  	v11 =	vld [tilespmem:s8+$0xFFFFFFD0];
	v4 =	vadd.f32 v7, v14;
	v5 =	vmul.f32 v5, v13;
	v6, _, _ =	vpop (xrf2)  }
0x1fc: {  	v13 =	vmov s2;
	s2 =	smov.u32 s1;
	s1 =	smov.u32 s17;
	v7 =	vld [tilespmem:s7+$0xFFFFFFC0];
	v6 =	vbroadcast v6, $0xF  }
0x1fd: {  	vm0 =	veq.s32 v13, v1;
	v14 =	vld [tilespmem:s7+$0xFFFFFFE0];
	v5 =	vadd.f32 v5, v4;
	v9 =	vmul.f32 v10, v9  }
0x1fe: {  	v13 =	vld [tilespmem:s8+$0xFFFFFFE0];
	v2 =	vsel vm0, v6, v2  }
0x1ff: {  	v4 =	vld [tilespmem:s7+$0xFFFFFFF0];
	v9 =	vadd.f32 v9, v5  }
.Ltmp7:
0x200: {  	s7 =	sadd.s32 $0x80, s7;
	v10 =	vmul.f32 v11, v8;
	v5 =	vld [tilespmem:s8+$0xFFFFFFF0];
	(pc) =	sbr.rel @p1 .LBB2_15-.Ltmp7, $4  }
0x201: {  	s8 =	sadd.s32 $0x80, s8;
	v6 =	vld [tilespmem:s7+$0x0];
	v11 =	vmul.f32 v12, v7;
	(xrf2) =	vadd.scan.msk.f32 $0xffff, v9  }
0x202: {  	v7 =	vld [tilespmem:s8+$0x0]  }
0x203: {  	v8 =	vld [tilespmem:s7+$0x10];
	v10 =	vadd.f32 v10, v11;
	v12 =	vmul.f32 v13, v14;
	v9, _, _ =	vpop (xrf2)  }
0x204: {  	s17 =	sadd.s32 $0x1, s17;
	v11 =	vld [tilespmem:s8+$0x10];
	v9 =	vbroadcast v9, $0xF  }
0x205: {  	v13 =	vld [tilespmem:s7+$0x20]  }
0x206: {  	v14 =	vld [tilespmem:s8+$0x20]  }
0x207: {  	v15 =	vld [tilespmem:s7+$0x30]  }
0x208: {  	v16 =	vld [tilespmem:s8+$0x30]  }
0x209: {  	v17 =	vld [tilespmem:s8+$0xFFFFFFC0]  }
0x20a: {  	v18 =	vld [tilespmem:s7+$0xFFFFFFD0]  }
0x20b: {  	v19 =	vld [tilespmem:s8+$0xFFFFFFD0]  }
0x20c: {  	v20 =	vld [tilespmem:s7+$0xFFFFFFC0]  }
0x20d: {  	v21 =	vld [tilespmem:s7+$0xFFFFFFE0]  }
0x20e: {  	v22 =	vld [tilespmem:s8+$0xFFFFFFE0]  }
0x20f: {  	v23 =	vld [tilespmem:s7+$0xFFFFFFF0]  }
0x210: {  	v43 =	vld [tilespmem:s8+$0xFFFFFFF0];
	v6 =	vmul.f32 v7, v6;
	v42 =	vmul.f32 v11, v8  }
0x211: {  	v44 =	vmul.f32 v19, v18;
	v17 =	vmul.f32 v17, v20  }
0x212: {  	v10 =	vadd.f32 v12, v10;
	v45 =	vmul.f32 v14, v13;
	v6 =	vadd.f32 v42, v6  }
0x213: {  	v4 =	vmul.f32 v5, v4;
	v47 =	vmul.f32 v22, v21;
	v46 =	vadd.f32 v44, v17  }
0x214: {  	v48 =	vmul.f32 v16, v15;
	v6 =	vadd.f32 v45, v6  }
0x215: {  	v4 =	vadd.f32 v4, v10;
	v8 =	vmul.f32 v43, v23;
	v5 =	vadd.f32 v47, v46  }
0x216: {  	v6 =	vadd.f32 v48, v6  }
0x217: {  	(xrf2) =	vadd.scan.msk.f32 $0xffff, v4;
	v49 =	vadd.f32 v8, v5  }
0x218: {  	(xrf2) =	vadd.scan.msk.f32 $0xffff, v6  }
0x219: {  	(xrf2) =	vadd.scan.msk.f32 $0xffff, v49;
	_ =	sdelay $0x6  }
0x21a: {  	v50, _, _ =	vpop (xrf2)  }
0x21b: {  	v51, _, _ =	vpop (xrf2)  }
0x21c: {  	v6, _, _ =	vpop (xrf2)  }
0x21d: {  	v52 =	vmov s2;
	v54 =	vmov s1;
	v5 =	vbroadcast v51, $0xF;
	v53, _, _ =	vpop (xrf2)  }
0x21e: {  	v3 =	vsel vm0, v9, v3;
	vm15 =	veq.s32 v52, v1;
	v8 =	vbroadcast v53, $0xF  }
0x21f: {  	vm1 =	veq.s32 v54, v1;
	v3 =	vsel vm15, v5, v3  }
0x220: {  	v56 =	vld [tilespmem:$0x1A500];
	v3 =	vsel vm1, v8, v3  }
0x221: {  	v55 =	vld [tilespmem:$0x1A480];
	v3 =	vsub.f32 $0.0e+00, v3;
	_ =	sdelay $0x1  }
0x222: {  	v3 =	vmul.f32 $1.442695020e+00, v3;
	_ =	sdelay $0x1  }
0x223: {  	(erf) = vpow2.f32 v3;
	_ =	sdelay $0x2  }
0x224: {  	v57 =	vld.idx.msk [tilespmem:v56+s28+$0x0], $0xffff  }
0x225: {  	v3 =	vld.idx.msk [tilespmem:v55+s28+$0x0], $0xffff;
	_ =	sdelay $0x4  }
0x226: {  	v3 =	vmul.f32 v57, v3;
	v58 =	vpop (erf)  }
0x227: {  	v59 =	vadd.f32 $1.000000000e+00, v58  }
0x228: {  	v3 =	vadd.f32 $9.999999930e-09, v3  }
0x229: {  	(erf) = vrcp.f32 v59  }
0x22a: {  	(erf) = vrcp.f32 v3;
	_ =	sdelay $0x7  }
0x22b: {  	v3 =	vpop (erf)  }
0x22c: {  	v60 =	vpop (erf)  }
0x22d: {  	v3 =	vmul.f32 v60, v3;
	_ =	sdelay $0x1  }
0x22e: {  	v3 =	vsub.f32 $0.0e+00, v3;
	_ =	sdelay $0x1  }
0x22f: {  	v3 =	vmul.f32 $1.442695020e+00, v3;
	_ =	sdelay $0x1  }
0x230: {  	(erf) = vpow2.f32 v3;
	_ =	sdelay $0x4  }
0x231: {  	v3 =	vbroadcast v50, $0xF  }
0x232: {  	v61 =	vbroadcast v6, $0xF  }
0x233: {  	v2 =	vsel vm15, v3, v2  }
0x234: {  	v2 =	vsel vm1, v61, v2  }
0x235: {  	v2 =	vsub.f32 $0.0e+00, v2;
	v3 =	vpop (erf)  }
0x236: {  	v3 =	vadd.f32 $1.000000000e+00, v3  }
0x237: {  	v2 =	vmul.f32 $1.442695020e+00, v2  }
0x238: {  	(erf) = vrcp.f32 v3  }
0x239: {  	(erf) = vpow2.f32 v2;
	_ =	sdelay $0x2  }
0x23a: {  	v3 =	vld.idx.msk [tilespmem:v56+s30+$0x0], $0xffff  }
0x23b: {  	v2 =	vld.idx.msk [tilespmem:v55+s30+$0x0], $0xffff;
	_ =	sdelay $0x3  }
0x23c: {  	v62 =	vpop (erf)  }
0x23d: {  	v2 =	vmul.f32 v3, v2;
	v63 =	vpop (erf)  }
0x23e: {  	v3 =	vadd.f32 $1.000000000e+00, v63  }
0x23f: {  	v2 =	vadd.f32 $9.999999930e-09, v2  }
0x240: {  	(erf) = vrcp.f32 v3  }
0x241: {  	(erf) = vrcp.f32 v2;
	_ =	sdelay $0x7  }
0x242: {  	v2 =	vpop (erf)  }
0x243: {  	v3 =	vpop (erf)  }
0x244: {  	v2 =	vmul.f32 v3, v2;
	_ =	sdelay $0x1  }
0x245: {  	v2 =	vsub.f32 $0.0e+00, v2;
	_ =	sdelay $0x1  }
0x246: {  	v2 =	vmul.f32 $1.442695020e+00, v2;
	_ =	sdelay $0x1  }
0x247: {  	(erf) = vpow2.f32 v2;
	_ =	sdelay $0x8  }
0x248: {  	v2 =	vpop (erf)  }
0x249: {  	v2 =	vadd.f32 $1.000000000e+00, v2;
	_ =	sdelay $0x1  }
0x24a: {  	(erf) = vrcp.f32 v2;
	_ =	sdelay $0x8  }
0x24b: {  	[tilespmem:$0x1A200] =	vst v62;
	v2 =	vpop (erf)  }
0x24c: {  	[tilespmem:$0x1A280] =	vst v2  }
0x24d: {  	[tilespmem:v56+s19+$0x0] =	vst.idx.add.f32.msk $0xffff, v62  }
0x24e: {  	s29 =	rddreg [dreg:$0xd];
	s31 =	simm.s32 $0x1A200;
	[tilespmem:v56+s20+$0x0] =	vst.idx.add.f32.msk $0xffff, v2  }
0x24f: {  	[hbm4b:s29+s3] =	stream.linear.scatter [tilespmem:s31], [sflag:$0x6], $0x10, $0x38;
	[tilespmem:$0x1AA70] =	vst v63  }
0x250: {  	_ =	swait.ge [sflag:s22], $0x10  }
0x251: {  	[sflag:s22] =	ssyncset.done $0x0  }
0x252: {  	s7 =	simm.s32 $0x1A280;
	s2 =	rddreg [dreg:$0xe];
	[sflag:s22] =	ssyncadd.s32 $0xFFFFFFF0  }
0x253: {  	[hbm4b:s2+s3] =	stream.linear.scatter [tilespmem:s7], [sflag:$0x6], $0x10, $0x38;
	[tilespmem:$0x1AA70] =	vst v63  }
0x254: {  	_ =	swait.ge [sflag:s22], $0x10  }
0x255: {  	[sflag:s22] =	ssyncset.done $0x0  }
0x256: {  	[sflag:s22] =	ssyncadd.s32 $0xFFFFFFF0  }
0x257: {  	[bflag:$0x0] =	sbarrier.arrive $0xFFFF  }
0x258: {  	s8 =	simm.s32 $0x4F;
	s17 =	rddreg [dreg:$0x1]  }
0x259: {  	[spmem:s17] =	stream.indirect.scatter.add.f32 [tilespmem:s19], [sflag:$0x6], $0x80, s24, s8, $0xb8;
	[tilespmem:$0x1AA70] =	vst v63  }
0x25a: {  	_ =	swait.ge [sflag:s22], $0x2780  }
0x25b: {  	[sflag:s22] =	ssyncset.done $0x0  }
0x25c: {  	[sflag:s22] =	ssyncadd.s32 $0xFFFFD880  }
0x25d: {  	s21 =	rddreg [dreg:$0x2]  }
0x25e: {  	[spmem:s21] =	stream.indirect.scatter.add.f32 [tilespmem:s20], [sflag:$0x6], $0x80, s24, s8, $0xb8;
	[tilespmem:$0x1AA70] =	vst v63  }
0x25f: {  	_ =	swait.ge [sflag:s22], $0x2780  }
0x260: {  	[sflag:s22] =	ssyncset.done $0x0  }
0x261: {  	[sflag:s22] =	ssyncadd.s32 $0xFFFFD880  }
0x262: {  	[bflag:$0x0] =	sbarrier.arrive $0xFFFF  }
0x263: {  	s2 =	simm.s32 @!p0 $0x1C06;
	s1 =	sshrl.u32 @!p0 s17, $0x3;
	s7 =	rddreg [dreg:$0xf]  }
0x264: {  	[hbm:s7], [sflag:s2] =	dma.local @!p0 [spmem:s1], $0x4F0  }
0x265: {  	s1 =	simm.s32 @!p0 $0x6  }
0x266: {  	_ =	swait.ge @!p0 [sflag:s1], $0x4F0  }
0x267: {  	[sflag:s1] =	ssyncset.done @!p0 $0x0  }
0x268: {  	s7 =	sshrl.u32 @!p0 s21, $0x3;
	s8 =	rddreg [dreg:$0x10];
	[sflag:s1] =	ssyncadd.s32 @!p0 $0xFFFFFB10  }
0x269: {  	[hbm:s8], [sflag:s2] =	dma.local @!p0 [spmem:s7], $0x4F0  }
0x26a: {  	_ =	swait.ge @!p0 [sflag:s1], $0x4F0  }
0x26b: {  	s29 =	rddreg [dreg:$0x12]  }
0x26c: {  	s31 =	rddreg [dreg:$0x11];
	s7 =	sadd.s32 $0x1, s29  }
0x26d: {  	p1 =	sne.s32 s7, s31  }
.Ltmp8:
0x26e: {  	_ = 	snop;
	(pc) =	sbr.rel @p1 .LBB2_1-.Ltmp8, $3  }
0x26f: {  	_ =	sdelay $0x1  }
0x270: {  	[sflag:s1] =	ssyncset.done @!p0 $0x0  }
0x271: {  	[sflag:s1] =	ssyncadd.s32 @!p0 $0xFFFFFB10  }
0x272: {  	_ =	sfence.sel $0x180000  }
0x273: {  	[bflag:$0x0] =	sbarrier.arrive $0xFFFF  }
0x274: {  	_ =	strace $0x90000047  }
0x275: {  	[bflag:$0x2] =	sbarrier.arrive $0xFFFF  }
0x276: {  	s0 =	rddreg [dreg:$0x3]  }
0x277: {  	s0 =	sadd.s32 @!p0 $0x100000, s0  }
0x278: {  	[sflag:s0] =	ssyncadd.tile.s32 @!p0 $0x1;
	_ =	shalt  }
.Lfunc_end2:
_tile_overlayer_lowered:
.L_overlay_start_2:
0x279: {  	(tag) =	ssettag $0x2  }
0x27a: {  	s0 =	rddreg [dreg:$0x0];
	s2 =	stileid.u32  }
0x27b: {  	s1 =	rddreg [dreg:$0x1];
	p0 =	sne.s32 s2, $0x0  }
0x27c: {  	s3 =	rddreg [dreg:$0x2];
	[bflag:$0x3] =	sbarrier.arrive $0xFFFF;
	s2 =	simm.s32 @!p0 $0x1C06  }
0x27d: {  	[timem:s3], [sflag:s2] =	dma.local @!p0 [hbm:s0], s1  }
0x27e: {  	s0 =	simm.s32 @!p0 $0x6  }
0x27f: {  	_ =	swait.ge @!p0 [sflag:s0], s1  }
0x280: {  	s1 =	ssub.s32 @!p0 $0x0, s1;
	[sflag:s0] =	ssyncset.done @!p0 $0x0  }
0x281: {  	[sflag:s0] =	ssyncadd.s32 @!p0 s1  }
0x282: {  	[bflag:$0x3] =	sbarrier.arrive $0xFFFF  }
0x283: {  	_ =	shalt  }

</sc_bundles>
